<compile_context>
chip_gen: v7x
topology: tpu7x:2x2x1
jax: 0.10.2.dev20260603
libtpu: 0.0.44.dev20260713+nightly
codegen_flags: <defaults>
</compile_context>

<pallas_src>
import functools

import jax
import jax.numpy as jnp
from jax import lax
from jax.experimental import pallas as pl
from jax.experimental.pallas import tpu as pltpu
from jax.experimental.pallas import tpu_sc as plsc

_E = 16
_H = 1024
_FF = 1024
_ALPHA = 1.702
_LIMIT = 7.0
_NTOK = 128
_NW = 32
_TPW = _NTOK // _NW


def _router_sc(x_ref, rwt_ref, rb_ref, scores_ref, x_v, rwt_v, rb_v, out_v,
               tmp_v):
    c = lax.axis_index("c")
    s = lax.axis_index("s")
    wid = c * 16 + s
    pltpu.sync_copy(x_ref.at[pl.ds(wid * (_TPW * _H), _TPW * _H)], x_v)
    pltpu.sync_copy(rwt_ref, rwt_v)
    pltpu.sync_copy(rb_ref, rb_v)
    for ti in range(_TPW):
        acc0 = rb_v[...]

        def body(hc, acc, ti=ti):
            xv = x_v[pl.ds(ti * _H + hc * 16, 16)]
            for d in range(16):
                h = hc * 16 + d
                acc = acc + xv[d] * rwt_v[pl.ds(h * _E, _E)]
            return acc

        logits = lax.fori_loop(0, _H // 16, body, acc0)
        lanes_f = lax.iota(jnp.int32, _E).astype(jnp.float32)

        def _rot_reduce(vec, op):
            m = vec
            for k in (1, 2, 4, 8):
                tmp_v[pl.ds(0, _E)] = m
                tmp_v[pl.ds(_E, _E)] = m
                m = op(m, tmp_v[pl.ds(k, _E)])
            return m

        m1 = _rot_reduce(logits, jnp.maximum)
        i1 = _rot_reduce(jnp.where(logits == m1, lanes_f, jnp.float32(99.0)),
                         jnp.minimum)
        masked = jnp.where(lanes_f == i1, jnp.float32(-1e30), logits)
        m2 = _rot_reduce(masked, jnp.maximum)
        i2 = _rot_reduce(jnp.where(masked == m2, lanes_f, jnp.float32(99.0)),
                         jnp.minimum)
        tv = jnp.exp(m2 - m1)
        p1 = 1.0 / (1.0 + tv)
        p2 = tv / (1.0 + tv)
        zero = jnp.zeros((_E,), jnp.float32)
        out_v[pl.ds(ti * _E, _E)] = (jnp.where(lanes_f == i1, p1, zero)
                                     + jnp.where(lanes_f == i2, p2, zero))
    pltpu.sync_copy(out_v, scores_ref.at[pl.ds(wid * (_TPW * _E), _TPW * _E)])


_router = functools.partial(
    pl.kernel,
    out_type=jax.ShapeDtypeStruct((_NTOK * _E,), jnp.float32),
    mesh=plsc.VectorSubcoreMesh(core_axis_name="c", subcore_axis_name="s"),
    scratch_types=[
        pltpu.VMEM((_TPW * _H,), jnp.float32),
        pltpu.VMEM((_H * _E,), jnp.float32),
        pltpu.VMEM((_E,), jnp.float32),
        pltpu.VMEM((_TPW * _E,), jnp.float32),
        pltpu.VMEM((2 * _E,), jnp.float32),
    ],
)(_router_sc)


def _round_bf16(a):
    u = jax.lax.bitcast_convert_type(a, jnp.uint32)
    r = (u + jnp.uint32(0x7FFF) + ((u >> 16) & jnp.uint32(1))) \
        & jnp.uint32(0xFFFF0000)
    return jax.lax.bitcast_convert_type(r, jnp.float32)


def _moe_kernel(x_ref, scores_ref, bias_ref, gw_ref, uw_ref, dw_ref, out_ref):
    e = pl.program_id(0)

    x = x_ref[...]
    cols = jax.lax.broadcasted_iota(jnp.int32, (_NTOK, _E), 1)
    s = jnp.sum(jnp.where(cols == e, scores_ref[...], 0.0), axis=1,
                keepdims=True)

    gb = bias_ref[pl.ds(e, 1), 0:_FF]
    ub = bias_ref[pl.ds(e, 1), _FF:2 * _FF]
    db = bias_ref[pl.ds(e, 1), 2 * _FF:2 * _FF + _H]

    gate = jax.lax.dot_general(
        x, gw_ref[0], (((1,), (1,)), ((), ())),
        preferred_element_type=jnp.float32) + gb
    up = jax.lax.dot_general(
        x, uw_ref[0], (((1,), (1,)), ((), ())),
        preferred_element_type=jnp.float32) + ub
    gate = jnp.minimum(gate, _LIMIT)
    up = jnp.clip(up, -_LIMIT, _LIMIT)
    glu = gate * jax.nn.sigmoid(gate * _ALPHA)
    act = (up + 1.0) * glu
    y = jax.lax.dot_general(
        act, dw_ref[0], (((1,), (1,)), ((), ())),
        preferred_element_type=jnp.float32)
    y = (y + db) * s

    @pl.when(e == 0)
    def _init():
        out_ref[...] = y

    @pl.when(e != 0)
    def _acc():
        out_ref[...] += y


def kernel(hidden_states, router_w, router_b, gate_w, gate_b, up_w, up_b,
           down_w, down_b):
    Bn, Tn, Hn = hidden_states.shape
    x = hidden_states.reshape(-1, Hn)
    biases = jnp.concatenate([gate_b, up_b, down_b], axis=1)

    x_r = _round_bf16(x)
    rwt_r = _round_bf16(router_w).T
    scores_flat = _router(x_r.reshape(_NTOK * _H),
                          rwt_r.reshape(_H * _E), router_b)
    scores = scores_flat.reshape(_NTOK, _E)

    out = pl.pallas_call(
        _moe_kernel,
        grid=(_E,),
        in_specs=[
            pl.BlockSpec((_NTOK, _H), lambda e: (0, 0)),
            pl.BlockSpec((_NTOK, _E), lambda e: (0, 0)),
            pl.BlockSpec((_E, 2 * _FF + _H), lambda e: (0, 0)),
            pl.BlockSpec((1, _FF, _H), lambda e: (e, 0, 0)),
            pl.BlockSpec((1, _FF, _H), lambda e: (e, 0, 0)),
            pl.BlockSpec((1, _H, _FF), lambda e: (e, 0, 0)),
        ],
        out_specs=pl.BlockSpec((_NTOK, _H), lambda e: (0, 0)),
        out_shape=jax.ShapeDtypeStruct((_NTOK, _H), jnp.float32),
        compiler_params=pltpu.CompilerParams(
            dimension_semantics=("arbitrary",)),
    )(x, scores, biases, gate_w, up_w, down_w)

    return out.reshape(Bn, Tn, Hn), scores

# --- scband reference (transcript-rebuilt; emitter-appended) ---
"""Pipeline reference for scband-sequential-gptossmo-ev1-16604343566460 (READ-ONLY COPY).

The authoritative reference and input builder live on the scoring server;
editing this copy changes nothing except your own understanding.
"""

import jax, jax.numpy as jnp
import numpy as np

E = 16
TOP_K = 2
H = 1024
FF = 1024
B = 32
T = 4
ALPHA = 1.702
LIMIT = 7.0


def _expert(x, gw, gb, uw, ub, dw, db):
    gate = x @ gw.T + gb
    up = x @ uw.T + ub
    gate = jnp.minimum(gate, LIMIT)
    up = jnp.clip(up, -LIMIT, LIMIT)
    glu = gate * jax.nn.sigmoid(gate * ALPHA)
    act = (up + 1.0) * glu
    return act @ dw.T + db


def setup_inputs(seed: int = 0) -> dict:
    key = jax.random.key(seed)
    ks = jax.random.split(key, 6)
    return {
        "hidden_states": jax.random.normal(ks[0], (B, T, H), dtype=jnp.float32),
        "router_w": jax.random.normal(ks[1], (E, H), dtype=jnp.float32) * 0.02,
        "router_b": jnp.zeros((E,), dtype=jnp.float32),
        "gate_w": jax.random.normal(ks[2], (E, FF, H), dtype=jnp.float32) * 0.02,
        "gate_b": jnp.zeros((E, FF), dtype=jnp.float32),
        "up_w": jax.random.normal(ks[3], (E, FF, H), dtype=jnp.float32) * 0.02,
        "up_b": jnp.zeros((E, FF), dtype=jnp.float32),
        "down_w": jax.random.normal(ks[4], (E, H, FF), dtype=jnp.float32) * 0.02,
        "down_b": jnp.zeros((E, H), dtype=jnp.float32),
    }


def reference(hidden_states, router_w, router_b, gate_w, gate_b, up_w, up_b, down_w, down_b):
    Bn, Tn, Hn = hidden_states.shape
    x = hidden_states.reshape(-1, Hn)
    Ttok = x.shape[0]
    # Router: linear -> top_k -> softmax over selected -> scatter into full score matrix
    logits = x @ router_w.T + router_b
    top_vals, top_idx = jax.lax.top_k(logits, TOP_K)
    probs = jax.nn.softmax(top_vals, axis=-1)
    scores = jnp.zeros((Ttok, E), dtype=x.dtype).at[jnp.arange(Ttok)[:, None], top_idx].set(probs)
    # Expert combine: scores is zero for unselected experts, so weighting by scores
    # reproduces the masked top-k dispatch exactly.
    out = jnp.zeros_like(x)
    for e in range(E):
        y = _expert(x, gate_w[e], gate_b[e], up_w[e], up_b[e], down_w[e], down_b[e])
        out = out + scores[:, e:e + 1] * y
    out = out.reshape(Bn, Tn, Hn)
    return out, scores

if __name__ == "__main__":
    import jax
    _d = setup_inputs()
    print(jax.jit(kernel)(*tuple(_d.values())))

</pallas_src>

<mosaic_0001>
#map = affine_map<(d0, d1) -> (0)>
module attributes {stable_mosaic.version = 14 : i64} {
  func.func @_router_sc(%arg0: i32, %arg1: i32, %arg2: memref<131072xf32, #tpu.memory_space<hbm>>, %arg3: memref<16384xf32, #tpu.memory_space<hbm>>, %arg4: memref<16xf32, #tpu.memory_space<hbm>>, %arg5: memref<2048xf32, #tpu.memory_space<hbm>>, %arg6: memref<4096xf32, #tpu.memory_space<vmem>>, %arg7: memref<16384xf32, #tpu.memory_space<vmem>>, %arg8: memref<16xf32, #tpu.memory_space<vmem>>, %arg9: memref<64xf32, #tpu.memory_space<vmem>>, %arg10: memref<32xf32, #tpu.memory_space<vmem>>) attributes {dimension_semantics = [#tpu.dimension_semantics<core_parallel>, #tpu.dimension_semantics<subcore_parallel>], iteration_bounds = array<i64: 2, 16>, scalar_prefetch = 0 : i64, scratch_operands = 5 : i64, tpu.core_type = #tpu.core_type<sc_vector_subcore>, window_params = [{transform_indices = #map}, {transform_indices = #map}, {transform_indices = #map}, {transform_indices = #map}]} {
    %mul3A = arith.constant 16 : i32
    %mul3A_0 = arith.muli %arg0, %mul3A : i32
    %add3A = arith.addi %mul3A_0, %arg1 : i32
    %mul3A_1 = arith.constant 4096 : i32
    %mul3A_2 = arith.muli %add3A, %mul3A_1 : i32
    "tpu.region"() ({
      %run_scoped3A = tpu.sem_alloc : memref<!tpu.dma_semaphore, #tpu.memory_space<semaphore_mem>>
      %dma_start3A = tpu.memref_slice %arg2[%mul3A_2] : memref<131072xf32, #tpu.memory_space<hbm>> -> memref<4096xf32, #tpu.memory_space<hbm>>
      %dma_start3A_943 = tpu.memref_slice %arg2[%mul3A_2] : memref<131072xf32, #tpu.memory_space<hbm>> -> memref<4096xf32, #tpu.memory_space<hbm>>
      tpu.enqueue_dma source(%dma_start3A_943 : memref<4096xf32, #tpu.memory_space<hbm>>) target(%arg6 : memref<4096xf32, #tpu.memory_space<vmem>>) target_semaphore(%run_scoped3A : memref<!tpu.dma_semaphore, #tpu.memory_space<semaphore_mem>>)
      %dma_wait3A = tpu.memref_slice %arg2[%mul3A_2] : memref<131072xf32, #tpu.memory_space<hbm>> -> memref<4096xf32, #tpu.memory_space<hbm>>
      %dma_wait3A_944 = tpu.memref_slice %arg2[%mul3A_2] : memref<131072xf32, #tpu.memory_space<hbm>> -> memref<4096xf32, #tpu.memory_space<hbm>>
      tpu.wait_dma2 semaphore(%run_scoped3A : memref<!tpu.dma_semaphore, #tpu.memory_space<semaphore_mem>>) src(%dma_wait3A_944 : memref<4096xf32, #tpu.memory_space<hbm>>) dst(%arg6 : memref<4096xf32, #tpu.memory_space<vmem>>)
      tpu.yield
    }) : () -> ()
    "tpu.region"() ({
      %run_scoped3A = tpu.sem_alloc : memref<!tpu.dma_semaphore, #tpu.memory_space<semaphore_mem>>
      tpu.enqueue_dma source(%arg3 : memref<16384xf32, #tpu.memory_space<hbm>>) target(%arg7 : memref<16384xf32, #tpu.memory_space<vmem>>) target_semaphore(%run_scoped3A : memref<!tpu.dma_semaphore, #tpu.memory_space<semaphore_mem>>)
      tpu.wait_dma2 semaphore(%run_scoped3A : memref<!tpu.dma_semaphore, #tpu.memory_space<semaphore_mem>>) src(%arg3 : memref<16384xf32, #tpu.memory_space<hbm>>) dst(%arg7 : memref<16384xf32, #tpu.memory_space<vmem>>)
      tpu.yield
    }) : () -> ()
    "tpu.region"() ({
      %run_scoped3A = tpu.sem_alloc : memref<!tpu.dma_semaphore, #tpu.memory_space<semaphore_mem>>
      tpu.enqueue_dma source(%arg4 : memref<16xf32, #tpu.memory_space<hbm>>) target(%arg8 : memref<16xf32, #tpu.memory_space<vmem>>) target_semaphore(%run_scoped3A : memref<!tpu.dma_semaphore, #tpu.memory_space<semaphore_mem>>)
      tpu.wait_dma2 semaphore(%run_scoped3A : memref<!tpu.dma_semaphore, #tpu.memory_space<semaphore_mem>>) src(%arg4 : memref<16xf32, #tpu.memory_space<hbm>>) dst(%arg8 : memref<16xf32, #tpu.memory_space<vmem>>)
      tpu.yield
    }) : () -> ()
    %get3A = arith.constant 0 : index
    %get3A_3 = tpu.vector_load %arg8[%get3A] {strides = array<i32>} : memref<16xf32, #tpu.memory_space<vmem>>, vector<16xf32>,
    %get3A_4 = vector.shape_cast %get3A_3 : vector<16xf32> to vector<16xf32>
    %scan3A = arith.constant 0 : i32
    %scan3A_5 = arith.constant 64 : i32
    %scan3A_6 = arith.addi %scan3A, %scan3A_5 : i32
    %scan3A_7 = arith.constant 1 : i32
    %scan3A_8 = scf.for %scan3A_943 = %scan3A to %scan3A_6 step %scan3A_7 iter_args(%scan3A_944 = %get3A_4) -> (vector<16xf32>)  : i32 {
      %mul3A_945 = arith.constant 16 : i32
      %mul3A_946 = arith.muli %scan3A_943, %mul3A_945 : i32
      %add3A_947 = arith.constant 0 : i32
      %add3A_948 = arith.addi %add3A_947, %mul3A_946 : i32
      %get3A_949 = arith.index_cast %add3A_948 : i32 to index
      %get3A_950 = tpu.vector_load %arg6[%get3A_949] {strides = array<i32>} : memref<4096xf32, #tpu.memory_space<vmem>>, vector<16xf32>,
      %get3A_951 = vector.shape_cast %get3A_950 : vector<16xf32> to vector<16xf32>
      %mul3A_952 = arith.constant 16 : i32
      %mul3A_953 = arith.muli %scan3A_943, %mul3A_952 : i32
      %add3A_954 = arith.constant 0 : i32
      %add3A_955 = arith.addi %mul3A_953, %add3A_954 : i32
      %slice3A = vector.extract_strided_slice %get3A_951 {offsets = [0], sizes = [1], strides = [1]} : vector<16xf32> to vector<1xf32>
      %squeeze3A = vector.extract %slice3A[0] : f32 from vector<1xf32>
      %mul3A_956 = arith.constant 16 : i32
      %mul3A_957 = arith.muli %add3A_955, %mul3A_956 : i32
      %get3A_958 = arith.index_cast %mul3A_957 : i32 to index
      %get3A_959 = tpu.vector_load %arg7[%get3A_958] {strides = array<i32>} : memref<16384xf32, #tpu.memory_space<vmem>>, vector<16xf32>,
      %get3A_960 = vector.shape_cast %get3A_959 : vector<16xf32> to vector<16xf32>
      %mul3A_961 = vector.broadcast %squeeze3A : f32 to vector<16xf32>
      %mul3A_962 = arith.mulf %mul3A_961, %get3A_960 : vector<16xf32>
      %add3A_963 = arith.addf %scan3A_944, %mul3A_962 : vector<16xf32>
      %mul3A_964 = arith.constant 16 : i32
      %mul3A_965 = arith.muli %scan3A_943, %mul3A_964 : i32
      %add3A_966 = arith.constant 1 : i32
      %add3A_967 = arith.addi %mul3A_965, %add3A_966 : i32
      %slice3A_968 = vector.extract_strided_slice %get3A_951 {offsets = [1], sizes = [1], strides = [1]} : vector<16xf32> to vector<1xf32>
      %squeeze3A_969 = vector.extract %slice3A_968[0] : f32 from vector<1xf32>
      %mul3A_970 = arith.constant 16 : i32
      %mul3A_971 = arith.muli %add3A_967, %mul3A_970 : i32
      %get3A_972 = arith.index_cast %mul3A_971 : i32 to index
      %get3A_973 = tpu.vector_load %arg7[%get3A_972] {strides = array<i32>} : memref<16384xf32, #tpu.memory_space<vmem>>, vector<16xf32>,
      %get3A_974 = vector.shape_cast %get3A_973 : vector<16xf32> to vector<16xf32>
      %mul3A_975 = vector.broadcast %squeeze3A_969 : f32 to vector<16xf32>
      %mul3A_976 = arith.mulf %mul3A_975, %get3A_974 : vector<16xf32>
      %add3A_977 = arith.addf %add3A_963, %mul3A_976 : vector<16xf32>
      %mul3A_978 = arith.constant 16 : i32
      %mul3A_979 = arith.muli %scan3A_943, %mul3A_978 : i32
      %add3A_980 = arith.constant 2 : i32
      %add3A_981 = arith.addi %mul3A_979, %add3A_980 : i32
      %slice3A_982 = vector.extract_strided_slice %get3A_951 {offsets = [2], sizes = [1], strides = [1]} : vector<16xf32> to vector<1xf32>
      %squeeze3A_983 = vector.extract %slice3A_982[0] : f32 from vector<1xf32>
      %mul3A_984 = arith.constant 16 : i32
      %mul3A_985 = arith.muli %add3A_981, %mul3A_984 : i32
      %get3A_986 = arith.index_cast %mul3A_985 : i32 to index
      %get3A_987 = tpu.vector_load %arg7[%get3A_986] {strides = array<i32>} : memref<16384xf32, #tpu.memory_space<vmem>>, vector<16xf32>,
      %get3A_988 = vector.shape_cast %get3A_987 : vector<16xf32> to vector<16xf32>
      %mul3A_989 = vector.broadcast %squeeze3A_983 : f32 to vector<16xf32>
      %mul3A_990 = arith.mulf %mul3A_989, %get3A_988 : vector<16xf32>
      %add3A_991 = arith.addf %add3A_977, %mul3A_990 : vector<16xf32>
      %mul3A_992 = arith.constant 16 : i32
      %mul3A_993 = arith.muli %scan3A_943, %mul3A_992 : i32
      %add3A_994 = arith.constant 3 : i32
      %add3A_995 = arith.addi %mul3A_993, %add3A_994 : i32
      %slice3A_996 = vector.extract_strided_slice %get3A_951 {offsets = [3], sizes = [1], strides = [1]} : vector<16xf32> to vector<1xf32>
      %squeeze3A_997 = vector.extract %slice3A_996[0] : f32 from vector<1xf32>
      %mul3A_998 = arith.constant 16 : i32
      %mul3A_999 = arith.muli %add3A_995, %mul3A_998 : i32
      %get3A_1000 = arith.index_cast %mul3A_999 : i32 to index
      %get3A_1001 = tpu.vector_load %arg7[%get3A_1000] {strides = array<i32>} : memref<16384xf32, #tpu.memory_space<vmem>>, vector<16xf32>,
      %get3A_1002 = vector.shape_cast %get3A_1001 : vector<16xf32> to vector<16xf32>
      %mul3A_1003 = vector.broadcast %squeeze3A_997 : f32 to vector<16xf32>
      %mul3A_1004 = arith.mulf %mul3A_1003, %get3A_1002 : vector<16xf32>
      %add3A_1005 = arith.addf %add3A_991, %mul3A_1004 : vector<16xf32>
      %mul3A_1006 = arith.constant 16 : i32
      %mul3A_1007 = arith.muli %scan3A_943, %mul3A_1006 : i32
      %add3A_1008 = arith.constant 4 : i32
      %add3A_1009 = arith.addi %mul3A_1007, %add3A_1008 : i32
      %slice3A_1010 = vector.extract_strided_slice %get3A_951 {offsets = [4], sizes = [1], strides = [1]} : vector<16xf32> to vector<1xf32>
      %squeeze3A_1011 = vector.extract %slice3A_1010[0] : f32 from vector<1xf32>
      %mul3A_1012 = arith.constant 16 : i32
      %mul3A_1013 = arith.muli %add3A_1009, %mul3A_1012 : i32
      %get3A_1014 = arith.index_cast %mul3A_1013 : i32 to index
      %get3A_1015 = tpu.vector_load %arg7[%get3A_1014] {strides = array<i32>} : memref<16384xf32, #tpu.memory_space<vmem>>, vector<16xf32>,
      %get3A_1016 = vector.shape_cast %get3A_1015 : vector<16xf32> to vector<16xf32>
      %mul3A_1017 = vector.broadcast %squeeze3A_1011 : f32 to vector<16xf32>
      %mul3A_1018 = arith.mulf %mul3A_1017, %get3A_1016 : vector<16xf32>
      %add3A_1019 = arith.addf %add3A_1005, %mul3A_1018 : vector<16xf32>
      %mul3A_1020 = arith.constant 16 : i32
      %mul3A_1021 = arith.muli %scan3A_943, %mul3A_1020 : i32
      %add3A_1022 = arith.constant 5 : i32
      %add3A_1023 = arith.addi %mul3A_1021, %add3A_1022 : i32
      %slice3A_1024 = vector.extract_strided_slice %get3A_951 {offsets = [5], sizes = [1], strides = [1]} : vector<16xf32> to vector<1xf32>
      %squeeze3A_1025 = vector.extract %slice3A_1024[0] : f32 from vector<1xf32>
      %mul3A_1026 = arith.constant 16 : i32
      %mul3A_1027 = arith.muli %add3A_1023, %mul3A_1026 : i32
      %get3A_1028 = arith.index_cast %mul3A_1027 : i32 to index
      %get3A_1029 = tpu.vector_load %arg7[%get3A_1028] {strides = array<i32>} : memref<16384xf32, #tpu.memory_space<vmem>>, vector<16xf32>,
      %get3A_1030 = vector.shape_cast %get3A_1029 : vector<16xf32> to vector<16xf32>
      %mul3A_1031 = vector.broadcast %squeeze3A_1025 : f32 to vector<16xf32>
      %mul3A_1032 = arith.mulf %mul3A_1031, %get3A_1030 : vector<16xf32>
      %add3A_1033 = arith.addf %add3A_1019, %mul3A_1032 : vector<16xf32>
      %mul3A_1034 = arith.constant 16 : i32
      %mul3A_1035 = arith.muli %scan3A_943, %mul3A_1034 : i32
      %add3A_1036 = arith.constant 6 : i32
      %add3A_1037 = arith.addi %mul3A_1035, %add3A_1036 : i32
      %slice3A_1038 = vector.extract_strided_slice %get3A_951 {offsets = [6], sizes = [1], strides = [1]} : vector<16xf32> to vector<1xf32>
      %squeeze3A_1039 = vector.extract %slice3A_1038[0] : f32 from vector<1xf32>
      %mul3A_1040 = arith.constant 16 : i32
      %mul3A_1041 = arith.muli %add3A_1037, %mul3A_1040 : i32
      %get3A_1042 = arith.index_cast %mul3A_1041 : i32 to index
      %get3A_1043 = tpu.vector_load %arg7[%get3A_1042] {strides = array<i32>} : memref<16384xf32, #tpu.memory_space<vmem>>, vector<16xf32>,
      %get3A_1044 = vector.shape_cast %get3A_1043 : vector<16xf32> to vector<16xf32>
      %mul3A_1045 = vector.broadcast %squeeze3A_1039 : f32 to vector<16xf32>
      %mul3A_1046 = arith.mulf %mul3A_1045, %get3A_1044 : vector<16xf32>
      %add3A_1047 = arith.addf %add3A_1033, %mul3A_1046 : vector<16xf32>
      %mul3A_1048 = arith.constant 16 : i32
      %mul3A_1049 = arith.muli %scan3A_943, %mul3A_1048 : i32
      %add3A_1050 = arith.constant 7 : i32
      %add3A_1051 = arith.addi %mul3A_1049, %add3A_1050 : i32
      %slice3A_1052 = vector.extract_strided_slice %get3A_951 {offsets = [7], sizes = [1], strides = [1]} : vector<16xf32> to vector<1xf32>
      %squeeze3A_1053 = vector.extract %slice3A_1052[0] : f32 from vector<1xf32>
      %mul3A_1054 = arith.constant 16 : i32
      %mul3A_1055 = arith.muli %add3A_1051, %mul3A_1054 : i32
      %get3A_1056 = arith.index_cast %mul3A_1055 : i32 to index
      %get3A_1057 = tpu.vector_load %arg7[%get3A_1056] {strides = array<i32>} : memref<16384xf32, #tpu.memory_space<vmem>>, vector<16xf32>,
      %get3A_1058 = vector.shape_cast %get3A_1057 : vector<16xf32> to vector<16xf32>
      %mul3A_1059 = vector.broadcast %squeeze3A_1053 : f32 to vector<16xf32>
      %mul3A_1060 = arith.mulf %mul3A_1059, %get3A_1058 : vector<16xf32>
      %add3A_1061 = arith.addf %add3A_1047, %mul3A_1060 : vector<16xf32>
      %mul3A_1062 = arith.constant 16 : i32
      %mul3A_1063 = arith.muli %scan3A_943, %mul3A_1062 : i32
      %add3A_1064 = arith.constant 8 : i32
      %add3A_1065 = arith.addi %mul3A_1063, %add3A_1064 : i32
      %slice3A_1066 = vector.extract_strided_slice %get3A_951 {offsets = [8], sizes = [1], strides = [1]} : vector<16xf32> to vector<1xf32>
      %squeeze3A_1067 = vector.extract %slice3A_1066[0] : f32 from vector<1xf32>
      %mul3A_1068 = arith.constant 16 : i32
      %mul3A_1069 = arith.muli %add3A_1065, %mul3A_1068 : i32
      %get3A_1070 = arith.index_cast %mul3A_1069 : i32 to index
      %get3A_1071 = tpu.vector_load %arg7[%get3A_1070] {strides = array<i32>} : memref<16384xf32, #tpu.memory_space<vmem>>, vector<16xf32>,
      %get3A_1072 = vector.shape_cast %get3A_1071 : vector<16xf32> to vector<16xf32>
      %mul3A_1073 = vector.broadcast %squeeze3A_1067 : f32 to vector<16xf32>
      %mul3A_1074 = arith.mulf %mul3A_1073, %get3A_1072 : vector<16xf32>
      %add3A_1075 = arith.addf %add3A_1061, %mul3A_1074 : vector<16xf32>
      %mul3A_1076 = arith.constant 16 : i32
      %mul3A_1077 = arith.muli %scan3A_943, %mul3A_1076 : i32
      %add3A_1078 = arith.constant 9 : i32
      %add3A_1079 = arith.addi %mul3A_1077, %add3A_1078 : i32
      %slice3A_1080 = vector.extract_strided_slice %get3A_951 {offsets = [9], sizes = [1], strides = [1]} : vector<16xf32> to vector<1xf32>
      %squeeze3A_1081 = vector.extract %slice3A_1080[0] : f32 from vector<1xf32>
      %mul3A_1082 = arith.constant 16 : i32
      %mul3A_1083 = arith.muli %add3A_1079, %mul3A_1082 : i32
      %get3A_1084 = arith.index_cast %mul3A_1083 : i32 to index
      %get3A_1085 = tpu.vector_load %arg7[%get3A_1084] {strides = array<i32>} : memref<16384xf32, #tpu.memory_space<vmem>>, vector<16xf32>,
      %get3A_1086 = vector.shape_cast %get3A_1085 : vector<16xf32> to vector<16xf32>
      %mul3A_1087 = vector.broadcast %squeeze3A_1081 : f32 to vector<16xf32>
      %mul3A_1088 = arith.mulf %mul3A_1087, %get3A_1086 : vector<16xf32>
      %add3A_1089 = arith.addf %add3A_1075, %mul3A_1088 : vector<16xf32>
      %mul3A_1090 = arith.constant 16 : i32
      %mul3A_1091 = arith.muli %scan3A_943, %mul3A_1090 : i32
      %add3A_1092 = arith.constant 10 : i32
      %add3A_1093 = arith.addi %mul3A_1091, %add3A_1092 : i32
      %slice3A_1094 = vector.extract_strided_slice %get3A_951 {offsets = [10], sizes = [1], strides = [1]} : vector<16xf32> to vector<1xf32>
      %squeeze3A_1095 = vector.extract %slice3A_1094[0] : f32 from vector<1xf32>
      %mul3A_1096 = arith.constant 16 : i32
      %mul3A_1097 = arith.muli %add3A_1093, %mul3A_1096 : i32
      %get3A_1098 = arith.index_cast %mul3A_1097 : i32 to index
      %get3A_1099 = tpu.vector_load %arg7[%get3A_1098] {strides = array<i32>} : memref<16384xf32, #tpu.memory_space<vmem>>, vector<16xf32>,
      %get3A_1100 = vector.shape_cast %get3A_1099 : vector<16xf32> to vector<16xf32>
      %mul3A_1101 = vector.broadcast %squeeze3A_1095 : f32 to vector<16xf32>
      %mul3A_1102 = arith.mulf %mul3A_1101, %get3A_1100 : vector<16xf32>
      %add3A_1103 = arith.addf %add3A_1089, %mul3A_1102 : vector<16xf32>
      %mul3A_1104 = arith.constant 16 : i32
      %mul3A_1105 = arith.muli %scan3A_943, %mul3A_1104 : i32
      %add3A_1106 = arith.constant 11 : i32
      %add3A_1107 = arith.addi %mul3A_1105, %add3A_1106 : i32
      %slice3A_1108 = vector.extract_strided_slice %get3A_951 {offsets = [11], sizes = [1], strides = [1]} : vector<16xf32> to vector<1xf32>
      %squeeze3A_1109 = vector.extract %slice3A_1108[0] : f32 from vector<1xf32>
      %mul3A_1110 = arith.constant 16 : i32
      %mul3A_1111 = arith.muli %add3A_1107, %mul3A_1110 : i32
      %get3A_1112 = arith.index_cast %mul3A_1111 : i32 to index
      %get3A_1113 = tpu.vector_load %arg7[%get3A_1112] {strides = array<i32>} : memref<16384xf32, #tpu.memory_space<vmem>>, vector<16xf32>,
      %get3A_1114 = vector.shape_cast %get3A_1113 : vector<16xf32> to vector<16xf32>
      %mul3A_1115 = vector.broadcast %squeeze3A_1109 : f32 to vector<16xf32>
      %mul3A_1116 = arith.mulf %mul3A_1115, %get3A_1114 : vector<16xf32>
      %add3A_1117 = arith.addf %add3A_1103, %mul3A_1116 : vector<16xf32>
      %mul3A_1118 = arith.constant 16 : i32
      %mul3A_1119 = arith.muli %scan3A_943, %mul3A_1118 : i32
      %add3A_1120 = arith.constant 12 : i32
      %add3A_1121 = arith.addi %mul3A_1119, %add3A_1120 : i32
      %slice3A_1122 = vector.extract_strided_slice %get3A_951 {offsets = [12], sizes = [1], strides = [1]} : vector<16xf32> to vector<1xf32>
      %squeeze3A_1123 = vector.extract %slice3A_1122[0] : f32 from vector<1xf32>
      %mul3A_1124 = arith.constant 16 : i32
      %mul3A_1125 = arith.muli %add3A_1121, %mul3A_1124 : i32
      %get3A_1126 = arith.index_cast %mul3A_1125 : i32 to index
      %get3A_1127 = tpu.vector_load %arg7[%get3A_1126] {strides = array<i32>} : memref<16384xf32, #tpu.memory_space<vmem>>, vector<16xf32>,
      %get3A_1128 = vector.shape_cast %get3A_1127 : vector<16xf32> to vector<16xf32>
      %mul3A_1129 = vector.broadcast %squeeze3A_1123 : f32 to vector<16xf32>
      %mul3A_1130 = arith.mulf %mul3A_1129, %get3A_1128 : vector<16xf32>
      %add3A_1131 = arith.addf %add3A_1117, %mul3A_1130 : vector<16xf32>
      %mul3A_1132 = arith.constant 16 : i32
      %mul3A_1133 = arith.muli %scan3A_943, %mul3A_1132 : i32
      %add3A_1134 = arith.constant 13 : i32
      %add3A_1135 = arith.addi %mul3A_1133, %add3A_1134 : i32
      %slice3A_1136 = vector.extract_strided_slice %get3A_951 {offsets = [13], sizes = [1], strides = [1]} : vector<16xf32> to vector<1xf32>
      %squeeze3A_1137 = vector.extract %slice3A_1136[0] : f32 from vector<1xf32>
      %mul3A_1138 = arith.constant 16 : i32
      %mul3A_1139 = arith.muli %add3A_1135, %mul3A_1138 : i32
      %get3A_1140 = arith.index_cast %mul3A_1139 : i32 to index
      %get3A_1141 = tpu.vector_load %arg7[%get3A_1140] {strides = array<i32>} : memref<16384xf32, #tpu.memory_space<vmem>>, vector<16xf32>,
      %get3A_1142 = vector.shape_cast %get3A_1141 : vector<16xf32> to vector<16xf32>
      %mul3A_1143 = vector.broadcast %squeeze3A_1137 : f32 to vector<16xf32>
      %mul3A_1144 = arith.mulf %mul3A_1143, %get3A_1142 : vector<16xf32>
      %add3A_1145 = arith.addf %add3A_1131, %mul3A_1144 : vector<16xf32>
      %mul3A_1146 = arith.constant 16 : i32
      %mul3A_1147 = arith.muli %scan3A_943, %mul3A_1146 : i32
      %add3A_1148 = arith.constant 14 : i32
      %add3A_1149 = arith.addi %mul3A_1147, %add3A_1148 : i32
      %slice3A_1150 = vector.extract_strided_slice %get3A_951 {offsets = [14], sizes = [1], strides = [1]} : vector<16xf32> to vector<1xf32>
      %squeeze3A_1151 = vector.extract %slice3A_1150[0] : f32 from vector<1xf32>
      %mul3A_1152 = arith.constant 16 : i32
      %mul3A_1153 = arith.muli %add3A_1149, %mul3A_1152 : i32
      %get3A_1154 = arith.index_cast %mul3A_1153 : i32 to index
      %get3A_1155 = tpu.vector_load %arg7[%get3A_1154] {strides = array<i32>} : memref<16384xf32, #tpu.memory_space<vmem>>, vector<16xf32>,
      %get3A_1156 = vector.shape_cast %get3A_1155 : vector<16xf32> to vector<16xf32>
      %mul3A_1157 = vector.broadcast %squeeze3A_1151 : f32 to vector<16xf32>
      %mul3A_1158 = arith.mulf %mul3A_1157, %get3A_1156 : vector<16xf32>
      %add3A_1159 = arith.addf %add3A_1145, %mul3A_1158 : vector<16xf32>
      %mul3A_1160 = arith.constant 16 : i32
      %mul3A_1161 = arith.muli %scan3A_943, %mul3A_1160 : i32
      %add3A_1162 = arith.constant 15 : i32
      %add3A_1163 = arith.addi %mul3A_1161, %add3A_1162 : i32
      %slice3A_1164 = vector.extract_strided_slice %get3A_951 {offsets = [15], sizes = [1], strides = [1]} : vector<16xf32> to vector<1xf32>
      %squeeze3A_1165 = vector.extract %slice3A_1164[0] : f32 from vector<1xf32>
      %mul3A_1166 = arith.constant 16 : i32
      %mul3A_1167 = arith.muli %add3A_1163, %mul3A_1166 : i32
      %get3A_1168 = arith.index_cast %mul3A_1167 : i32 to index
      %get3A_1169 = tpu.vector_load %arg7[%get3A_1168] {strides = array<i32>} : memref<16384xf32, #tpu.memory_space<vmem>>, vector<16xf32>,
      %get3A_1170 = vector.shape_cast %get3A_1169 : vector<16xf32> to vector<16xf32>
      %mul3A_1171 = vector.broadcast %squeeze3A_1165 : f32 to vector<16xf32>
      %mul3A_1172 = arith.mulf %mul3A_1171, %get3A_1170 : vector<16xf32>
      %add3A_1173 = arith.addf %add3A_1159, %mul3A_1172 : vector<16xf32>
      scf.yield %add3A_1173 : vector<16xf32>
    }
    %scan3A_9 = arith.constant 64 : i32
    %iota3A = tpu.iota {dimensions = array<i32: 0>} : vector<16xi32>
    %convert_element_type3A = arith.sitofp %iota3A : vector<16xi32> to vector<16xf32>
    %swap3A = arith.constant 0 : index
    %swap3A_10 = tpu.vector_load %arg10[%swap3A] {strides = array<i32>} : memref<32xf32, #tpu.memory_space<vmem>>, vector<16xf32>,
    %swap3A_11 = vector.shape_cast %swap3A_10 : vector<16xf32> to vector<16xf32>
    %swap3A_12 = vector.shape_cast %scan3A_8 : vector<16xf32> to vector<16xf32>
    tpu.vector_store %arg10[%swap3A], %swap3A_12 {strides = array<i32>} : memref<32xf32, #tpu.memory_space<vmem>>, vector<16xf32>,
    %swap3A_13 = arith.constant 16 : index
    %swap3A_14 = tpu.vector_load %arg10[%swap3A_13] {strides = array<i32>} : memref<32xf32, #tpu.memory_space<vmem>>, vector<16xf32>,
    %swap3A_15 = vector.shape_cast %swap3A_14 : vector<16xf32> to vector<16xf32>
    %swap3A_16 = vector.shape_cast %scan3A_8 : vector<16xf32> to vector<16xf32>
    tpu.vector_store %arg10[%swap3A_13], %swap3A_16 {strides = array<i32>} : memref<32xf32, #tpu.memory_space<vmem>>, vector<16xf32>,
    %get3A_17 = arith.constant 1 : index
    %get3A_18 = tpu.vector_load %arg10[%get3A_17] {strides = array<i32>} : memref<32xf32, #tpu.memory_space<vmem>>, vector<16xf32>,
    %get3A_19 = vector.shape_cast %get3A_18 : vector<16xf32> to vector<16xf32>
    %max3A = arith.maximumf %scan3A_8, %get3A_19 : vector<16xf32>
    %swap3A_20 = arith.constant 0 : index
    %swap3A_21 = tpu.vector_load %arg10[%swap3A_20] {strides = array<i32>} : memref<32xf32, #tpu.memory_space<vmem>>, vector<16xf32>,
    %swap3A_22 = vector.shape_cast %swap3A_21 : vector<16xf32> to vector<16xf32>
    %swap3A_23 = vector.shape_cast %max3A : vector<16xf32> to vector<16xf32>
    tpu.vector_store %arg10[%swap3A_20], %swap3A_23 {strides = array<i32>} : memref<32xf32, #tpu.memory_space<vmem>>, vector<16xf32>,
    %swap3A_24 = arith.constant 16 : index
    %swap3A_25 = tpu.vector_load %arg10[%swap3A_24] {strides = array<i32>} : memref<32xf32, #tpu.memory_space<vmem>>, vector<16xf32>,
    %swap3A_26 = vector.shape_cast %swap3A_25 : vector<16xf32> to vector<16xf32>
    %swap3A_27 = vector.shape_cast %max3A : vector<16xf32> to vector<16xf32>
    tpu.vector_store %arg10[%swap3A_24], %swap3A_27 {strides = array<i32>} : memref<32xf32, #tpu.memory_space<vmem>>, vector<16xf32>,
    %get3A_28 = arith.constant 2 : index
    %get3A_29 = tpu.vector_load %arg10[%get3A_28] {strides = array<i32>} : memref<32xf32, #tpu.memory_space<vmem>>, vector<16xf32>,
    %get3A_30 = vector.shape_cast %get3A_29 : vector<16xf32> to vector<16xf32>
    %max3A_31 = arith.maximumf %max3A, %get3A_30 : vector<16xf32>
    %swap3A_32 = arith.constant 0 : index
    %swap3A_33 = tpu.vector_load %arg10[%swap3A_32] {strides = array<i32>} : memref<32xf32, #tpu.memory_space<vmem>>, vector<16xf32>,
    %swap3A_34 = vector.shape_cast %swap3A_33 : vector<16xf32> to vector<16xf32>
    %swap3A_35 = vector.shape_cast %max3A_31 : vector<16xf32> to vector<16xf32>
    tpu.vector_store %arg10[%swap3A_32], %swap3A_35 {strides = array<i32>} : memref<32xf32, #tpu.memory_space<vmem>>, vector<16xf32>,
    %swap3A_36 = arith.constant 16 : index
    %swap3A_37 = tpu.vector_load %arg10[%swap3A_36] {strides = array<i32>} : memref<32xf32, #tpu.memory_space<vmem>>, vector<16xf32>,
    %swap3A_38 = vector.shape_cast %swap3A_37 : vector<16xf32> to vector<16xf32>
    %swap3A_39 = vector.shape_cast %max3A_31 : vector<16xf32> to vector<16xf32>
    tpu.vector_store %arg10[%swap3A_36], %swap3A_39 {strides = array<i32>} : memref<32xf32, #tpu.memory_space<vmem>>, vector<16xf32>,
    %get3A_40 = arith.constant 4 : index
    %get3A_41 = tpu.vector_load %arg10[%get3A_40] {strides = array<i32>} : memref<32xf32, #tpu.memory_space<vmem>>, vector<16xf32>,
    %get3A_42 = vector.shape_cast %get3A_41 : vector<16xf32> to vector<16xf32>
    %max3A_43 = arith.maximumf %max3A_31, %get3A_42 : vector<16xf32>
    %swap3A_44 = arith.constant 0 : index
    %swap3A_45 = tpu.vector_load %arg10[%swap3A_44] {strides = array<i32>} : memref<32xf32, #tpu.memory_space<vmem>>, vector<16xf32>,
    %swap3A_46 = vector.shape_cast %swap3A_45 : vector<16xf32> to vector<16xf32>
    %swap3A_47 = vector.shape_cast %max3A_43 : vector<16xf32> to vector<16xf32>
    tpu.vector_store %arg10[%swap3A_44], %swap3A_47 {strides = array<i32>} : memref<32xf32, #tpu.memory_space<vmem>>, vector<16xf32>,
    %swap3A_48 = arith.constant 16 : index
    %swap3A_49 = tpu.vector_load %arg10[%swap3A_48] {strides = array<i32>} : memref<32xf32, #tpu.memory_space<vmem>>, vector<16xf32>,
    %swap3A_50 = vector.shape_cast %swap3A_49 : vector<16xf32> to vector<16xf32>
    %swap3A_51 = vector.shape_cast %max3A_43 : vector<16xf32> to vector<16xf32>
    tpu.vector_store %arg10[%swap3A_48], %swap3A_51 {strides = array<i32>} : memref<32xf32, #tpu.memory_space<vmem>>, vector<16xf32>,
    %get3A_52 = arith.constant 8 : index
    %get3A_53 = tpu.vector_load %arg10[%get3A_52] {strides = array<i32>} : memref<32xf32, #tpu.memory_space<vmem>>, vector<16xf32>,
    %get3A_54 = vector.shape_cast %get3A_53 : vector<16xf32> to vector<16xf32>
    %max3A_55 = arith.maximumf %max3A_43, %get3A_54 : vector<16xf32>
    %eq3A = arith.cmpf oeq, %scan3A_8, %max3A_55 : vector<16xf32>
    %jit3A = arith.constant 9.900000e+01 : f32
    %broadcast_in_dim3A = vector.broadcast %jit3A : f32 to vector<16xf32>
    %select_n3A = arith.select %eq3A, %convert_element_type3A, %broadcast_in_dim3A : vector<16xi1>, vector<16xf32>
    %swap3A_56 = arith.constant 0 : index
    %swap3A_57 = tpu.vector_load %arg10[%swap3A_56] {strides = array<i32>} : memref<32xf32, #tpu.memory_space<vmem>>, vector<16xf32>,
    %swap3A_58 = vector.shape_cast %swap3A_57 : vector<16xf32> to vector<16xf32>
    %swap3A_59 = vector.shape_cast %select_n3A : vector<16xf32> to vector<16xf32>
    tpu.vector_store %arg10[%swap3A_56], %swap3A_59 {strides = array<i32>} : memref<32xf32, #tpu.memory_space<vmem>>, vector<16xf32>,
    %swap3A_60 = arith.constant 16 : index
    %swap3A_61 = tpu.vector_load %arg10[%swap3A_60] {strides = array<i32>} : memref<32xf32, #tpu.memory_space<vmem>>, vector<16xf32>,
    %swap3A_62 = vector.shape_cast %swap3A_61 : vector<16xf32> to vector<16xf32>
    %swap3A_63 = vector.shape_cast %select_n3A : vector<16xf32> to vector<16xf32>
    tpu.vector_store %arg10[%swap3A_60], %swap3A_63 {strides = array<i32>} : memref<32xf32, #tpu.memory_space<vmem>>, vector<16xf32>,
    %get3A_64 = arith.constant 1 : index
    %get3A_65 = tpu.vector_load %arg10[%get3A_64] {strides = array<i32>} : memref<32xf32, #tpu.memory_space<vmem>>, vector<16xf32>,
    %get3A_66 = vector.shape_cast %get3A_65 : vector<16xf32> to vector<16xf32>
    %min3A = arith.minimumf %select_n3A, %get3A_66 : vector<16xf32>
    %swap3A_67 = arith.constant 0 : index
    %swap3A_68 = tpu.vector_load %arg10[%swap3A_67] {strides = array<i32>} : memref<32xf32, #tpu.memory_space<vmem>>, vector<16xf32>,
    %swap3A_69 = vector.shape_cast %swap3A_68 : vector<16xf32> to vector<16xf32>
    %swap3A_70 = vector.shape_cast %min3A : vector<16xf32> to vector<16xf32>
    tpu.vector_store %arg10[%swap3A_67], %swap3A_70 {strides = array<i32>} : memref<32xf32, #tpu.memory_space<vmem>>, vector<16xf32>,
    %swap3A_71 = arith.constant 16 : index
    %swap3A_72 = tpu.vector_load %arg10[%swap3A_71] {strides = array<i32>} : memref<32xf32, #tpu.memory_space<vmem>>, vector<16xf32>,
    %swap3A_73 = vector.shape_cast %swap3A_72 : vector<16xf32> to vector<16xf32>
    %swap3A_74 = vector.shape_cast %min3A : vector<16xf32> to vector<16xf32>
    tpu.vector_store %arg10[%swap3A_71], %swap3A_74 {strides = array<i32>} : memref<32xf32, #tpu.memory_space<vmem>>, vector<16xf32>,
    %get3A_75 = arith.constant 2 : index
    %get3A_76 = tpu.vector_load %arg10[%get3A_75] {strides = array<i32>} : memref<32xf32, #tpu.memory_space<vmem>>, vector<16xf32>,
    %get3A_77 = vector.shape_cast %get3A_76 : vector<16xf32> to vector<16xf32>
    %min3A_78 = arith.minimumf %min3A, %get3A_77 : vector<16xf32>
    %swap3A_79 = arith.constant 0 : index
    %swap3A_80 = tpu.vector_load %arg10[%swap3A_79] {strides = array<i32>} : memref<32xf32, #tpu.memory_space<vmem>>, vector<16xf32>,
    %swap3A_81 = vector.shape_cast %swap3A_80 : vector<16xf32> to vector<16xf32>
    %swap3A_82 = vector.shape_cast %min3A_78 : vector<16xf32> to vector<16xf32>
    tpu.vector_store %arg10[%swap3A_79], %swap3A_82 {strides = array<i32>} : memref<32xf32, #tpu.memory_space<vmem>>, vector<16xf32>,
    %swap3A_83 = arith.constant 16 : index
    %swap3A_84 = tpu.vector_load %arg10[%swap3A_83] {strides = array<i32>} : memref<32xf32, #tpu.memory_space<vmem>>, vector<16xf32>,
    %swap3A_85 = vector.shape_cast %swap3A_84 : vector<16xf32> to vector<16xf32>
    %swap3A_86 = vector.shape_cast %min3A_78 : vector<16xf32> to vector<16xf32>
    tpu.vector_store %arg10[%swap3A_83], %swap3A_86 {strides = array<i32>} : memref<32xf32, #tpu.memory_space<vmem>>, vector<16xf32>,
    %get3A_87 = arith.constant 4 : index
    %get3A_88 = tpu.vector_load %arg10[%get3A_87] {strides = array<i32>} : memref<32xf32, #tpu.memory_space<vmem>>, vector<16xf32>,
    %get3A_89 = vector.shape_cast %get3A_88 : vector<16xf32> to vector<16xf32>
    %min3A_90 = arith.minimumf %min3A_78, %get3A_89 : vector<16xf32>
    %swap3A_91 = arith.constant 0 : index
    %swap3A_92 = tpu.vector_load %arg10[%swap3A_91] {strides = array<i32>} : memref<32xf32, #tpu.memory_space<vmem>>, vector<16xf32>,
    %swap3A_93 = vector.shape_cast %swap3A_92 : vector<16xf32> to vector<16xf32>
    %swap3A_94 = vector.shape_cast %min3A_90 : vector<16xf32> to vector<16xf32>
    tpu.vector_store %arg10[%swap3A_91], %swap3A_94 {strides = array<i32>} : memref<32xf32, #tpu.memory_space<vmem>>, vector<16xf32>,
    %swap3A_95 = arith.constant 16 : index
    %swap3A_96 = tpu.vector_load %arg10[%swap3A_95] {strides = array<i32>} : memref<32xf32, #tpu.memory_space<vmem>>, vector<16xf32>,
    %swap3A_97 = vector.shape_cast %swap3A_96 : vector<16xf32> to vector<16xf32>
    %swap3A_98 = vector.shape_cast %min3A_90 : vector<16xf32> to vector<16xf32>
    tpu.vector_store %arg10[%swap3A_95], %swap3A_98 {strides = array<i32>} : memref<32xf32, #tpu.memory_space<vmem>>, vector<16xf32>,
    %get3A_99 = arith.constant 8 : index
    %get3A_100 = tpu.vector_load %arg10[%get3A_99] {strides = array<i32>} : memref<32xf32, #tpu.memory_space<vmem>>, vector<16xf32>,
    %get3A_101 = vector.shape_cast %get3A_100 : vector<16xf32> to vector<16xf32>
    %min3A_102 = arith.minimumf %min3A_90, %get3A_101 : vector<16xf32>
    %eq3A_103 = arith.cmpf oeq, %convert_element_type3A, %min3A_102 : vector<16xf32>
    %jit3A_104 = arith.constant -1.000000e+30 : f32
    %broadcast_in_dim3A_105 = vector.broadcast %jit3A_104 : f32 to vector<16xf32>
    %select_n3A_106 = arith.select %eq3A_103, %broadcast_in_dim3A_105, %scan3A_8 : vector<16xi1>, vector<16xf32>
    %swap3A_107 = arith.constant 0 : index
    %swap3A_108 = tpu.vector_load %arg10[%swap3A_107] {strides = array<i32>} : memref<32xf32, #tpu.memory_space<vmem>>, vector<16xf32>,
    %swap3A_109 = vector.shape_cast %swap3A_108 : vector<16xf32> to vector<16xf32>
    %swap3A_110 = vector.shape_cast %select_n3A_106 : vector<16xf32> to vector<16xf32>
    tpu.vector_store %arg10[%swap3A_107], %swap3A_110 {strides = array<i32>} : memref<32xf32, #tpu.memory_space<vmem>>, vector<16xf32>,
    %swap3A_111 = arith.constant 16 : index
    %swap3A_112 = tpu.vector_load %arg10[%swap3A_111] {strides = array<i32>} : memref<32xf32, #tpu.memory_space<vmem>>, vector<16xf32>,
    %swap3A_113 = vector.shape_cast %swap3A_112 : vector<16xf32> to vector<16xf32>
    %swap3A_114 = vector.shape_cast %select_n3A_106 : vector<16xf32> to vector<16xf32>
    tpu.vector_store %arg10[%swap3A_111], %swap3A_114 {strides = array<i32>} : memref<32xf32, #tpu.memory_space<vmem>>, vector<16xf32>,
    %get3A_115 = arith.constant 1 : index
    %get3A_116 = tpu.vector_load %arg10[%get3A_115] {strides = array<i32>} : memref<32xf32, #tpu.memory_space<vmem>>, vector<16xf32>,
    %get3A_117 = vector.shape_cast %get3A_116 : vector<16xf32> to vector<16xf32>
    %max3A_118 = arith.maximumf %select_n3A_106, %get3A_117 : vector<16xf32>
    %swap3A_119 = arith.constant 0 : index
    %swap3A_120 = tpu.vector_load %arg10[%swap3A_119] {strides = array<i32>} : memref<32xf32, #tpu.memory_space<vmem>>, vector<16xf32>,
    %swap3A_121 = vector.shape_cast %swap3A_120 : vector<16xf32> to vector<16xf32>
    %swap3A_122 = vector.shape_cast %max3A_118 : vector<16xf32> to vector<16xf32>
    tpu.vector_store %arg10[%swap3A_119], %swap3A_122 {strides = array<i32>} : memref<32xf32, #tpu.memory_space<vmem>>, vector<16xf32>,
    %swap3A_123 = arith.constant 16 : index
    %swap3A_124 = tpu.vector_load %arg10[%swap3A_123] {strides = array<i32>} : memref<32xf32, #tpu.memory_space<vmem>>, vector<16xf32>,
    %swap3A_125 = vector.shape_cast %swap3A_124 : vector<16xf32> to vector<16xf32>
    %swap3A_126 = vector.shape_cast %max3A_118 : vector<16xf32> to vector<16xf32>
    tpu.vector_store %arg10[%swap3A_123], %swap3A_126 {strides = array<i32>} : memref<32xf32, #tpu.memory_space<vmem>>, vector<16xf32>,
    %get3A_127 = arith.constant 2 : index
    %get3A_128 = tpu.vector_load %arg10[%get3A_127] {strides = array<i32>} : memref<32xf32, #tpu.memory_space<vmem>>, vector<16xf32>,
    %get3A_129 = vector.shape_cast %get3A_128 : vector<16xf32> to vector<16xf32>
    %max3A_130 = arith.maximumf %max3A_118, %get3A_129 : vector<16xf32>
    %swap3A_131 = arith.constant 0 : index
    %swap3A_132 = tpu.vector_load %arg10[%swap3A_131] {strides = array<i32>} : memref<32xf32, #tpu.memory_space<vmem>>, vector<16xf32>,
    %swap3A_133 = vector.shape_cast %swap3A_132 : vector<16xf32> to vector<16xf32>
    %swap3A_134 = vector.shape_cast %max3A_130 : vector<16xf32> to vector<16xf32>
    tpu.vector_store %arg10[%swap3A_131], %swap3A_134 {strides = array<i32>} : memref<32xf32, #tpu.memory_space<vmem>>, vector<16xf32>,
    %swap3A_135 = arith.constant 16 : index
    %swap3A_136 = tpu.vector_load %arg10[%swap3A_135] {strides = array<i32>} : memref<32xf32, #tpu.memory_space<vmem>>, vector<16xf32>,
    %swap3A_137 = vector.shape_cast %swap3A_136 : vector<16xf32> to vector<16xf32>
    %swap3A_138 = vector.shape_cast %max3A_130 : vector<16xf32> to vector<16xf32>
    tpu.vector_store %arg10[%swap3A_135], %swap3A_138 {strides = array<i32>} : memref<32xf32, #tpu.memory_space<vmem>>, vector<16xf32>,
    %get3A_139 = arith.constant 4 : index
    %get3A_140 = tpu.vector_load %arg10[%get3A_139] {strides = array<i32>} : memref<32xf32, #tpu.memory_space<vmem>>, vector<16xf32>,
    %get3A_141 = vector.shape_cast %get3A_140 : vector<16xf32> to vector<16xf32>
    %max3A_142 = arith.maximumf %max3A_130, %get3A_141 : vector<16xf32>
    %swap3A_143 = arith.constant 0 : index
    %swap3A_144 = tpu.vector_load %arg10[%swap3A_143] {strides = array<i32>} : memref<32xf32, #tpu.memory_space<vmem>>, vector<16xf32>,
    %swap3A_145 = vector.shape_cast %swap3A_144 : vector<16xf32> to vector<16xf32>
    %swap3A_146 = vector.shape_cast %max3A_142 : vector<16xf32> to vector<16xf32>
    tpu.vector_store %arg10[%swap3A_143], %swap3A_146 {strides = array<i32>} : memref<32xf32, #tpu.memory_space<vmem>>, vector<16xf32>,
    %swap3A_147 = arith.constant 16 : index
    %swap3A_148 = tpu.vector_load %arg10[%swap3A_147] {strides = array<i32>} : memref<32xf32, #tpu.memory_space<vmem>>, vector<16xf32>,
    %swap3A_149 = vector.shape_cast %swap3A_148 : vector<16xf32> to vector<16xf32>
    %swap3A_150 = vector.shape_cast %max3A_142 : vector<16xf32> to vector<16xf32>
    tpu.vector_store %arg10[%swap3A_147], %swap3A_150 {strides = array<i32>} : memref<32xf32, #tpu.memory_space<vmem>>, vector<16xf32>,
    %get3A_151 = arith.constant 8 : index
    %get3A_152 = tpu.vector_load %arg10[%get3A_151] {strides = array<i32>} : memref<32xf32, #tpu.memory_space<vmem>>, vector<16xf32>,
    %get3A_153 = vector.shape_cast %get3A_152 : vector<16xf32> to vector<16xf32>
    %max3A_154 = arith.maximumf %max3A_142, %get3A_153 : vector<16xf32>
    %eq3A_155 = arith.cmpf oeq, %select_n3A_106, %max3A_154 : vector<16xf32>
    %jit3A_156 = arith.constant 9.900000e+01 : f32
    %broadcast_in_dim3A_157 = vector.broadcast %jit3A_156 : f32 to vector<16xf32>
    %select_n3A_158 = arith.select %eq3A_155, %convert_element_type3A, %broadcast_in_dim3A_157 : vector<16xi1>, vector<16xf32>
    %swap3A_159 = arith.constant 0 : index
    %swap3A_160 = tpu.vector_load %arg10[%swap3A_159] {strides = array<i32>} : memref<32xf32, #tpu.memory_space<vmem>>, vector<16xf32>,
    %swap3A_161 = vector.shape_cast %swap3A_160 : vector<16xf32> to vector<16xf32>
    %swap3A_162 = vector.shape_cast %select_n3A_158 : vector<16xf32> to vector<16xf32>
    tpu.vector_store %arg10[%swap3A_159], %swap3A_162 {strides = array<i32>} : memref<32xf32, #tpu.memory_space<vmem>>, vector<16xf32>,
    %swap3A_163 = arith.constant 16 : index
    %swap3A_164 = tpu.vector_load %arg10[%swap3A_163] {strides = array<i32>} : memref<32xf32, #tpu.memory_space<vmem>>, vector<16xf32>,
    %swap3A_165 = vector.shape_cast %swap3A_164 : vector<16xf32> to vector<16xf32>
    %swap3A_166 = vector.shape_cast %select_n3A_158 : vector<16xf32> to vector<16xf32>
    tpu.vector_store %arg10[%swap3A_163], %swap3A_166 {strides = array<i32>} : memref<32xf32, #tpu.memory_space<vmem>>, vector<16xf32>,
    %get3A_167 = arith.constant 1 : index
    %get3A_168 = tpu.vector_load %arg10[%get3A_167] {strides = array<i32>} : memref<32xf32, #tpu.memory_space<vmem>>, vector<16xf32>,
    %get3A_169 = vector.shape_cast %get3A_168 : vector<16xf32> to vector<16xf32>
    %min3A_170 = arith.minimumf %select_n3A_158, %get3A_169 : vector<16xf32>
    %swap3A_171 = arith.constant 0 : index
    %swap3A_172 = tpu.vector_load %arg10[%swap3A_171] {strides = array<i32>} : memref<32xf32, #tpu.memory_space<vmem>>, vector<16xf32>,
    %swap3A_173 = vector.shape_cast %swap3A_172 : vector<16xf32> to vector<16xf32>
    %swap3A_174 = vector.shape_cast %min3A_170 : vector<16xf32> to vector<16xf32>
    tpu.vector_store %arg10[%swap3A_171], %swap3A_174 {strides = array<i32>} : memref<32xf32, #tpu.memory_space<vmem>>, vector<16xf32>,
    %swap3A_175 = arith.constant 16 : index
    %swap3A_176 = tpu.vector_load %arg10[%swap3A_175] {strides = array<i32>} : memref<32xf32, #tpu.memory_space<vmem>>, vector<16xf32>,
    %swap3A_177 = vector.shape_cast %swap3A_176 : vector<16xf32> to vector<16xf32>
    %swap3A_178 = vector.shape_cast %min3A_170 : vector<16xf32> to vector<16xf32>
    tpu.vector_store %arg10[%swap3A_175], %swap3A_178 {strides = array<i32>} : memref<32xf32, #tpu.memory_space<vmem>>, vector<16xf32>,
    %get3A_179 = arith.constant 2 : index
    %get3A_180 = tpu.vector_load %arg10[%get3A_179] {strides = array<i32>} : memref<32xf32, #tpu.memory_space<vmem>>, vector<16xf32>,
    %get3A_181 = vector.shape_cast %get3A_180 : vector<16xf32> to vector<16xf32>
    %min3A_182 = arith.minimumf %min3A_170, %get3A_181 : vector<16xf32>
    %swap3A_183 = arith.constant 0 : index
    %swap3A_184 = tpu.vector_load %arg10[%swap3A_183] {strides = array<i32>} : memref<32xf32, #tpu.memory_space<vmem>>, vector<16xf32>,
    %swap3A_185 = vector.shape_cast %swap3A_184 : vector<16xf32> to vector<16xf32>
    %swap3A_186 = vector.shape_cast %min3A_182 : vector<16xf32> to vector<16xf32>
    tpu.vector_store %arg10[%swap3A_183], %swap3A_186 {strides = array<i32>} : memref<32xf32, #tpu.memory_space<vmem>>, vector<16xf32>,
    %swap3A_187 = arith.constant 16 : index
    %swap3A_188 = tpu.vector_load %arg10[%swap3A_187] {strides = array<i32>} : memref<32xf32, #tpu.memory_space<vmem>>, vector<16xf32>,
    %swap3A_189 = vector.shape_cast %swap3A_188 : vector<16xf32> to vector<16xf32>
    %swap3A_190 = vector.shape_cast %min3A_182 : vector<16xf32> to vector<16xf32>
    tpu.vector_store %arg10[%swap3A_187], %swap3A_190 {strides = array<i32>} : memref<32xf32, #tpu.memory_space<vmem>>, vector<16xf32>,
    %get3A_191 = arith.constant 4 : index
    %get3A_192 = tpu.vector_load %arg10[%get3A_191] {strides = array<i32>} : memref<32xf32, #tpu.memory_space<vmem>>, vector<16xf32>,
    %get3A_193 = vector.shape_cast %get3A_192 : vector<16xf32> to vector<16xf32>
    %min3A_194 = arith.minimumf %min3A_182, %get3A_193 : vector<16xf32>
    %swap3A_195 = arith.constant 0 : index
    %swap3A_196 = tpu.vector_load %arg10[%swap3A_195] {strides = array<i32>} : memref<32xf32, #tpu.memory_space<vmem>>, vector<16xf32>,
    %swap3A_197 = vector.shape_cast %swap3A_196 : vector<16xf32> to vector<16xf32>
    %swap3A_198 = vector.shape_cast %min3A_194 : vector<16xf32> to vector<16xf32>
    tpu.vector_store %arg10[%swap3A_195], %swap3A_198 {strides = array<i32>} : memref<32xf32, #tpu.memory_space<vmem>>, vector<16xf32>,
    %swap3A_199 = arith.constant 16 : index
    %swap3A_200 = tpu.vector_load %arg10[%swap3A_199] {strides = array<i32>} : memref<32xf32, #tpu.memory_space<vmem>>, vector<16xf32>,
    %swap3A_201 = vector.shape_cast %swap3A_200 : vector<16xf32> to vector<16xf32>
    %swap3A_202 = vector.shape_cast %min3A_194 : vector<16xf32> to vector<16xf32>
    tpu.vector_store %arg10[%swap3A_199], %swap3A_202 {strides = array<i32>} : memref<32xf32, #tpu.memory_space<vmem>>, vector<16xf32>,
    %get3A_203 = arith.constant 8 : index
    %get3A_204 = tpu.vector_load %arg10[%get3A_203] {strides = array<i32>} : memref<32xf32, #tpu.memory_space<vmem>>, vector<16xf32>,
    %get3A_205 = vector.shape_cast %get3A_204 : vector<16xf32> to vector<16xf32>
    %min3A_206 = arith.minimumf %min3A_194, %get3A_205 : vector<16xf32>
    %sub3A = arith.subf %max3A_154, %max3A_55 : vector<16xf32>
    %exp3A = math.exp %sub3A : vector<16xf32>
    %add3A_207 = arith.constant 1.000000e+00 : f32
    %add3A_208 = vector.broadcast %add3A_207 : f32 to vector<16xf32>
    %add3A_209 = arith.addf %add3A_208, %exp3A : vector<16xf32>
    %div3A = arith.constant 1.000000e+00 : f32
    %div3A_210 = vector.broadcast %div3A : f32 to vector<16xf32>
    %div3A_211 = arith.divf %div3A_210, %add3A_209 : vector<16xf32>
    %add3A_212 = arith.constant 1.000000e+00 : f32
    %add3A_213 = vector.broadcast %add3A_212 : f32 to vector<16xf32>
    %add3A_214 = arith.addf %add3A_213, %exp3A : vector<16xf32>
    %div3A_215 = arith.divf %exp3A, %add3A_214 : vector<16xf32>
    %broadcast_in_dim3A_216 = arith.constant 0.000000e+00 : f32
    %broadcast_in_dim3A_217 = vector.broadcast %broadcast_in_dim3A_216 : f32 to vector<16xf32>
    %eq3A_218 = arith.cmpf oeq, %convert_element_type3A, %min3A_102 : vector<16xf32>
    %select_n3A_219 = arith.select %eq3A_218, %div3A_211, %broadcast_in_dim3A_217 : vector<16xi1>, vector<16xf32>
    %eq3A_220 = arith.cmpf oeq, %convert_element_type3A, %min3A_206 : vector<16xf32>
    %select_n3A_221 = arith.select %eq3A_220, %div3A_215, %broadcast_in_dim3A_217 : vector<16xi1>, vector<16xf32>
    %add3A_222 = arith.addf %select_n3A_219, %select_n3A_221 : vector<16xf32>
    %swap3A_223 = arith.constant 0 : index
    %swap3A_224 = tpu.vector_load %arg9[%swap3A_223] {strides = array<i32>} : memref<64xf32, #tpu.memory_space<vmem>>, vector<16xf32>,
    %swap3A_225 = vector.shape_cast %swap3A_224 : vector<16xf32> to vector<16xf32>
    %swap3A_226 = vector.shape_cast %add3A_222 : vector<16xf32> to vector<16xf32>
    tpu.vector_store %arg9[%swap3A_223], %swap3A_226 {strides = array<i32>} : memref<64xf32, #tpu.memory_space<vmem>>, vector<16xf32>,
    %get3A_227 = arith.constant 0 : index
    %get3A_228 = tpu.vector_load %arg8[%get3A_227] {strides = array<i32>} : memref<16xf32, #tpu.memory_space<vmem>>, vector<16xf32>,
    %get3A_229 = vector.shape_cast %get3A_228 : vector<16xf32> to vector<16xf32>
    %scan3A_230 = arith.constant 0 : i32
    %scan3A_231 = arith.constant 64 : i32
    %scan3A_232 = arith.addi %scan3A_230, %scan3A_231 : i32
    %scan3A_233 = arith.constant 1 : i32
    %scan3A_234 = scf.for %scan3A_943 = %scan3A_230 to %scan3A_232 step %scan3A_233 iter_args(%scan3A_944 = %get3A_229) -> (vector<16xf32>)  : i32 {
      %mul3A_945 = arith.constant 16 : i32
      %mul3A_946 = arith.muli %scan3A_943, %mul3A_945 : i32
      %add3A_947 = arith.constant 1024 : i32
      %add3A_948 = arith.addi %add3A_947, %mul3A_946 : i32
      %get3A_949 = arith.index_cast %add3A_948 : i32 to index
      %get3A_950 = tpu.vector_load %arg6[%get3A_949] {strides = array<i32>} : memref<4096xf32, #tpu.memory_space<vmem>>, vector<16xf32>,
      %get3A_951 = vector.shape_cast %get3A_950 : vector<16xf32> to vector<16xf32>
      %mul3A_952 = arith.constant 16 : i32
      %mul3A_953 = arith.muli %scan3A_943, %mul3A_952 : i32
      %add3A_954 = arith.constant 0 : i32
      %add3A_955 = arith.addi %mul3A_953, %add3A_954 : i32
      %slice3A = vector.extract_strided_slice %get3A_951 {offsets = [0], sizes = [1], strides = [1]} : vector<16xf32> to vector<1xf32>
      %squeeze3A = vector.extract %slice3A[0] : f32 from vector<1xf32>
      %mul3A_956 = arith.constant 16 : i32
      %mul3A_957 = arith.muli %add3A_955, %mul3A_956 : i32
      %get3A_958 = arith.index_cast %mul3A_957 : i32 to index
      %get3A_959 = tpu.vector_load %arg7[%get3A_958] {strides = array<i32>} : memref<16384xf32, #tpu.memory_space<vmem>>, vector<16xf32>,
      %get3A_960 = vector.shape_cast %get3A_959 : vector<16xf32> to vector<16xf32>
      %mul3A_961 = vector.broadcast %squeeze3A : f32 to vector<16xf32>
      %mul3A_962 = arith.mulf %mul3A_961, %get3A_960 : vector<16xf32>
      %add3A_963 = arith.addf %scan3A_944, %mul3A_962 : vector<16xf32>
      %mul3A_964 = arith.constant 16 : i32
      %mul3A_965 = arith.muli %scan3A_943, %mul3A_964 : i32
      %add3A_966 = arith.constant 1 : i32
      %add3A_967 = arith.addi %mul3A_965, %add3A_966 : i32
      %slice3A_968 = vector.extract_strided_slice %get3A_951 {offsets = [1], sizes = [1], strides = [1]} : vector<16xf32> to vector<1xf32>
      %squeeze3A_969 = vector.extract %slice3A_968[0] : f32 from vector<1xf32>
      %mul3A_970 = arith.constant 16 : i32
      %mul3A_971 = arith.muli %add3A_967, %mul3A_970 : i32
      %get3A_972 = arith.index_cast %mul3A_971 : i32 to index
      %get3A_973 = tpu.vector_load %arg7[%get3A_972] {strides = array<i32>} : memref<16384xf32, #tpu.memory_space<vmem>>, vector<16xf32>,
      %get3A_974 = vector.shape_cast %get3A_973 : vector<16xf32> to vector<16xf32>
      %mul3A_975 = vector.broadcast %squeeze3A_969 : f32 to vector<16xf32>
      %mul3A_976 = arith.mulf %mul3A_975, %get3A_974 : vector<16xf32>
      %add3A_977 = arith.addf %add3A_963, %mul3A_976 : vector<16xf32>
      %mul3A_978 = arith.constant 16 : i32
      %mul3A_979 = arith.muli %scan3A_943, %mul3A_978 : i32
      %add3A_980 = arith.constant 2 : i32
      %add3A_981 = arith.addi %mul3A_979, %add3A_980 : i32
      %slice3A_982 = vector.extract_strided_slice %get3A_951 {offsets = [2], sizes = [1], strides = [1]} : vector<16xf32> to vector<1xf32>
      %squeeze3A_983 = vector.extract %slice3A_982[0] : f32 from vector<1xf32>
      %mul3A_984 = arith.constant 16 : i32
      %mul3A_985 = arith.muli %add3A_981, %mul3A_984 : i32
      %get3A_986 = arith.index_cast %mul3A_985 : i32 to index
      %get3A_987 = tpu.vector_load %arg7[%get3A_986] {strides = array<i32>} : memref<16384xf32, #tpu.memory_space<vmem>>, vector<16xf32>,
      %get3A_988 = vector.shape_cast %get3A_987 : vector<16xf32> to vector<16xf32>
      %mul3A_989 = vector.broadcast %squeeze3A_983 : f32 to vector<16xf32>
      %mul3A_990 = arith.mulf %mul3A_989, %get3A_988 : vector<16xf32>
      %add3A_991 = arith.addf %add3A_977, %mul3A_990 : vector<16xf32>
      %mul3A_992 = arith.constant 16 : i32
      %mul3A_993 = arith.muli %scan3A_943, %mul3A_992 : i32
      %add3A_994 = arith.constant 3 : i32
      %add3A_995 = arith.addi %mul3A_993, %add3A_994 : i32
      %slice3A_996 = vector.extract_strided_slice %get3A_951 {offsets = [3], sizes = [1], strides = [1]} : vector<16xf32> to vector<1xf32>
      %squeeze3A_997 = vector.extract %slice3A_996[0] : f32 from vector<1xf32>
      %mul3A_998 = arith.constant 16 : i32
      %mul3A_999 = arith.muli %add3A_995, %mul3A_998 : i32
      %get3A_1000 = arith.index_cast %mul3A_999 : i32 to index
      %get3A_1001 = tpu.vector_load %arg7[%get3A_1000] {strides = array<i32>} : memref<16384xf32, #tpu.memory_space<vmem>>, vector<16xf32>,
      %get3A_1002 = vector.shape_cast %get3A_1001 : vector<16xf32> to vector<16xf32>
      %mul3A_1003 = vector.broadcast %squeeze3A_997 : f32 to vector<16xf32>
      %mul3A_1004 = arith.mulf %mul3A_1003, %get3A_1002 : vector<16xf32>
      %add3A_1005 = arith.addf %add3A_991, %mul3A_1004 : vector<16xf32>
      %mul3A_1006 = arith.constant 16 : i32
      %mul3A_1007 = arith.muli %scan3A_943, %mul3A_1006 : i32
      %add3A_1008 = arith.constant 4 : i32
      %add3A_1009 = arith.addi %mul3A_1007, %add3A_1008 : i32
      %slice3A_1010 = vector.extract_strided_slice %get3A_951 {offsets = [4], sizes = [1], strides = [1]} : vector<16xf32> to vector<1xf32>
      %squeeze3A_1011 = vector.extract %slice3A_1010[0] : f32 from vector<1xf32>
      %mul3A_1012 = arith.constant 16 : i32
      %mul3A_1013 = arith.muli %add3A_1009, %mul3A_1012 : i32
      %get3A_1014 = arith.index_cast %mul3A_1013 : i32 to index
      %get3A_1015 = tpu.vector_load %arg7[%get3A_1014] {strides = array<i32>} : memref<16384xf32, #tpu.memory_space<vmem>>, vector<16xf32>,
      %get3A_1016 = vector.shape_cast %get3A_1015 : vector<16xf32> to vector<16xf32>
      %mul3A_1017 = vector.broadcast %squeeze3A_1011 : f32 to vector<16xf32>
      %mul3A_1018 = arith.mulf %mul3A_1017, %get3A_1016 : vector<16xf32>
      %add3A_1019 = arith.addf %add3A_1005, %mul3A_1018 : vector<16xf32>
      %mul3A_1020 = arith.constant 16 : i32
      %mul3A_1021 = arith.muli %scan3A_943, %mul3A_1020 : i32
      %add3A_1022 = arith.constant 5 : i32
      %add3A_1023 = arith.addi %mul3A_1021, %add3A_1022 : i32
      %slice3A_1024 = vector.extract_strided_slice %get3A_951 {offsets = [5], sizes = [1], strides = [1]} : vector<16xf32> to vector<1xf32>
      %squeeze3A_1025 = vector.extract %slice3A_1024[0] : f32 from vector<1xf32>
      %mul3A_1026 = arith.constant 16 : i32
      %mul3A_1027 = arith.muli %add3A_1023, %mul3A_1026 : i32
      %get3A_1028 = arith.index_cast %mul3A_1027 : i32 to index
      %get3A_1029 = tpu.vector_load %arg7[%get3A_1028] {strides = array<i32>} : memref<16384xf32, #tpu.memory_space<vmem>>, vector<16xf32>,
      %get3A_1030 = vector.shape_cast %get3A_1029 : vector<16xf32> to vector<16xf32>
      %mul3A_1031 = vector.broadcast %squeeze3A_1025 : f32 to vector<16xf32>
      %mul3A_1032 = arith.mulf %mul3A_1031, %get3A_1030 : vector<16xf32>
      %add3A_1033 = arith.addf %add3A_1019, %mul3A_1032 : vector<16xf32>
      %mul3A_1034 = arith.constant 16 : i32
      %mul3A_1035 = arith.muli %scan3A_943, %mul3A_1034 : i32
      %add3A_1036 = arith.constant 6 : i32
      %add3A_1037 = arith.addi %mul3A_1035, %add3A_1036 : i32
      %slice3A_1038 = vector.extract_strided_slice %get3A_951 {offsets = [6], sizes = [1], strides = [1]} : vector<16xf32> to vector<1xf32>
      %squeeze3A_1039 = vector.extract %slice3A_1038[0] : f32 from vector<1xf32>
      %mul3A_1040 = arith.constant 16 : i32
      %mul3A_1041 = arith.muli %add3A_1037, %mul3A_1040 : i32
      %get3A_1042 = arith.index_cast %mul3A_1041 : i32 to index
      %get3A_1043 = tpu.vector_load %arg7[%get3A_1042] {strides = array<i32>} : memref<16384xf32, #tpu.memory_space<vmem>>, vector<16xf32>,
      %get3A_1044 = vector.shape_cast %get3A_1043 : vector<16xf32> to vector<16xf32>
      %mul3A_1045 = vector.broadcast %squeeze3A_1039 : f32 to vector<16xf32>
      %mul3A_1046 = arith.mulf %mul3A_1045, %get3A_1044 : vector<16xf32>
      %add3A_1047 = arith.addf %add3A_1033, %mul3A_1046 : vector<16xf32>
      %mul3A_1048 = arith.constant 16 : i32
      %mul3A_1049 = arith.muli %scan3A_943, %mul3A_1048 : i32
      %add3A_1050 = arith.constant 7 : i32
      %add3A_1051 = arith.addi %mul3A_1049, %add3A_1050 : i32
      %slice3A_1052 = vector.extract_strided_slice %get3A_951 {offsets = [7], sizes = [1], strides = [1]} : vector<16xf32> to vector<1xf32>
      %squeeze3A_1053 = vector.extract %slice3A_1052[0] : f32 from vector<1xf32>
      %mul3A_1054 = arith.constant 16 : i32
      %mul3A_1055 = arith.muli %add3A_1051, %mul3A_1054 : i32
      %get3A_1056 = arith.index_cast %mul3A_1055 : i32 to index
      %get3A_1057 = tpu.vector_load %arg7[%get3A_1056] {strides = array<i32>} : memref<16384xf32, #tpu.memory_space<vmem>>, vector<16xf32>,
      %get3A_1058 = vector.shape_cast %get3A_1057 : vector<16xf32> to vector<16xf32>
      %mul3A_1059 = vector.broadcast %squeeze3A_1053 : f32 to vector<16xf32>
      %mul3A_1060 = arith.mulf %mul3A_1059, %get3A_1058 : vector<16xf32>
      %add3A_1061 = arith.addf %add3A_1047, %mul3A_1060 : vector<16xf32>
      %mul3A_1062 = arith.constant 16 : i32
      %mul3A_1063 = arith.muli %scan3A_943, %mul3A_1062 : i32
      %add3A_1064 = arith.constant 8 : i32
      %add3A_1065 = arith.addi %mul3A_1063, %add3A_1064 : i32
      %slice3A_1066 = vector.extract_strided_slice %get3A_951 {offsets = [8], sizes = [1], strides = [1]} : vector<16xf32> to vector<1xf32>
      %squeeze3A_1067 = vector.extract %slice3A_1066[0] : f32 from vector<1xf32>
      %mul3A_1068 = arith.constant 16 : i32
      %mul3A_1069 = arith.muli %add3A_1065, %mul3A_1068 : i32
      %get3A_1070 = arith.index_cast %mul3A_1069 : i32 to index
      %get3A_1071 = tpu.vector_load %arg7[%get3A_1070] {strides = array<i32>} : memref<16384xf32, #tpu.memory_space<vmem>>, vector<16xf32>,
      %get3A_1072 = vector.shape_cast %get3A_1071 : vector<16xf32> to vector<16xf32>
      %mul3A_1073 = vector.broadcast %squeeze3A_1067 : f32 to vector<16xf32>
      %mul3A_1074 = arith.mulf %mul3A_1073, %get3A_1072 : vector<16xf32>
      %add3A_1075 = arith.addf %add3A_1061, %mul3A_1074 : vector<16xf32>
      %mul3A_1076 = arith.constant 16 : i32
      %mul3A_1077 = arith.muli %scan3A_943, %mul3A_1076 : i32
      %add3A_1078 = arith.constant 9 : i32
      %add3A_1079 = arith.addi %mul3A_1077, %add3A_1078 : i32
      %slice3A_1080 = vector.extract_strided_slice %get3A_951 {offsets = [9], sizes = [1], strides = [1]} : vector<16xf32> to vector<1xf32>
      %squeeze3A_1081 = vector.extract %slice3A_1080[0] : f32 from vector<1xf32>
      %mul3A_1082 = arith.constant 16 : i32
      %mul3A_1083 = arith.muli %add3A_1079, %mul3A_1082 : i32
      %get3A_1084 = arith.index_cast %mul3A_1083 : i32 to index
      %get3A_1085 = tpu.vector_load %arg7[%get3A_1084] {strides = array<i32>} : memref<16384xf32, #tpu.memory_space<vmem>>, vector<16xf32>,
      %get3A_1086 = vector.shape_cast %get3A_1085 : vector<16xf32> to vector<16xf32>
      %mul3A_1087 = vector.broadcast %squeeze3A_1081 : f32 to vector<16xf32>
      %mul3A_1088 = arith.mulf %mul3A_1087, %get3A_1086 : vector<16xf32>
      %add3A_1089 = arith.addf %add3A_1075, %mul3A_1088 : vector<16xf32>
      %mul3A_1090 = arith.constant 16 : i32
      %mul3A_1091 = arith.muli %scan3A_943, %mul3A_1090 : i32
      %add3A_1092 = arith.constant 10 : i32
      %add3A_1093 = arith.addi %mul3A_1091, %add3A_1092 : i32
      %slice3A_1094 = vector.extract_strided_slice %get3A_951 {offsets = [10], sizes = [1], strides = [1]} : vector<16xf32> to vector<1xf32>
      %squeeze3A_1095 = vector.extract %slice3A_1094[0] : f32 from vector<1xf32>
      %mul3A_1096 = arith.constant 16 : i32
      %mul3A_1097 = arith.muli %add3A_1093, %mul3A_1096 : i32
      %get3A_1098 = arith.index_cast %mul3A_1097 : i32 to index
      %get3A_1099 = tpu.vector_load %arg7[%get3A_1098] {strides = array<i32>} : memref<16384xf32, #tpu.memory_space<vmem>>, vector<16xf32>,
      %get3A_1100 = vector.shape_cast %get3A_1099 : vector<16xf32> to vector<16xf32>
      %mul3A_1101 = vector.broadcast %squeeze3A_1095 : f32 to vector<16xf32>
      %mul3A_1102 = arith.mulf %mul3A_1101, %get3A_1100 : vector<16xf32>
      %add3A_1103 = arith.addf %add3A_1089, %mul3A_1102 : vector<16xf32>
      %mul3A_1104 = arith.constant 16 : i32
      %mul3A_1105 = arith.muli %scan3A_943, %mul3A_1104 : i32
      %add3A_1106 = arith.constant 11 : i32
      %add3A_1107 = arith.addi %mul3A_1105, %add3A_1106 : i32
      %slice3A_1108 = vector.extract_strided_slice %get3A_951 {offsets = [11], sizes = [1], strides = [1]} : vector<16xf32> to vector<1xf32>
      %squeeze3A_1109 = vector.extract %slice3A_1108[0] : f32 from vector<1xf32>
      %mul3A_1110 = arith.constant 16 : i32
      %mul3A_1111 = arith.muli %add3A_1107, %mul3A_1110 : i32
      %get3A_1112 = arith.index_cast %mul3A_1111 : i32 to index
      %get3A_1113 = tpu.vector_load %arg7[%get3A_1112] {strides = array<i32>} : memref<16384xf32, #tpu.memory_space<vmem>>, vector<16xf32>,
      %get3A_1114 = vector.shape_cast %get3A_1113 : vector<16xf32> to vector<16xf32>
      %mul3A_1115 = vector.broadcast %squeeze3A_1109 : f32 to vector<16xf32>
      %mul3A_1116 = arith.mulf %mul3A_1115, %get3A_1114 : vector<16xf32>
      %add3A_1117 = arith.addf %add3A_1103, %mul3A_1116 : vector<16xf32>
      %mul3A_1118 = arith.constant 16 : i32
      %mul3A_1119 = arith.muli %scan3A_943, %mul3A_1118 : i32
      %add3A_1120 = arith.constant 12 : i32
      %add3A_1121 = arith.addi %mul3A_1119, %add3A_1120 : i32
      %slice3A_1122 = vector.extract_strided_slice %get3A_951 {offsets = [12], sizes = [1], strides = [1]} : vector<16xf32> to vector<1xf32>
      %squeeze3A_1123 = vector.extract %slice3A_1122[0] : f32 from vector<1xf32>
      %mul3A_1124 = arith.constant 16 : i32
      %mul3A_1125 = arith.muli %add3A_1121, %mul3A_1124 : i32
      %get3A_1126 = arith.index_cast %mul3A_1125 : i32 to index
      %get3A_1127 = tpu.vector_load %arg7[%get3A_1126] {strides = array<i32>} : memref<16384xf32, #tpu.memory_space<vmem>>, vector<16xf32>,
      %get3A_1128 = vector.shape_cast %get3A_1127 : vector<16xf32> to vector<16xf32>
      %mul3A_1129 = vector.broadcast %squeeze3A_1123 : f32 to vector<16xf32>
      %mul3A_1130 = arith.mulf %mul3A_1129, %get3A_1128 : vector<16xf32>
      %add3A_1131 = arith.addf %add3A_1117, %mul3A_1130 : vector<16xf32>
      %mul3A_1132 = arith.constant 16 : i32
      %mul3A_1133 = arith.muli %scan3A_943, %mul3A_1132 : i32
      %add3A_1134 = arith.constant 13 : i32
      %add3A_1135 = arith.addi %mul3A_1133, %add3A_1134 : i32
      %slice3A_1136 = vector.extract_strided_slice %get3A_951 {offsets = [13], sizes = [1], strides = [1]} : vector<16xf32> to vector<1xf32>
      %squeeze3A_1137 = vector.extract %slice3A_1136[0] : f32 from vector<1xf32>
      %mul3A_1138 = arith.constant 16 : i32
      %mul3A_1139 = arith.muli %add3A_1135, %mul3A_1138 : i32
      %get3A_1140 = arith.index_cast %mul3A_1139 : i32 to index
      %get3A_1141 = tpu.vector_load %arg7[%get3A_1140] {strides = array<i32>} : memref<16384xf32, #tpu.memory_space<vmem>>, vector<16xf32>,
      %get3A_1142 = vector.shape_cast %get3A_1141 : vector<16xf32> to vector<16xf32>
      %mul3A_1143 = vector.broadcast %squeeze3A_1137 : f32 to vector<16xf32>
      %mul3A_1144 = arith.mulf %mul3A_1143, %get3A_1142 : vector<16xf32>
      %add3A_1145 = arith.addf %add3A_1131, %mul3A_1144 : vector<16xf32>
      %mul3A_1146 = arith.constant 16 : i32
      %mul3A_1147 = arith.muli %scan3A_943, %mul3A_1146 : i32
      %add3A_1148 = arith.constant 14 : i32
      %add3A_1149 = arith.addi %mul3A_1147, %add3A_1148 : i32
      %slice3A_1150 = vector.extract_strided_slice %get3A_951 {offsets = [14], sizes = [1], strides = [1]} : vector<16xf32> to vector<1xf32>
      %squeeze3A_1151 = vector.extract %slice3A_1150[0] : f32 from vector<1xf32>
      %mul3A_1152 = arith.constant 16 : i32
      %mul3A_1153 = arith.muli %add3A_1149, %mul3A_1152 : i32
      %get3A_1154 = arith.index_cast %mul3A_1153 : i32 to index
      %get3A_1155 = tpu.vector_load %arg7[%get3A_1154] {strides = array<i32>} : memref<16384xf32, #tpu.memory_space<vmem>>, vector<16xf32>,
      %get3A_1156 = vector.shape_cast %get3A_1155 : vector<16xf32> to vector<16xf32>
      %mul3A_1157 = vector.broadcast %squeeze3A_1151 : f32 to vector<16xf32>
      %mul3A_1158 = arith.mulf %mul3A_1157, %get3A_1156 : vector<16xf32>
      %add3A_1159 = arith.addf %add3A_1145, %mul3A_1158 : vector<16xf32>
      %mul3A_1160 = arith.constant 16 : i32
      %mul3A_1161 = arith.muli %scan3A_943, %mul3A_1160 : i32
      %add3A_1162 = arith.constant 15 : i32
      %add3A_1163 = arith.addi %mul3A_1161, %add3A_1162 : i32
      %slice3A_1164 = vector.extract_strided_slice %get3A_951 {offsets = [15], sizes = [1], strides = [1]} : vector<16xf32> to vector<1xf32>
      %squeeze3A_1165 = vector.extract %slice3A_1164[0] : f32 from vector<1xf32>
      %mul3A_1166 = arith.constant 16 : i32
      %mul3A_1167 = arith.muli %add3A_1163, %mul3A_1166 : i32
      %get3A_1168 = arith.index_cast %mul3A_1167 : i32 to index
      %get3A_1169 = tpu.vector_load %arg7[%get3A_1168] {strides = array<i32>} : memref<16384xf32, #tpu.memory_space<vmem>>, vector<16xf32>,
      %get3A_1170 = vector.shape_cast %get3A_1169 : vector<16xf32> to vector<16xf32>
      %mul3A_1171 = vector.broadcast %squeeze3A_1165 : f32 to vector<16xf32>
      %mul3A_1172 = arith.mulf %mul3A_1171, %get3A_1170 : vector<16xf32>
      %add3A_1173 = arith.addf %add3A_1159, %mul3A_1172 : vector<16xf32>
      scf.yield %add3A_1173 : vector<16xf32>
    }
    %scan3A_235 = arith.constant 64 : i32
    %iota3A_236 = tpu.iota {dimensions = array<i32: 0>} : vector<16xi32>
    %convert_element_type3A_237 = arith.sitofp %iota3A_236 : vector<16xi32> to vector<16xf32>
    %swap3A_238 = arith.constant 0 : index
    %swap3A_239 = tpu.vector_load %arg10[%swap3A_238] {strides = array<i32>} : memref<32xf32, #tpu.memory_space<vmem>>, vector<16xf32>,
    %swap3A_240 = vector.shape_cast %swap3A_239 : vector<16xf32> to vector<16xf32>
    %swap3A_241 = vector.shape_cast %scan3A_234 : vector<16xf32> to vector<16xf32>
    tpu.vector_store %arg10[%swap3A_238], %swap3A_241 {strides = array<i32>} : memref<32xf32, #tpu.memory_space<vmem>>, vector<16xf32>,
    %swap3A_242 = arith.constant 16 : index
    %swap3A_243 = tpu.vector_load %arg10[%swap3A_242] {strides = array<i32>} : memref<32xf32, #tpu.memory_space<vmem>>, vector<16xf32>,
    %swap3A_244 = vector.shape_cast %swap3A_243 : vector<16xf32> to vector<16xf32>
    %swap3A_245 = vector.shape_cast %scan3A_234 : vector<16xf32> to vector<16xf32>
    tpu.vector_store %arg10[%swap3A_242], %swap3A_245 {strides = array<i32>} : memref<32xf32, #tpu.memory_space<vmem>>, vector<16xf32>,
    %get3A_246 = arith.constant 1 : index
    %get3A_247 = tpu.vector_load %arg10[%get3A_246] {strides = array<i32>} : memref<32xf32, #tpu.memory_space<vmem>>, vector<16xf32>,
    %get3A_248 = vector.shape_cast %get3A_247 : vector<16xf32> to vector<16xf32>
    %max3A_249 = arith.maximumf %scan3A_234, %get3A_248 : vector<16xf32>
    %swap3A_250 = arith.constant 0 : index
    %swap3A_251 = tpu.vector_load %arg10[%swap3A_250] {strides = array<i32>} : memref<32xf32, #tpu.memory_space<vmem>>, vector<16xf32>,
    %swap3A_252 = vector.shape_cast %swap3A_251 : vector<16xf32> to vector<16xf32>
    %swap3A_253 = vector.shape_cast %max3A_249 : vector<16xf32> to vector<16xf32>
    tpu.vector_store %arg10[%swap3A_250], %swap3A_253 {strides = array<i32>} : memref<32xf32, #tpu.memory_space<vmem>>, vector<16xf32>,
    %swap3A_254 = arith.constant 16 : index
    %swap3A_255 = tpu.vector_load %arg10[%swap3A_254] {strides = array<i32>} : memref<32xf32, #tpu.memory_space<vmem>>, vector<16xf32>,
    %swap3A_256 = vector.shape_cast %swap3A_255 : vector<16xf32> to vector<16xf32>
    %swap3A_257 = vector.shape_cast %max3A_249 : vector<16xf32> to vector<16xf32>
    tpu.vector_store %arg10[%swap3A_254], %swap3A_257 {strides = array<i32>} : memref<32xf32, #tpu.memory_space<vmem>>, vector<16xf32>,
    %get3A_258 = arith.constant 2 : index
    %get3A_259 = tpu.vector_load %arg10[%get3A_258] {strides = array<i32>} : memref<32xf32, #tpu.memory_space<vmem>>, vector<16xf32>,
    %get3A_260 = vector.shape_cast %get3A_259 : vector<16xf32> to vector<16xf32>
    %max3A_261 = arith.maximumf %max3A_249, %get3A_260 : vector<16xf32>
    %swap3A_262 = arith.constant 0 : index
    %swap3A_263 = tpu.vector_load %arg10[%swap3A_262] {strides = array<i32>} : memref<32xf32, #tpu.memory_space<vmem>>, vector<16xf32>,
    %swap3A_264 = vector.shape_cast %swap3A_263 : vector<16xf32> to vector<16xf32>
    %swap3A_265 = vector.shape_cast %max3A_261 : vector<16xf32> to vector<16xf32>
    tpu.vector_store %arg10[%swap3A_262], %swap3A_265 {strides = array<i32>} : memref<32xf32, #tpu.memory_space<vmem>>, vector<16xf32>,
    %swap3A_266 = arith.constant 16 : index
    %swap3A_267 = tpu.vector_load %arg10[%swap3A_266] {strides = array<i32>} : memref<32xf32, #tpu.memory_space<vmem>>, vector<16xf32>,
    %swap3A_268 = vector.shape_cast %swap3A_267 : vector<16xf32> to vector<16xf32>
    %swap3A_269 = vector.shape_cast %max3A_261 : vector<16xf32> to vector<16xf32>
    tpu.vector_store %arg10[%swap3A_266], %swap3A_269 {strides = array<i32>} : memref<32xf32, #tpu.memory_space<vmem>>, vector<16xf32>,
    %get3A_270 = arith.constant 4 : index
    %get3A_271 = tpu.vector_load %arg10[%get3A_270] {strides = array<i32>} : memref<32xf32, #tpu.memory_space<vmem>>, vector<16xf32>,
    %get3A_272 = vector.shape_cast %get3A_271 : vector<16xf32> to vector<16xf32>
    %max3A_273 = arith.maximumf %max3A_261, %get3A_272 : vector<16xf32>
    %swap3A_274 = arith.constant 0 : index
    %swap3A_275 = tpu.vector_load %arg10[%swap3A_274] {strides = array<i32>} : memref<32xf32, #tpu.memory_space<vmem>>, vector<16xf32>,
    %swap3A_276 = vector.shape_cast %swap3A_275 : vector<16xf32> to vector<16xf32>
    %swap3A_277 = vector.shape_cast %max3A_273 : vector<16xf32> to vector<16xf32>
    tpu.vector_store %arg10[%swap3A_274], %swap3A_277 {strides = array<i32>} : memref<32xf32, #tpu.memory_space<vmem>>, vector<16xf32>,
    %swap3A_278 = arith.constant 16 : index
    %swap3A_279 = tpu.vector_load %arg10[%swap3A_278] {strides = array<i32>} : memref<32xf32, #tpu.memory_space<vmem>>, vector<16xf32>,
    %swap3A_280 = vector.shape_cast %swap3A_279 : vector<16xf32> to vector<16xf32>
    %swap3A_281 = vector.shape_cast %max3A_273 : vector<16xf32> to vector<16xf32>
    tpu.vector_store %arg10[%swap3A_278], %swap3A_281 {strides = array<i32>} : memref<32xf32, #tpu.memory_space<vmem>>, vector<16xf32>,
    %get3A_282 = arith.constant 8 : index
    %get3A_283 = tpu.vector_load %arg10[%get3A_282] {strides = array<i32>} : memref<32xf32, #tpu.memory_space<vmem>>, vector<16xf32>,
    %get3A_284 = vector.shape_cast %get3A_283 : vector<16xf32> to vector<16xf32>
    %max3A_285 = arith.maximumf %max3A_273, %get3A_284 : vector<16xf32>
    %eq3A_286 = arith.cmpf oeq, %scan3A_234, %max3A_285 : vector<16xf32>
    %jit3A_287 = arith.constant 9.900000e+01 : f32
    %broadcast_in_dim3A_288 = vector.broadcast %jit3A_287 : f32 to vector<16xf32>
    %select_n3A_289 = arith.select %eq3A_286, %convert_element_type3A_237, %broadcast_in_dim3A_288 : vector<16xi1>, vector<16xf32>
    %swap3A_290 = arith.constant 0 : index
    %swap3A_291 = tpu.vector_load %arg10[%swap3A_290] {strides = array<i32>} : memref<32xf32, #tpu.memory_space<vmem>>, vector<16xf32>,
    %swap3A_292 = vector.shape_cast %swap3A_291 : vector<16xf32> to vector<16xf32>
    %swap3A_293 = vector.shape_cast %select_n3A_289 : vector<16xf32> to vector<16xf32>
    tpu.vector_store %arg10[%swap3A_290], %swap3A_293 {strides = array<i32>} : memref<32xf32, #tpu.memory_space<vmem>>, vector<16xf32>,
    %swap3A_294 = arith.constant 16 : index
    %swap3A_295 = tpu.vector_load %arg10[%swap3A_294] {strides = array<i32>} : memref<32xf32, #tpu.memory_space<vmem>>, vector<16xf32>,
    %swap3A_296 = vector.shape_cast %swap3A_295 : vector<16xf32> to vector<16xf32>
    %swap3A_297 = vector.shape_cast %select_n3A_289 : vector<16xf32> to vector<16xf32>
    tpu.vector_store %arg10[%swap3A_294], %swap3A_297 {strides = array<i32>} : memref<32xf32, #tpu.memory_space<vmem>>, vector<16xf32>,
    %get3A_298 = arith.constant 1 : index
    %get3A_299 = tpu.vector_load %arg10[%get3A_298] {strides = array<i32>} : memref<32xf32, #tpu.memory_space<vmem>>, vector<16xf32>,
    %get3A_300 = vector.shape_cast %get3A_299 : vector<16xf32> to vector<16xf32>
    %min3A_301 = arith.minimumf %select_n3A_289, %get3A_300 : vector<16xf32>
    %swap3A_302 = arith.constant 0 : index
    %swap3A_303 = tpu.vector_load %arg10[%swap3A_302] {strides = array<i32>} : memref<32xf32, #tpu.memory_space<vmem>>, vector<16xf32>,
    %swap3A_304 = vector.shape_cast %swap3A_303 : vector<16xf32> to vector<16xf32>
    %swap3A_305 = vector.shape_cast %min3A_301 : vector<16xf32> to vector<16xf32>
    tpu.vector_store %arg10[%swap3A_302], %swap3A_305 {strides = array<i32>} : memref<32xf32, #tpu.memory_space<vmem>>, vector<16xf32>,
    %swap3A_306 = arith.constant 16 : index
    %swap3A_307 = tpu.vector_load %arg10[%swap3A_306] {strides = array<i32>} : memref<32xf32, #tpu.memory_space<vmem>>, vector<16xf32>,
    %swap3A_308 = vector.shape_cast %swap3A_307 : vector<16xf32> to vector<16xf32>
    %swap3A_309 = vector.shape_cast %min3A_301 : vector<16xf32> to vector<16xf32>
    tpu.vector_store %arg10[%swap3A_306], %swap3A_309 {strides = array<i32>} : memref<32xf32, #tpu.memory_space<vmem>>, vector<16xf32>,
    %get3A_310 = arith.constant 2 : index
    %get3A_311 = tpu.vector_load %arg10[%get3A_310] {strides = array<i32>} : memref<32xf32, #tpu.memory_space<vmem>>, vector<16xf32>,
    %get3A_312 = vector.shape_cast %get3A_311 : vector<16xf32> to vector<16xf32>
    %min3A_313 = arith.minimumf %min3A_301, %get3A_312 : vector<16xf32>
    %swap3A_314 = arith.constant 0 : index
    %swap3A_315 = tpu.vector_load %arg10[%swap3A_314] {strides = array<i32>} : memref<32xf32, #tpu.memory_space<vmem>>, vector<16xf32>,
    %swap3A_316 = vector.shape_cast %swap3A_315 : vector<16xf32> to vector<16xf32>
    %swap3A_317 = vector.shape_cast %min3A_313 : vector<16xf32> to vector<16xf32>
    tpu.vector_store %arg10[%swap3A_314], %swap3A_317 {strides = array<i32>} : memref<32xf32, #tpu.memory_space<vmem>>, vector<16xf32>,
    %swap3A_318 = arith.constant 16 : index
    %swap3A_319 = tpu.vector_load %arg10[%swap3A_318] {strides = array<i32>} : memref<32xf32, #tpu.memory_space<vmem>>, vector<16xf32>,
    %swap3A_320 = vector.shape_cast %swap3A_319 : vector<16xf32> to vector<16xf32>
    %swap3A_321 = vector.shape_cast %min3A_313 : vector<16xf32> to vector<16xf32>
    tpu.vector_store %arg10[%swap3A_318], %swap3A_321 {strides = array<i32>} : memref<32xf32, #tpu.memory_space<vmem>>, vector<16xf32>,
    %get3A_322 = arith.constant 4 : index
    %get3A_323 = tpu.vector_load %arg10[%get3A_322] {strides = array<i32>} : memref<32xf32, #tpu.memory_space<vmem>>, vector<16xf32>,
    %get3A_324 = vector.shape_cast %get3A_323 : vector<16xf32> to vector<16xf32>
    %min3A_325 = arith.minimumf %min3A_313, %get3A_324 : vector<16xf32>
    %swap3A_326 = arith.constant 0 : index
    %swap3A_327 = tpu.vector_load %arg10[%swap3A_326] {strides = array<i32>} : memref<32xf32, #tpu.memory_space<vmem>>, vector<16xf32>,
    %swap3A_328 = vector.shape_cast %swap3A_327 : vector<16xf32> to vector<16xf32>
    %swap3A_329 = vector.shape_cast %min3A_325 : vector<16xf32> to vector<16xf32>
    tpu.vector_store %arg10[%swap3A_326], %swap3A_329 {strides = array<i32>} : memref<32xf32, #tpu.memory_space<vmem>>, vector<16xf32>,
    %swap3A_330 = arith.constant 16 : index
    %swap3A_331 = tpu.vector_load %arg10[%swap3A_330] {strides = array<i32>} : memref<32xf32, #tpu.memory_space<vmem>>, vector<16xf32>,
    %swap3A_332 = vector.shape_cast %swap3A_331 : vector<16xf32> to vector<16xf32>
    %swap3A_333 = vector.shape_cast %min3A_325 : vector<16xf32> to vector<16xf32>
    tpu.vector_store %arg10[%swap3A_330], %swap3A_333 {strides = array<i32>} : memref<32xf32, #tpu.memory_space<vmem>>, vector<16xf32>,
    %get3A_334 = arith.constant 8 : index
    %get3A_335 = tpu.vector_load %arg10[%get3A_334] {strides = array<i32>} : memref<32xf32, #tpu.memory_space<vmem>>, vector<16xf32>,
    %get3A_336 = vector.shape_cast %get3A_335 : vector<16xf32> to vector<16xf32>
    %min3A_337 = arith.minimumf %min3A_325, %get3A_336 : vector<16xf32>
    %eq3A_338 = arith.cmpf oeq, %convert_element_type3A_237, %min3A_337 : vector<16xf32>
    %jit3A_339 = arith.constant -1.000000e+30 : f32
    %broadcast_in_dim3A_340 = vector.broadcast %jit3A_339 : f32 to vector<16xf32>
    %select_n3A_341 = arith.select %eq3A_338, %broadcast_in_dim3A_340, %scan3A_234 : vector<16xi1>, vector<16xf32>
    %swap3A_342 = arith.constant 0 : index
    %swap3A_343 = tpu.vector_load %arg10[%swap3A_342] {strides = array<i32>} : memref<32xf32, #tpu.memory_space<vmem>>, vector<16xf32>,
    %swap3A_344 = vector.shape_cast %swap3A_343 : vector<16xf32> to vector<16xf32>
    %swap3A_345 = vector.shape_cast %select_n3A_341 : vector<16xf32> to vector<16xf32>
    tpu.vector_store %arg10[%swap3A_342], %swap3A_345 {strides = array<i32>} : memref<32xf32, #tpu.memory_space<vmem>>, vector<16xf32>,
    %swap3A_346 = arith.constant 16 : index
    %swap3A_347 = tpu.vector_load %arg10[%swap3A_346] {strides = array<i32>} : memref<32xf32, #tpu.memory_space<vmem>>, vector<16xf32>,
    %swap3A_348 = vector.shape_cast %swap3A_347 : vector<16xf32> to vector<16xf32>
    %swap3A_349 = vector.shape_cast %select_n3A_341 : vector<16xf32> to vector<16xf32>
    tpu.vector_store %arg10[%swap3A_346], %swap3A_349 {strides = array<i32>} : memref<32xf32, #tpu.memory_space<vmem>>, vector<16xf32>,
    %get3A_350 = arith.constant 1 : index
    %get3A_351 = tpu.vector_load %arg10[%get3A_350] {strides = array<i32>} : memref<32xf32, #tpu.memory_space<vmem>>, vector<16xf32>,
    %get3A_352 = vector.shape_cast %get3A_351 : vector<16xf32> to vector<16xf32>
    %max3A_353 = arith.maximumf %select_n3A_341, %get3A_352 : vector<16xf32>
    %swap3A_354 = arith.constant 0 : index
    %swap3A_355 = tpu.vector_load %arg10[%swap3A_354] {strides = array<i32>} : memref<32xf32, #tpu.memory_space<vmem>>, vector<16xf32>,
    %swap3A_356 = vector.shape_cast %swap3A_355 : vector<16xf32> to vector<16xf32>
    %swap3A_357 = vector.shape_cast %max3A_353 : vector<16xf32> to vector<16xf32>
    tpu.vector_store %arg10[%swap3A_354], %swap3A_357 {strides = array<i32>} : memref<32xf32, #tpu.memory_space<vmem>>, vector<16xf32>,
    %swap3A_358 = arith.constant 16 : index
    %swap3A_359 = tpu.vector_load %arg10[%swap3A_358] {strides = array<i32>} : memref<32xf32, #tpu.memory_space<vmem>>, vector<16xf32>,
    %swap3A_360 = vector.shape_cast %swap3A_359 : vector<16xf32> to vector<16xf32>
    %swap3A_361 = vector.shape_cast %max3A_353 : vector<16xf32> to vector<16xf32>
    tpu.vector_store %arg10[%swap3A_358], %swap3A_361 {strides = array<i32>} : memref<32xf32, #tpu.memory_space<vmem>>, vector<16xf32>,
    %get3A_362 = arith.constant 2 : index
    %get3A_363 = tpu.vector_load %arg10[%get3A_362] {strides = array<i32>} : memref<32xf32, #tpu.memory_space<vmem>>, vector<16xf32>,
    %get3A_364 = vector.shape_cast %get3A_363 : vector<16xf32> to vector<16xf32>
    %max3A_365 = arith.maximumf %max3A_353, %get3A_364 : vector<16xf32>
    %swap3A_366 = arith.constant 0 : index
    %swap3A_367 = tpu.vector_load %arg10[%swap3A_366] {strides = array<i32>} : memref<32xf32, #tpu.memory_space<vmem>>, vector<16xf32>,
    %swap3A_368 = vector.shape_cast %swap3A_367 : vector<16xf32> to vector<16xf32>
    %swap3A_369 = vector.shape_cast %max3A_365 : vector<16xf32> to vector<16xf32>
    tpu.vector_store %arg10[%swap3A_366], %swap3A_369 {strides = array<i32>} : memref<32xf32, #tpu.memory_space<vmem>>, vector<16xf32>,
    %swap3A_370 = arith.constant 16 : index
    %swap3A_371 = tpu.vector_load %arg10[%swap3A_370] {strides = array<i32>} : memref<32xf32, #tpu.memory_space<vmem>>, vector<16xf32>,
    %swap3A_372 = vector.shape_cast %swap3A_371 : vector<16xf32> to vector<16xf32>
    %swap3A_373 = vector.shape_cast %max3A_365 : vector<16xf32> to vector<16xf32>
    tpu.vector_store %arg10[%swap3A_370], %swap3A_373 {strides = array<i32>} : memref<32xf32, #tpu.memory_space<vmem>>, vector<16xf32>,
    %get3A_374 = arith.constant 4 : index
    %get3A_375 = tpu.vector_load %arg10[%get3A_374] {strides = array<i32>} : memref<32xf32, #tpu.memory_space<vmem>>, vector<16xf32>,
    %get3A_376 = vector.shape_cast %get3A_375 : vector<16xf32> to vector<16xf32>
    %max3A_377 = arith.maximumf %max3A_365, %get3A_376 : vector<16xf32>
    %swap3A_378 = arith.constant 0 : index
    %swap3A_379 = tpu.vector_load %arg10[%swap3A_378] {strides = array<i32>} : memref<32xf32, #tpu.memory_space<vmem>>, vector<16xf32>,
    %swap3A_380 = vector.shape_cast %swap3A_379 : vector<16xf32> to vector<16xf32>
    %swap3A_381 = vector.shape_cast %max3A_377 : vector<16xf32> to vector<16xf32>
    tpu.vector_store %arg10[%swap3A_378], %swap3A_381 {strides = array<i32>} : memref<32xf32, #tpu.memory_space<vmem>>, vector<16xf32>,
    %swap3A_382 = arith.constant 16 : index
    %swap3A_383 = tpu.vector_load %arg10[%swap3A_382] {strides = array<i32>} : memref<32xf32, #tpu.memory_space<vmem>>, vector<16xf32>,
    %swap3A_384 = vector.shape_cast %swap3A_383 : vector<16xf32> to vector<16xf32>
    %swap3A_385 = vector.shape_cast %max3A_377 : vector<16xf32> to vector<16xf32>
    tpu.vector_store %arg10[%swap3A_382], %swap3A_385 {strides = array<i32>} : memref<32xf32, #tpu.memory_space<vmem>>, vector<16xf32>,
    %get3A_386 = arith.constant 8 : index
    %get3A_387 = tpu.vector_load %arg10[%get3A_386] {strides = array<i32>} : memref<32xf32, #tpu.memory_space<vmem>>, vector<16xf32>,
    %get3A_388 = vector.shape_cast %get3A_387 : vector<16xf32> to vector<16xf32>
    %max3A_389 = arith.maximumf %max3A_377, %get3A_388 : vector<16xf32>
    %eq3A_390 = arith.cmpf oeq, %select_n3A_341, %max3A_389 : vector<16xf32>
    %jit3A_391 = arith.constant 9.900000e+01 : f32
    %broadcast_in_dim3A_392 = vector.broadcast %jit3A_391 : f32 to vector<16xf32>
    %select_n3A_393 = arith.select %eq3A_390, %convert_element_type3A_237, %broadcast_in_dim3A_392 : vector<16xi1>, vector<16xf32>
    %swap3A_394 = arith.constant 0 : index
    %swap3A_395 = tpu.vector_load %arg10[%swap3A_394] {strides = array<i32>} : memref<32xf32, #tpu.memory_space<vmem>>, vector<16xf32>,
    %swap3A_396 = vector.shape_cast %swap3A_395 : vector<16xf32> to vector<16xf32>
    %swap3A_397 = vector.shape_cast %select_n3A_393 : vector<16xf32> to vector<16xf32>
    tpu.vector_store %arg10[%swap3A_394], %swap3A_397 {strides = array<i32>} : memref<32xf32, #tpu.memory_space<vmem>>, vector<16xf32>,
    %swap3A_398 = arith.constant 16 : index
    %swap3A_399 = tpu.vector_load %arg10[%swap3A_398] {strides = array<i32>} : memref<32xf32, #tpu.memory_space<vmem>>, vector<16xf32>,
    %swap3A_400 = vector.shape_cast %swap3A_399 : vector<16xf32> to vector<16xf32>
    %swap3A_401 = vector.shape_cast %select_n3A_393 : vector<16xf32> to vector<16xf32>
    tpu.vector_store %arg10[%swap3A_398], %swap3A_401 {strides = array<i32>} : memref<32xf32, #tpu.memory_space<vmem>>, vector<16xf32>,
    %get3A_402 = arith.constant 1 : index
    %get3A_403 = tpu.vector_load %arg10[%get3A_402] {strides = array<i32>} : memref<32xf32, #tpu.memory_space<vmem>>, vector<16xf32>,
    %get3A_404 = vector.shape_cast %get3A_403 : vector<16xf32> to vector<16xf32>
    %min3A_405 = arith.minimumf %select_n3A_393, %get3A_404 : vector<16xf32>
    %swap3A_406 = arith.constant 0 : index
    %swap3A_407 = tpu.vector_load %arg10[%swap3A_406] {strides = array<i32>} : memref<32xf32, #tpu.memory_space<vmem>>, vector<16xf32>,
    %swap3A_408 = vector.shape_cast %swap3A_407 : vector<16xf32> to vector<16xf32>
    %swap3A_409 = vector.shape_cast %min3A_405 : vector<16xf32> to vector<16xf32>
    tpu.vector_store %arg10[%swap3A_406], %swap3A_409 {strides = array<i32>} : memref<32xf32, #tpu.memory_space<vmem>>, vector<16xf32>,
    %swap3A_410 = arith.constant 16 : index
    %swap3A_411 = tpu.vector_load %arg10[%swap3A_410] {strides = array<i32>} : memref<32xf32, #tpu.memory_space<vmem>>, vector<16xf32>,
    %swap3A_412 = vector.shape_cast %swap3A_411 : vector<16xf32> to vector<16xf32>
    %swap3A_413 = vector.shape_cast %min3A_405 : vector<16xf32> to vector<16xf32>
    tpu.vector_store %arg10[%swap3A_410], %swap3A_413 {strides = array<i32>} : memref<32xf32, #tpu.memory_space<vmem>>, vector<16xf32>,
    %get3A_414 = arith.constant 2 : index
    %get3A_415 = tpu.vector_load %arg10[%get3A_414] {strides = array<i32>} : memref<32xf32, #tpu.memory_space<vmem>>, vector<16xf32>,
    %get3A_416 = vector.shape_cast %get3A_415 : vector<16xf32> to vector<16xf32>
    %min3A_417 = arith.minimumf %min3A_405, %get3A_416 : vector<16xf32>
    %swap3A_418 = arith.constant 0 : index
    %swap3A_419 = tpu.vector_load %arg10[%swap3A_418] {strides = array<i32>} : memref<32xf32, #tpu.memory_space<vmem>>, vector<16xf32>,
    %swap3A_420 = vector.shape_cast %swap3A_419 : vector<16xf32> to vector<16xf32>
    %swap3A_421 = vector.shape_cast %min3A_417 : vector<16xf32> to vector<16xf32>
    tpu.vector_store %arg10[%swap3A_418], %swap3A_421 {strides = array<i32>} : memref<32xf32, #tpu.memory_space<vmem>>, vector<16xf32>,
    %swap3A_422 = arith.constant 16 : index
    %swap3A_423 = tpu.vector_load %arg10[%swap3A_422] {strides = array<i32>} : memref<32xf32, #tpu.memory_space<vmem>>, vector<16xf32>,
    %swap3A_424 = vector.shape_cast %swap3A_423 : vector<16xf32> to vector<16xf32>
    %swap3A_425 = vector.shape_cast %min3A_417 : vector<16xf32> to vector<16xf32>
    tpu.vector_store %arg10[%swap3A_422], %swap3A_425 {strides = array<i32>} : memref<32xf32, #tpu.memory_space<vmem>>, vector<16xf32>,
    %get3A_426 = arith.constant 4 : index
    %get3A_427 = tpu.vector_load %arg10[%get3A_426] {strides = array<i32>} : memref<32xf32, #tpu.memory_space<vmem>>, vector<16xf32>,
    %get3A_428 = vector.shape_cast %get3A_427 : vector<16xf32> to vector<16xf32>
    %min3A_429 = arith.minimumf %min3A_417, %get3A_428 : vector<16xf32>
    %swap3A_430 = arith.constant 0 : index
    %swap3A_431 = tpu.vector_load %arg10[%swap3A_430] {strides = array<i32>} : memref<32xf32, #tpu.memory_space<vmem>>, vector<16xf32>,
    %swap3A_432 = vector.shape_cast %swap3A_431 : vector<16xf32> to vector<16xf32>
    %swap3A_433 = vector.shape_cast %min3A_429 : vector<16xf32> to vector<16xf32>
    tpu.vector_store %arg10[%swap3A_430], %swap3A_433 {strides = array<i32>} : memref<32xf32, #tpu.memory_space<vmem>>, vector<16xf32>,
    %swap3A_434 = arith.constant 16 : index
    %swap3A_435 = tpu.vector_load %arg10[%swap3A_434] {strides = array<i32>} : memref<32xf32, #tpu.memory_space<vmem>>, vector<16xf32>,
    %swap3A_436 = vector.shape_cast %swap3A_435 : vector<16xf32> to vector<16xf32>
    %swap3A_437 = vector.shape_cast %min3A_429 : vector<16xf32> to vector<16xf32>
    tpu.vector_store %arg10[%swap3A_434], %swap3A_437 {strides = array<i32>} : memref<32xf32, #tpu.memory_space<vmem>>, vector<16xf32>,
    %get3A_438 = arith.constant 8 : index
    %get3A_439 = tpu.vector_load %arg10[%get3A_438] {strides = array<i32>} : memref<32xf32, #tpu.memory_space<vmem>>, vector<16xf32>,
    %get3A_440 = vector.shape_cast %get3A_439 : vector<16xf32> to vector<16xf32>
    %min3A_441 = arith.minimumf %min3A_429, %get3A_440 : vector<16xf32>
    %sub3A_442 = arith.subf %max3A_389, %max3A_285 : vector<16xf32>
    %exp3A_443 = math.exp %sub3A_442 : vector<16xf32>
    %add3A_444 = arith.constant 1.000000e+00 : f32
    %add3A_445 = vector.broadcast %add3A_444 : f32 to vector<16xf32>
    %add3A_446 = arith.addf %add3A_445, %exp3A_443 : vector<16xf32>
    %div3A_447 = arith.constant 1.000000e+00 : f32
    %div3A_448 = vector.broadcast %div3A_447 : f32 to vector<16xf32>
    %div3A_449 = arith.divf %div3A_448, %add3A_446 : vector<16xf32>
    %add3A_450 = arith.constant 1.000000e+00 : f32
    %add3A_451 = vector.broadcast %add3A_450 : f32 to vector<16xf32>
    %add3A_452 = arith.addf %add3A_451, %exp3A_443 : vector<16xf32>
    %div3A_453 = arith.divf %exp3A_443, %add3A_452 : vector<16xf32>
    %broadcast_in_dim3A_454 = arith.constant 0.000000e+00 : f32
    %broadcast_in_dim3A_455 = vector.broadcast %broadcast_in_dim3A_454 : f32 to vector<16xf32>
    %eq3A_456 = arith.cmpf oeq, %convert_element_type3A_237, %min3A_337 : vector<16xf32>
    %select_n3A_457 = arith.select %eq3A_456, %div3A_449, %broadcast_in_dim3A_455 : vector<16xi1>, vector<16xf32>
    %eq3A_458 = arith.cmpf oeq, %convert_element_type3A_237, %min3A_441 : vector<16xf32>
    %select_n3A_459 = arith.select %eq3A_458, %div3A_453, %broadcast_in_dim3A_455 : vector<16xi1>, vector<16xf32>
    %add3A_460 = arith.addf %select_n3A_457, %select_n3A_459 : vector<16xf32>
    %swap3A_461 = arith.constant 16 : index
    %swap3A_462 = tpu.vector_load %arg9[%swap3A_461] {strides = array<i32>} : memref<64xf32, #tpu.memory_space<vmem>>, vector<16xf32>,
    %swap3A_463 = vector.shape_cast %swap3A_462 : vector<16xf32> to vector<16xf32>
    %swap3A_464 = vector.shape_cast %add3A_460 : vector<16xf32> to vector<16xf32>
    tpu.vector_store %arg9[%swap3A_461], %swap3A_464 {strides = array<i32>} : memref<64xf32, #tpu.memory_space<vmem>>, vector<16xf32>,
    %get3A_465 = arith.constant 0 : index
    %get3A_466 = tpu.vector_load %arg8[%get3A_465] {strides = array<i32>} : memref<16xf32, #tpu.memory_space<vmem>>, vector<16xf32>,
    %get3A_467 = vector.shape_cast %get3A_466 : vector<16xf32> to vector<16xf32>
    %scan3A_468 = arith.constant 0 : i32
    %scan3A_469 = arith.constant 64 : i32
    %scan3A_470 = arith.addi %scan3A_468, %scan3A_469 : i32
    %scan3A_471 = arith.constant 1 : i32
    %scan3A_472 = scf.for %scan3A_943 = %scan3A_468 to %scan3A_470 step %scan3A_471 iter_args(%scan3A_944 = %get3A_467) -> (vector<16xf32>)  : i32 {
      %mul3A_945 = arith.constant 16 : i32
      %mul3A_946 = arith.muli %scan3A_943, %mul3A_945 : i32
      %add3A_947 = arith.constant 2048 : i32
      %add3A_948 = arith.addi %add3A_947, %mul3A_946 : i32
      %get3A_949 = arith.index_cast %add3A_948 : i32 to index
      %get3A_950 = tpu.vector_load %arg6[%get3A_949] {strides = array<i32>} : memref<4096xf32, #tpu.memory_space<vmem>>, vector<16xf32>,
      %get3A_951 = vector.shape_cast %get3A_950 : vector<16xf32> to vector<16xf32>
      %mul3A_952 = arith.constant 16 : i32
      %mul3A_953 = arith.muli %scan3A_943, %mul3A_952 : i32
      %add3A_954 = arith.constant 0 : i32
      %add3A_955 = arith.addi %mul3A_953, %add3A_954 : i32
      %slice3A = vector.extract_strided_slice %get3A_951 {offsets = [0], sizes = [1], strides = [1]} : vector<16xf32> to vector<1xf32>
      %squeeze3A = vector.extract %slice3A[0] : f32 from vector<1xf32>
      %mul3A_956 = arith.constant 16 : i32
      %mul3A_957 = arith.muli %add3A_955, %mul3A_956 : i32
      %get3A_958 = arith.index_cast %mul3A_957 : i32 to index
      %get3A_959 = tpu.vector_load %arg7[%get3A_958] {strides = array<i32>} : memref<16384xf32, #tpu.memory_space<vmem>>, vector<16xf32>,
      %get3A_960 = vector.shape_cast %get3A_959 : vector<16xf32> to vector<16xf32>
      %mul3A_961 = vector.broadcast %squeeze3A : f32 to vector<16xf32>
      %mul3A_962 = arith.mulf %mul3A_961, %get3A_960 : vector<16xf32>
      %add3A_963 = arith.addf %scan3A_944, %mul3A_962 : vector<16xf32>
      %mul3A_964 = arith.constant 16 : i32
      %mul3A_965 = arith.muli %scan3A_943, %mul3A_964 : i32
      %add3A_966 = arith.constant 1 : i32
      %add3A_967 = arith.addi %mul3A_965, %add3A_966 : i32
      %slice3A_968 = vector.extract_strided_slice %get3A_951 {offsets = [1], sizes = [1], strides = [1]} : vector<16xf32> to vector<1xf32>
      %squeeze3A_969 = vector.extract %slice3A_968[0] : f32 from vector<1xf32>
      %mul3A_970 = arith.constant 16 : i32
      %mul3A_971 = arith.muli %add3A_967, %mul3A_970 : i32
      %get3A_972 = arith.index_cast %mul3A_971 : i32 to index
      %get3A_973 = tpu.vector_load %arg7[%get3A_972] {strides = array<i32>} : memref<16384xf32, #tpu.memory_space<vmem>>, vector<16xf32>,
      %get3A_974 = vector.shape_cast %get3A_973 : vector<16xf32> to vector<16xf32>
      %mul3A_975 = vector.broadcast %squeeze3A_969 : f32 to vector<16xf32>
      %mul3A_976 = arith.mulf %mul3A_975, %get3A_974 : vector<16xf32>
      %add3A_977 = arith.addf %add3A_963, %mul3A_976 : vector<16xf32>
      %mul3A_978 = arith.constant 16 : i32
      %mul3A_979 = arith.muli %scan3A_943, %mul3A_978 : i32
      %add3A_980 = arith.constant 2 : i32
      %add3A_981 = arith.addi %mul3A_979, %add3A_980 : i32
      %slice3A_982 = vector.extract_strided_slice %get3A_951 {offsets = [2], sizes = [1], strides = [1]} : vector<16xf32> to vector<1xf32>
      %squeeze3A_983 = vector.extract %slice3A_982[0] : f32 from vector<1xf32>
      %mul3A_984 = arith.constant 16 : i32
      %mul3A_985 = arith.muli %add3A_981, %mul3A_984 : i32
      %get3A_986 = arith.index_cast %mul3A_985 : i32 to index
      %get3A_987 = tpu.vector_load %arg7[%get3A_986] {strides = array<i32>} : memref<16384xf32, #tpu.memory_space<vmem>>, vector<16xf32>,
      %get3A_988 = vector.shape_cast %get3A_987 : vector<16xf32> to vector<16xf32>
      %mul3A_989 = vector.broadcast %squeeze3A_983 : f32 to vector<16xf32>
      %mul3A_990 = arith.mulf %mul3A_989, %get3A_988 : vector<16xf32>
      %add3A_991 = arith.addf %add3A_977, %mul3A_990 : vector<16xf32>
      %mul3A_992 = arith.constant 16 : i32
      %mul3A_993 = arith.muli %scan3A_943, %mul3A_992 : i32
      %add3A_994 = arith.constant 3 : i32
      %add3A_995 = arith.addi %mul3A_993, %add3A_994 : i32
      %slice3A_996 = vector.extract_strided_slice %get3A_951 {offsets = [3], sizes = [1], strides = [1]} : vector<16xf32> to vector<1xf32>
      %squeeze3A_997 = vector.extract %slice3A_996[0] : f32 from vector<1xf32>
      %mul3A_998 = arith.constant 16 : i32
      %mul3A_999 = arith.muli %add3A_995, %mul3A_998 : i32
      %get3A_1000 = arith.index_cast %mul3A_999 : i32 to index
      %get3A_1001 = tpu.vector_load %arg7[%get3A_1000] {strides = array<i32>} : memref<16384xf32, #tpu.memory_space<vmem>>, vector<16xf32>,
      %get3A_1002 = vector.shape_cast %get3A_1001 : vector<16xf32> to vector<16xf32>
      %mul3A_1003 = vector.broadcast %squeeze3A_997 : f32 to vector<16xf32>
      %mul3A_1004 = arith.mulf %mul3A_1003, %get3A_1002 : vector<16xf32>
      %add3A_1005 = arith.addf %add3A_991, %mul3A_1004 : vector<16xf32>
      %mul3A_1006 = arith.constant 16 : i32
      %mul3A_1007 = arith.muli %scan3A_943, %mul3A_1006 : i32
      %add3A_1008 = arith.constant 4 : i32
      %add3A_1009 = arith.addi %mul3A_1007, %add3A_1008 : i32
      %slice3A_1010 = vector.extract_strided_slice %get3A_951 {offsets = [4], sizes = [1], strides = [1]} : vector<16xf32> to vector<1xf32>
      %squeeze3A_1011 = vector.extract %slice3A_1010[0] : f32 from vector<1xf32>
      %mul3A_1012 = arith.constant 16 : i32
      %mul3A_1013 = arith.muli %add3A_1009, %mul3A_1012 : i32
      %get3A_1014 = arith.index_cast %mul3A_1013 : i32 to index
      %get3A_1015 = tpu.vector_load %arg7[%get3A_1014] {strides = array<i32>} : memref<16384xf32, #tpu.memory_space<vmem>>, vector<16xf32>,
      %get3A_1016 = vector.shape_cast %get3A_1015 : vector<16xf32> to vector<16xf32>
      %mul3A_1017 = vector.broadcast %squeeze3A_1011 : f32 to vector<16xf32>
      %mul3A_1018 = arith.mulf %mul3A_1017, %get3A_1016 : vector<16xf32>
      %add3A_1019 = arith.addf %add3A_1005, %mul3A_1018 : vector<16xf32>
      %mul3A_1020 = arith.constant 16 : i32
      %mul3A_1021 = arith.muli %scan3A_943, %mul3A_1020 : i32
      %add3A_1022 = arith.constant 5 : i32
      %add3A_1023 = arith.addi %mul3A_1021, %add3A_1022 : i32
      %slice3A_1024 = vector.extract_strided_slice %get3A_951 {offsets = [5], sizes = [1], strides = [1]} : vector<16xf32> to vector<1xf32>
      %squeeze3A_1025 = vector.extract %slice3A_1024[0] : f32 from vector<1xf32>
      %mul3A_1026 = arith.constant 16 : i32
      %mul3A_1027 = arith.muli %add3A_1023, %mul3A_1026 : i32
      %get3A_1028 = arith.index_cast %mul3A_1027 : i32 to index
      %get3A_1029 = tpu.vector_load %arg7[%get3A_1028] {strides = array<i32>} : memref<16384xf32, #tpu.memory_space<vmem>>, vector<16xf32>,
      %get3A_1030 = vector.shape_cast %get3A_1029 : vector<16xf32> to vector<16xf32>
      %mul3A_1031 = vector.broadcast %squeeze3A_1025 : f32 to vector<16xf32>
      %mul3A_1032 = arith.mulf %mul3A_1031, %get3A_1030 : vector<16xf32>
      %add3A_1033 = arith.addf %add3A_1019, %mul3A_1032 : vector<16xf32>
      %mul3A_1034 = arith.constant 16 : i32
      %mul3A_1035 = arith.muli %scan3A_943, %mul3A_1034 : i32
      %add3A_1036 = arith.constant 6 : i32
      %add3A_1037 = arith.addi %mul3A_1035, %add3A_1036 : i32
      %slice3A_1038 = vector.extract_strided_slice %get3A_951 {offsets = [6], sizes = [1], strides = [1]} : vector<16xf32> to vector<1xf32>
      %squeeze3A_1039 = vector.extract %slice3A_1038[0] : f32 from vector<1xf32>
      %mul3A_1040 = arith.constant 16 : i32
      %mul3A_1041 = arith.muli %add3A_1037, %mul3A_1040 : i32
      %get3A_1042 = arith.index_cast %mul3A_1041 : i32 to index
      %get3A_1043 = tpu.vector_load %arg7[%get3A_1042] {strides = array<i32>} : memref<16384xf32, #tpu.memory_space<vmem>>, vector<16xf32>,
      %get3A_1044 = vector.shape_cast %get3A_1043 : vector<16xf32> to vector<16xf32>
      %mul3A_1045 = vector.broadcast %squeeze3A_1039 : f32 to vector<16xf32>
      %mul3A_1046 = arith.mulf %mul3A_1045, %get3A_1044 : vector<16xf32>
      %add3A_1047 = arith.addf %add3A_1033, %mul3A_1046 : vector<16xf32>
      %mul3A_1048 = arith.constant 16 : i32
      %mul3A_1049 = arith.muli %scan3A_943, %mul3A_1048 : i32
      %add3A_1050 = arith.constant 7 : i32
      %add3A_1051 = arith.addi %mul3A_1049, %add3A_1050 : i32
      %slice3A_1052 = vector.extract_strided_slice %get3A_951 {offsets = [7], sizes = [1], strides = [1]} : vector<16xf32> to vector<1xf32>
      %squeeze3A_1053 = vector.extract %slice3A_1052[0] : f32 from vector<1xf32>
      %mul3A_1054 = arith.constant 16 : i32
      %mul3A_1055 = arith.muli %add3A_1051, %mul3A_1054 : i32
      %get3A_1056 = arith.index_cast %mul3A_1055 : i32 to index
      %get3A_1057 = tpu.vector_load %arg7[%get3A_1056] {strides = array<i32>} : memref<16384xf32, #tpu.memory_space<vmem>>, vector<16xf32>,
      %get3A_1058 = vector.shape_cast %get3A_1057 : vector<16xf32> to vector<16xf32>
      %mul3A_1059 = vector.broadcast %squeeze3A_1053 : f32 to vector<16xf32>
      %mul3A_1060 = arith.mulf %mul3A_1059, %get3A_1058 : vector<16xf32>
      %add3A_1061 = arith.addf %add3A_1047, %mul3A_1060 : vector<16xf32>
      %mul3A_1062 = arith.constant 16 : i32
      %mul3A_1063 = arith.muli %scan3A_943, %mul3A_1062 : i32
      %add3A_1064 = arith.constant 8 : i32
      %add3A_1065 = arith.addi %mul3A_1063, %add3A_1064 : i32
      %slice3A_1066 = vector.extract_strided_slice %get3A_951 {offsets = [8], sizes = [1], strides = [1]} : vector<16xf32> to vector<1xf32>
      %squeeze3A_1067 = vector.extract %slice3A_1066[0] : f32 from vector<1xf32>
      %mul3A_1068 = arith.constant 16 : i32
      %mul3A_1069 = arith.muli %add3A_1065, %mul3A_1068 : i32
      %get3A_1070 = arith.index_cast %mul3A_1069 : i32 to index
      %get3A_1071 = tpu.vector_load %arg7[%get3A_1070] {strides = array<i32>} : memref<16384xf32, #tpu.memory_space<vmem>>, vector<16xf32>,
      %get3A_1072 = vector.shape_cast %get3A_1071 : vector<16xf32> to vector<16xf32>
      %mul3A_1073 = vector.broadcast %squeeze3A_1067 : f32 to vector<16xf32>
      %mul3A_1074 = arith.mulf %mul3A_1073, %get3A_1072 : vector<16xf32>
      %add3A_1075 = arith.addf %add3A_1061, %mul3A_1074 : vector<16xf32>
      %mul3A_1076 = arith.constant 16 : i32
      %mul3A_1077 = arith.muli %scan3A_943, %mul3A_1076 : i32
      %add3A_1078 = arith.constant 9 : i32
      %add3A_1079 = arith.addi %mul3A_1077, %add3A_1078 : i32
      %slice3A_1080 = vector.extract_strided_slice %get3A_951 {offsets = [9], sizes = [1], strides = [1]} : vector<16xf32> to vector<1xf32>
      %squeeze3A_1081 = vector.extract %slice3A_1080[0] : f32 from vector<1xf32>
      %mul3A_1082 = arith.constant 16 : i32
      %mul3A_1083 = arith.muli %add3A_1079, %mul3A_1082 : i32
      %get3A_1084 = arith.index_cast %mul3A_1083 : i32 to index
      %get3A_1085 = tpu.vector_load %arg7[%get3A_1084] {strides = array<i32>} : memref<16384xf32, #tpu.memory_space<vmem>>, vector<16xf32>,
      %get3A_1086 = vector.shape_cast %get3A_1085 : vector<16xf32> to vector<16xf32>
      %mul3A_1087 = vector.broadcast %squeeze3A_1081 : f32 to vector<16xf32>
      %mul3A_1088 = arith.mulf %mul3A_1087, %get3A_1086 : vector<16xf32>
      %add3A_1089 = arith.addf %add3A_1075, %mul3A_1088 : vector<16xf32>
      %mul3A_1090 = arith.constant 16 : i32
      %mul3A_1091 = arith.muli %scan3A_943, %mul3A_1090 : i32
      %add3A_1092 = arith.constant 10 : i32
      %add3A_1093 = arith.addi %mul3A_1091, %add3A_1092 : i32
      %slice3A_1094 = vector.extract_strided_slice %get3A_951 {offsets = [10], sizes = [1], strides = [1]} : vector<16xf32> to vector<1xf32>
      %squeeze3A_1095 = vector.extract %slice3A_1094[0] : f32 from vector<1xf32>
      %mul3A_1096 = arith.constant 16 : i32
      %mul3A_1097 = arith.muli %add3A_1093, %mul3A_1096 : i32
      %get3A_1098 = arith.index_cast %mul3A_1097 : i32 to index
      %get3A_1099 = tpu.vector_load %arg7[%get3A_1098] {strides = array<i32>} : memref<16384xf32, #tpu.memory_space<vmem>>, vector<16xf32>,
      %get3A_1100 = vector.shape_cast %get3A_1099 : vector<16xf32> to vector<16xf32>
      %mul3A_1101 = vector.broadcast %squeeze3A_1095 : f32 to vector<16xf32>
      %mul3A_1102 = arith.mulf %mul3A_1101, %get3A_1100 : vector<16xf32>
      %add3A_1103 = arith.addf %add3A_1089, %mul3A_1102 : vector<16xf32>
      %mul3A_1104 = arith.constant 16 : i32
      %mul3A_1105 = arith.muli %scan3A_943, %mul3A_1104 : i32
      %add3A_1106 = arith.constant 11 : i32
      %add3A_1107 = arith.addi %mul3A_1105, %add3A_1106 : i32
      %slice3A_1108 = vector.extract_strided_slice %get3A_951 {offsets = [11], sizes = [1], strides = [1]} : vector<16xf32> to vector<1xf32>
      %squeeze3A_1109 = vector.extract %slice3A_1108[0] : f32 from vector<1xf32>
      %mul3A_1110 = arith.constant 16 : i32
      %mul3A_1111 = arith.muli %add3A_1107, %mul3A_1110 : i32
      %get3A_1112 = arith.index_cast %mul3A_1111 : i32 to index
      %get3A_1113 = tpu.vector_load %arg7[%get3A_1112] {strides = array<i32>} : memref<16384xf32, #tpu.memory_space<vmem>>, vector<16xf32>,
      %get3A_1114 = vector.shape_cast %get3A_1113 : vector<16xf32> to vector<16xf32>
      %mul3A_1115 = vector.broadcast %squeeze3A_1109 : f32 to vector<16xf32>
      %mul3A_1116 = arith.mulf %mul3A_1115, %get3A_1114 : vector<16xf32>
      %add3A_1117 = arith.addf %add3A_1103, %mul3A_1116 : vector<16xf32>
      %mul3A_1118 = arith.constant 16 : i32
      %mul3A_1119 = arith.muli %scan3A_943, %mul3A_1118 : i32
      %add3A_1120 = arith.constant 12 : i32
      %add3A_1121 = arith.addi %mul3A_1119, %add3A_1120 : i32
      %slice3A_1122 = vector.extract_strided_slice %get3A_951 {offsets = [12], sizes = [1], strides = [1]} : vector<16xf32> to vector<1xf32>
      %squeeze3A_1123 = vector.extract %slice3A_1122[0] : f32 from vector<1xf32>
      %mul3A_1124 = arith.constant 16 : i32
      %mul3A_1125 = arith.muli %add3A_1121, %mul3A_1124 : i32
      %get3A_1126 = arith.index_cast %mul3A_1125 : i32 to index
      %get3A_1127 = tpu.vector_load %arg7[%get3A_1126] {strides = array<i32>} : memref<16384xf32, #tpu.memory_space<vmem>>, vector<16xf32>,
      %get3A_1128 = vector.shape_cast %get3A_1127 : vector<16xf32> to vector<16xf32>
      %mul3A_1129 = vector.broadcast %squeeze3A_1123 : f32 to vector<16xf32>
      %mul3A_1130 = arith.mulf %mul3A_1129, %get3A_1128 : vector<16xf32>
      %add3A_1131 = arith.addf %add3A_1117, %mul3A_1130 : vector<16xf32>
      %mul3A_1132 = arith.constant 16 : i32
      %mul3A_1133 = arith.muli %scan3A_943, %mul3A_1132 : i32
      %add3A_1134 = arith.constant 13 : i32
      %add3A_1135 = arith.addi %mul3A_1133, %add3A_1134 : i32
      %slice3A_1136 = vector.extract_strided_slice %get3A_951 {offsets = [13], sizes = [1], strides = [1]} : vector<16xf32> to vector<1xf32>
      %squeeze3A_1137 = vector.extract %slice3A_1136[0] : f32 from vector<1xf32>
      %mul3A_1138 = arith.constant 16 : i32
      %mul3A_1139 = arith.muli %add3A_1135, %mul3A_1138 : i32
      %get3A_1140 = arith.index_cast %mul3A_1139 : i32 to index
      %get3A_1141 = tpu.vector_load %arg7[%get3A_1140] {strides = array<i32>} : memref<16384xf32, #tpu.memory_space<vmem>>, vector<16xf32>,
      %get3A_1142 = vector.shape_cast %get3A_1141 : vector<16xf32> to vector<16xf32>
      %mul3A_1143 = vector.broadcast %squeeze3A_1137 : f32 to vector<16xf32>
      %mul3A_1144 = arith.mulf %mul3A_1143, %get3A_1142 : vector<16xf32>
      %add3A_1145 = arith.addf %add3A_1131, %mul3A_1144 : vector<16xf32>
      %mul3A_1146 = arith.constant 16 : i32
      %mul3A_1147 = arith.muli %scan3A_943, %mul3A_1146 : i32
      %add3A_1148 = arith.constant 14 : i32
      %add3A_1149 = arith.addi %mul3A_1147, %add3A_1148 : i32
      %slice3A_1150 = vector.extract_strided_slice %get3A_951 {offsets = [14], sizes = [1], strides = [1]} : vector<16xf32> to vector<1xf32>
      %squeeze3A_1151 = vector.extract %slice3A_1150[0] : f32 from vector<1xf32>
      %mul3A_1152 = arith.constant 16 : i32
      %mul3A_1153 = arith.muli %add3A_1149, %mul3A_1152 : i32
      %get3A_1154 = arith.index_cast %mul3A_1153 : i32 to index
      %get3A_1155 = tpu.vector_load %arg7[%get3A_1154] {strides = array<i32>} : memref<16384xf32, #tpu.memory_space<vmem>>, vector<16xf32>,
      %get3A_1156 = vector.shape_cast %get3A_1155 : vector<16xf32> to vector<16xf32>
      %mul3A_1157 = vector.broadcast %squeeze3A_1151 : f32 to vector<16xf32>
      %mul3A_1158 = arith.mulf %mul3A_1157, %get3A_1156 : vector<16xf32>
      %add3A_1159 = arith.addf %add3A_1145, %mul3A_1158 : vector<16xf32>
      %mul3A_1160 = arith.constant 16 : i32
      %mul3A_1161 = arith.muli %scan3A_943, %mul3A_1160 : i32
      %add3A_1162 = arith.constant 15 : i32
      %add3A_1163 = arith.addi %mul3A_1161, %add3A_1162 : i32
      %slice3A_1164 = vector.extract_strided_slice %get3A_951 {offsets = [15], sizes = [1], strides = [1]} : vector<16xf32> to vector<1xf32>
      %squeeze3A_1165 = vector.extract %slice3A_1164[0] : f32 from vector<1xf32>
      %mul3A_1166 = arith.constant 16 : i32
      %mul3A_1167 = arith.muli %add3A_1163, %mul3A_1166 : i32
      %get3A_1168 = arith.index_cast %mul3A_1167 : i32 to index
      %get3A_1169 = tpu.vector_load %arg7[%get3A_1168] {strides = array<i32>} : memref<16384xf32, #tpu.memory_space<vmem>>, vector<16xf32>,
      %get3A_1170 = vector.shape_cast %get3A_1169 : vector<16xf32> to vector<16xf32>
      %mul3A_1171 = vector.broadcast %squeeze3A_1165 : f32 to vector<16xf32>
      %mul3A_1172 = arith.mulf %mul3A_1171, %get3A_1170 : vector<16xf32>
      %add3A_1173 = arith.addf %add3A_1159, %mul3A_1172 : vector<16xf32>
      scf.yield %add3A_1173 : vector<16xf32>
    }
    %scan3A_473 = arith.constant 64 : i32
    %iota3A_474 = tpu.iota {dimensions = array<i32: 0>} : vector<16xi32>
    %convert_element_type3A_475 = arith.sitofp %iota3A_474 : vector<16xi32> to vector<16xf32>
    %swap3A_476 = arith.constant 0 : index
    %swap3A_477 = tpu.vector_load %arg10[%swap3A_476] {strides = array<i32>} : memref<32xf32, #tpu.memory_space<vmem>>, vector<16xf32>,
    %swap3A_478 = vector.shape_cast %swap3A_477 : vector<16xf32> to vector<16xf32>
    %swap3A_479 = vector.shape_cast %scan3A_472 : vector<16xf32> to vector<16xf32>
    tpu.vector_store %arg10[%swap3A_476], %swap3A_479 {strides = array<i32>} : memref<32xf32, #tpu.memory_space<vmem>>, vector<16xf32>,
    %swap3A_480 = arith.constant 16 : index
    %swap3A_481 = tpu.vector_load %arg10[%swap3A_480] {strides = array<i32>} : memref<32xf32, #tpu.memory_space<vmem>>, vector<16xf32>,
    %swap3A_482 = vector.shape_cast %swap3A_481 : vector<16xf32> to vector<16xf32>
    %swap3A_483 = vector.shape_cast %scan3A_472 : vector<16xf32> to vector<16xf32>
    tpu.vector_store %arg10[%swap3A_480], %swap3A_483 {strides = array<i32>} : memref<32xf32, #tpu.memory_space<vmem>>, vector<16xf32>,
    %get3A_484 = arith.constant 1 : index
    %get3A_485 = tpu.vector_load %arg10[%get3A_484] {strides = array<i32>} : memref<32xf32, #tpu.memory_space<vmem>>, vector<16xf32>,
    %get3A_486 = vector.shape_cast %get3A_485 : vector<16xf32> to vector<16xf32>
    %max3A_487 = arith.maximumf %scan3A_472, %get3A_486 : vector<16xf32>
    %swap3A_488 = arith.constant 0 : index
    %swap3A_489 = tpu.vector_load %arg10[%swap3A_488] {strides = array<i32>} : memref<32xf32, #tpu.memory_space<vmem>>, vector<16xf32>,
    %swap3A_490 = vector.shape_cast %swap3A_489 : vector<16xf32> to vector<16xf32>
    %swap3A_491 = vector.shape_cast %max3A_487 : vector<16xf32> to vector<16xf32>
    tpu.vector_store %arg10[%swap3A_488], %swap3A_491 {strides = array<i32>} : memref<32xf32, #tpu.memory_space<vmem>>, vector<16xf32>,
    %swap3A_492 = arith.constant 16 : index
    %swap3A_493 = tpu.vector_load %arg10[%swap3A_492] {strides = array<i32>} : memref<32xf32, #tpu.memory_space<vmem>>, vector<16xf32>,
    %swap3A_494 = vector.shape_cast %swap3A_493 : vector<16xf32> to vector<16xf32>
    %swap3A_495 = vector.shape_cast %max3A_487 : vector<16xf32> to vector<16xf32>
    tpu.vector_store %arg10[%swap3A_492], %swap3A_495 {strides = array<i32>} : memref<32xf32, #tpu.memory_space<vmem>>, vector<16xf32>,
    %get3A_496 = arith.constant 2 : index
    %get3A_497 = tpu.vector_load %arg10[%get3A_496] {strides = array<i32>} : memref<32xf32, #tpu.memory_space<vmem>>, vector<16xf32>,
    %get3A_498 = vector.shape_cast %get3A_497 : vector<16xf32> to vector<16xf32>
    %max3A_499 = arith.maximumf %max3A_487, %get3A_498 : vector<16xf32>
    %swap3A_500 = arith.constant 0 : index
    %swap3A_501 = tpu.vector_load %arg10[%swap3A_500] {strides = array<i32>} : memref<32xf32, #tpu.memory_space<vmem>>, vector<16xf32>,
    %swap3A_502 = vector.shape_cast %swap3A_501 : vector<16xf32> to vector<16xf32>
    %swap3A_503 = vector.shape_cast %max3A_499 : vector<16xf32> to vector<16xf32>
    tpu.vector_store %arg10[%swap3A_500], %swap3A_503 {strides = array<i32>} : memref<32xf32, #tpu.memory_space<vmem>>, vector<16xf32>,
    %swap3A_504 = arith.constant 16 : index
    %swap3A_505 = tpu.vector_load %arg10[%swap3A_504] {strides = array<i32>} : memref<32xf32, #tpu.memory_space<vmem>>, vector<16xf32>,
    %swap3A_506 = vector.shape_cast %swap3A_505 : vector<16xf32> to vector<16xf32>
    %swap3A_507 = vector.shape_cast %max3A_499 : vector<16xf32> to vector<16xf32>
    tpu.vector_store %arg10[%swap3A_504], %swap3A_507 {strides = array<i32>} : memref<32xf32, #tpu.memory_space<vmem>>, vector<16xf32>,
    %get3A_508 = arith.constant 4 : index
    %get3A_509 = tpu.vector_load %arg10[%get3A_508] {strides = array<i32>} : memref<32xf32, #tpu.memory_space<vmem>>, vector<16xf32>,
    %get3A_510 = vector.shape_cast %get3A_509 : vector<16xf32> to vector<16xf32>
    %max3A_511 = arith.maximumf %max3A_499, %get3A_510 : vector<16xf32>
    %swap3A_512 = arith.constant 0 : index
    %swap3A_513 = tpu.vector_load %arg10[%swap3A_512] {strides = array<i32>} : memref<32xf32, #tpu.memory_space<vmem>>, vector<16xf32>,
    %swap3A_514 = vector.shape_cast %swap3A_513 : vector<16xf32> to vector<16xf32>
    %swap3A_515 = vector.shape_cast %max3A_511 : vector<16xf32> to vector<16xf32>
    tpu.vector_store %arg10[%swap3A_512], %swap3A_515 {strides = array<i32>} : memref<32xf32, #tpu.memory_space<vmem>>, vector<16xf32>,
    %swap3A_516 = arith.constant 16 : index
    %swap3A_517 = tpu.vector_load %arg10[%swap3A_516] {strides = array<i32>} : memref<32xf32, #tpu.memory_space<vmem>>, vector<16xf32>,
    %swap3A_518 = vector.shape_cast %swap3A_517 : vector<16xf32> to vector<16xf32>
    %swap3A_519 = vector.shape_cast %max3A_511 : vector<16xf32> to vector<16xf32>
    tpu.vector_store %arg10[%swap3A_516], %swap3A_519 {strides = array<i32>} : memref<32xf32, #tpu.memory_space<vmem>>, vector<16xf32>,
    %get3A_520 = arith.constant 8 : index
    %get3A_521 = tpu.vector_load %arg10[%get3A_520] {strides = array<i32>} : memref<32xf32, #tpu.memory_space<vmem>>, vector<16xf32>,
    %get3A_522 = vector.shape_cast %get3A_521 : vector<16xf32> to vector<16xf32>
    %max3A_523 = arith.maximumf %max3A_511, %get3A_522 : vector<16xf32>
    %eq3A_524 = arith.cmpf oeq, %scan3A_472, %max3A_523 : vector<16xf32>
    %jit3A_525 = arith.constant 9.900000e+01 : f32
    %broadcast_in_dim3A_526 = vector.broadcast %jit3A_525 : f32 to vector<16xf32>
    %select_n3A_527 = arith.select %eq3A_524, %convert_element_type3A_475, %broadcast_in_dim3A_526 : vector<16xi1>, vector<16xf32>
    %swap3A_528 = arith.constant 0 : index
    %swap3A_529 = tpu.vector_load %arg10[%swap3A_528] {strides = array<i32>} : memref<32xf32, #tpu.memory_space<vmem>>, vector<16xf32>,
    %swap3A_530 = vector.shape_cast %swap3A_529 : vector<16xf32> to vector<16xf32>
    %swap3A_531 = vector.shape_cast %select_n3A_527 : vector<16xf32> to vector<16xf32>
    tpu.vector_store %arg10[%swap3A_528], %swap3A_531 {strides = array<i32>} : memref<32xf32, #tpu.memory_space<vmem>>, vector<16xf32>,
    %swap3A_532 = arith.constant 16 : index
    %swap3A_533 = tpu.vector_load %arg10[%swap3A_532] {strides = array<i32>} : memref<32xf32, #tpu.memory_space<vmem>>, vector<16xf32>,
    %swap3A_534 = vector.shape_cast %swap3A_533 : vector<16xf32> to vector<16xf32>
    %swap3A_535 = vector.shape_cast %select_n3A_527 : vector<16xf32> to vector<16xf32>
    tpu.vector_store %arg10[%swap3A_532], %swap3A_535 {strides = array<i32>} : memref<32xf32, #tpu.memory_space<vmem>>, vector<16xf32>,
    %get3A_536 = arith.constant 1 : index
    %get3A_537 = tpu.vector_load %arg10[%get3A_536] {strides = array<i32>} : memref<32xf32, #tpu.memory_space<vmem>>, vector<16xf32>,
    %get3A_538 = vector.shape_cast %get3A_537 : vector<16xf32> to vector<16xf32>
    %min3A_539 = arith.minimumf %select_n3A_527, %get3A_538 : vector<16xf32>
    %swap3A_540 = arith.constant 0 : index
    %swap3A_541 = tpu.vector_load %arg10[%swap3A_540] {strides = array<i32>} : memref<32xf32, #tpu.memory_space<vmem>>, vector<16xf32>,
    %swap3A_542 = vector.shape_cast %swap3A_541 : vector<16xf32> to vector<16xf32>
    %swap3A_543 = vector.shape_cast %min3A_539 : vector<16xf32> to vector<16xf32>
    tpu.vector_store %arg10[%swap3A_540], %swap3A_543 {strides = array<i32>} : memref<32xf32, #tpu.memory_space<vmem>>, vector<16xf32>,
    %swap3A_544 = arith.constant 16 : index
    %swap3A_545 = tpu.vector_load %arg10[%swap3A_544] {strides = array<i32>} : memref<32xf32, #tpu.memory_space<vmem>>, vector<16xf32>,
    %swap3A_546 = vector.shape_cast %swap3A_545 : vector<16xf32> to vector<16xf32>
    %swap3A_547 = vector.shape_cast %min3A_539 : vector<16xf32> to vector<16xf32>
    tpu.vector_store %arg10[%swap3A_544], %swap3A_547 {strides = array<i32>} : memref<32xf32, #tpu.memory_space<vmem>>, vector<16xf32>,
    %get3A_548 = arith.constant 2 : index
    %get3A_549 = tpu.vector_load %arg10[%get3A_548] {strides = array<i32>} : memref<32xf32, #tpu.memory_space<vmem>>, vector<16xf32>,
    %get3A_550 = vector.shape_cast %get3A_549 : vector<16xf32> to vector<16xf32>
    %min3A_551 = arith.minimumf %min3A_539, %get3A_550 : vector<16xf32>
    %swap3A_552 = arith.constant 0 : index
    %swap3A_553 = tpu.vector_load %arg10[%swap3A_552] {strides = array<i32>} : memref<32xf32, #tpu.memory_space<vmem>>, vector<16xf32>,
    %swap3A_554 = vector.shape_cast %swap3A_553 : vector<16xf32> to vector<16xf32>
    %swap3A_555 = vector.shape_cast %min3A_551 : vector<16xf32> to vector<16xf32>
    tpu.vector_store %arg10[%swap3A_552], %swap3A_555 {strides = array<i32>} : memref<32xf32, #tpu.memory_space<vmem>>, vector<16xf32>,
    %swap3A_556 = arith.constant 16 : index
    %swap3A_557 = tpu.vector_load %arg10[%swap3A_556] {strides = array<i32>} : memref<32xf32, #tpu.memory_space<vmem>>, vector<16xf32>,
    %swap3A_558 = vector.shape_cast %swap3A_557 : vector<16xf32> to vector<16xf32>
    %swap3A_559 = vector.shape_cast %min3A_551 : vector<16xf32> to vector<16xf32>
    tpu.vector_store %arg10[%swap3A_556], %swap3A_559 {strides = array<i32>} : memref<32xf32, #tpu.memory_space<vmem>>, vector<16xf32>,
    %get3A_560 = arith.constant 4 : index
    %get3A_561 = tpu.vector_load %arg10[%get3A_560] {strides = array<i32>} : memref<32xf32, #tpu.memory_space<vmem>>, vector<16xf32>,
    %get3A_562 = vector.shape_cast %get3A_561 : vector<16xf32> to vector<16xf32>
    %min3A_563 = arith.minimumf %min3A_551, %get3A_562 : vector<16xf32>
    %swap3A_564 = arith.constant 0 : index
    %swap3A_565 = tpu.vector_load %arg10[%swap3A_564] {strides = array<i32>} : memref<32xf32, #tpu.memory_space<vmem>>, vector<16xf32>,
    %swap3A_566 = vector.shape_cast %swap3A_565 : vector<16xf32> to vector<16xf32>
    %swap3A_567 = vector.shape_cast %min3A_563 : vector<16xf32> to vector<16xf32>
    tpu.vector_store %arg10[%swap3A_564], %swap3A_567 {strides = array<i32>} : memref<32xf32, #tpu.memory_space<vmem>>, vector<16xf32>,
    %swap3A_568 = arith.constant 16 : index
    %swap3A_569 = tpu.vector_load %arg10[%swap3A_568] {strides = array<i32>} : memref<32xf32, #tpu.memory_space<vmem>>, vector<16xf32>,
    %swap3A_570 = vector.shape_cast %swap3A_569 : vector<16xf32> to vector<16xf32>
    %swap3A_571 = vector.shape_cast %min3A_563 : vector<16xf32> to vector<16xf32>
    tpu.vector_store %arg10[%swap3A_568], %swap3A_571 {strides = array<i32>} : memref<32xf32, #tpu.memory_space<vmem>>, vector<16xf32>,
    %get3A_572 = arith.constant 8 : index
    %get3A_573 = tpu.vector_load %arg10[%get3A_572] {strides = array<i32>} : memref<32xf32, #tpu.memory_space<vmem>>, vector<16xf32>,
    %get3A_574 = vector.shape_cast %get3A_573 : vector<16xf32> to vector<16xf32>
    %min3A_575 = arith.minimumf %min3A_563, %get3A_574 : vector<16xf32>
    %eq3A_576 = arith.cmpf oeq, %convert_element_type3A_475, %min3A_575 : vector<16xf32>
    %jit3A_577 = arith.constant -1.000000e+30 : f32
    %broadcast_in_dim3A_578 = vector.broadcast %jit3A_577 : f32 to vector<16xf32>
    %select_n3A_579 = arith.select %eq3A_576, %broadcast_in_dim3A_578, %scan3A_472 : vector<16xi1>, vector<16xf32>
    %swap3A_580 = arith.constant 0 : index
    %swap3A_581 = tpu.vector_load %arg10[%swap3A_580] {strides = array<i32>} : memref<32xf32, #tpu.memory_space<vmem>>, vector<16xf32>,
    %swap3A_582 = vector.shape_cast %swap3A_581 : vector<16xf32> to vector<16xf32>
    %swap3A_583 = vector.shape_cast %select_n3A_579 : vector<16xf32> to vector<16xf32>
    tpu.vector_store %arg10[%swap3A_580], %swap3A_583 {strides = array<i32>} : memref<32xf32, #tpu.memory_space<vmem>>, vector<16xf32>,
    %swap3A_584 = arith.constant 16 : index
    %swap3A_585 = tpu.vector_load %arg10[%swap3A_584] {strides = array<i32>} : memref<32xf32, #tpu.memory_space<vmem>>, vector<16xf32>,
    %swap3A_586 = vector.shape_cast %swap3A_585 : vector<16xf32> to vector<16xf32>
    %swap3A_587 = vector.shape_cast %select_n3A_579 : vector<16xf32> to vector<16xf32>
    tpu.vector_store %arg10[%swap3A_584], %swap3A_587 {strides = array<i32>} : memref<32xf32, #tpu.memory_space<vmem>>, vector<16xf32>,
    %get3A_588 = arith.constant 1 : index
    %get3A_589 = tpu.vector_load %arg10[%get3A_588] {strides = array<i32>} : memref<32xf32, #tpu.memory_space<vmem>>, vector<16xf32>,
    %get3A_590 = vector.shape_cast %get3A_589 : vector<16xf32> to vector<16xf32>
    %max3A_591 = arith.maximumf %select_n3A_579, %get3A_590 : vector<16xf32>
    %swap3A_592 = arith.constant 0 : index
    %swap3A_593 = tpu.vector_load %arg10[%swap3A_592] {strides = array<i32>} : memref<32xf32, #tpu.memory_space<vmem>>, vector<16xf32>,
    %swap3A_594 = vector.shape_cast %swap3A_593 : vector<16xf32> to vector<16xf32>
    %swap3A_595 = vector.shape_cast %max3A_591 : vector<16xf32> to vector<16xf32>
    tpu.vector_store %arg10[%swap3A_592], %swap3A_595 {strides = array<i32>} : memref<32xf32, #tpu.memory_space<vmem>>, vector<16xf32>,
    %swap3A_596 = arith.constant 16 : index
    %swap3A_597 = tpu.vector_load %arg10[%swap3A_596] {strides = array<i32>} : memref<32xf32, #tpu.memory_space<vmem>>, vector<16xf32>,
    %swap3A_598 = vector.shape_cast %swap3A_597 : vector<16xf32> to vector<16xf32>
    %swap3A_599 = vector.shape_cast %max3A_591 : vector<16xf32> to vector<16xf32>
    tpu.vector_store %arg10[%swap3A_596], %swap3A_599 {strides = array<i32>} : memref<32xf32, #tpu.memory_space<vmem>>, vector<16xf32>,
    %get3A_600 = arith.constant 2 : index
    %get3A_601 = tpu.vector_load %arg10[%get3A_600] {strides = array<i32>} : memref<32xf32, #tpu.memory_space<vmem>>, vector<16xf32>,
    %get3A_602 = vector.shape_cast %get3A_601 : vector<16xf32> to vector<16xf32>
    %max3A_603 = arith.maximumf %max3A_591, %get3A_602 : vector<16xf32>
    %swap3A_604 = arith.constant 0 : index
    %swap3A_605 = tpu.vector_load %arg10[%swap3A_604] {strides = array<i32>} : memref<32xf32, #tpu.memory_space<vmem>>, vector<16xf32>,
    %swap3A_606 = vector.shape_cast %swap3A_605 : vector<16xf32> to vector<16xf32>
    %swap3A_607 = vector.shape_cast %max3A_603 : vector<16xf32> to vector<16xf32>
    tpu.vector_store %arg10[%swap3A_604], %swap3A_607 {strides = array<i32>} : memref<32xf32, #tpu.memory_space<vmem>>, vector<16xf32>,
    %swap3A_608 = arith.constant 16 : index
    %swap3A_609 = tpu.vector_load %arg10[%swap3A_608] {strides = array<i32>} : memref<32xf32, #tpu.memory_space<vmem>>, vector<16xf32>,
    %swap3A_610 = vector.shape_cast %swap3A_609 : vector<16xf32> to vector<16xf32>
    %swap3A_611 = vector.shape_cast %max3A_603 : vector<16xf32> to vector<16xf32>
    tpu.vector_store %arg10[%swap3A_608], %swap3A_611 {strides = array<i32>} : memref<32xf32, #tpu.memory_space<vmem>>, vector<16xf32>,
    %get3A_612 = arith.constant 4 : index
    %get3A_613 = tpu.vector_load %arg10[%get3A_612] {strides = array<i32>} : memref<32xf32, #tpu.memory_space<vmem>>, vector<16xf32>,
    %get3A_614 = vector.shape_cast %get3A_613 : vector<16xf32> to vector<16xf32>
    %max3A_615 = arith.maximumf %max3A_603, %get3A_614 : vector<16xf32>
    %swap3A_616 = arith.constant 0 : index
    %swap3A_617 = tpu.vector_load %arg10[%swap3A_616] {strides = array<i32>} : memref<32xf32, #tpu.memory_space<vmem>>, vector<16xf32>,
    %swap3A_618 = vector.shape_cast %swap3A_617 : vector<16xf32> to vector<16xf32>
    %swap3A_619 = vector.shape_cast %max3A_615 : vector<16xf32> to vector<16xf32>
    tpu.vector_store %arg10[%swap3A_616], %swap3A_619 {strides = array<i32>} : memref<32xf32, #tpu.memory_space<vmem>>, vector<16xf32>,
    %swap3A_620 = arith.constant 16 : index
    %swap3A_621 = tpu.vector_load %arg10[%swap3A_620] {strides = array<i32>} : memref<32xf32, #tpu.memory_space<vmem>>, vector<16xf32>,
    %swap3A_622 = vector.shape_cast %swap3A_621 : vector<16xf32> to vector<16xf32>
    %swap3A_623 = vector.shape_cast %max3A_615 : vector<16xf32> to vector<16xf32>
    tpu.vector_store %arg10[%swap3A_620], %swap3A_623 {strides = array<i32>} : memref<32xf32, #tpu.memory_space<vmem>>, vector<16xf32>,
    %get3A_624 = arith.constant 8 : index
    %get3A_625 = tpu.vector_load %arg10[%get3A_624] {strides = array<i32>} : memref<32xf32, #tpu.memory_space<vmem>>, vector<16xf32>,
    %get3A_626 = vector.shape_cast %get3A_625 : vector<16xf32> to vector<16xf32>
    %max3A_627 = arith.maximumf %max3A_615, %get3A_626 : vector<16xf32>
    %eq3A_628 = arith.cmpf oeq, %select_n3A_579, %max3A_627 : vector<16xf32>
    %jit3A_629 = arith.constant 9.900000e+01 : f32
    %broadcast_in_dim3A_630 = vector.broadcast %jit3A_629 : f32 to vector<16xf32>
    %select_n3A_631 = arith.select %eq3A_628, %convert_element_type3A_475, %broadcast_in_dim3A_630 : vector<16xi1>, vector<16xf32>
    %swap3A_632 = arith.constant 0 : index
    %swap3A_633 = tpu.vector_load %arg10[%swap3A_632] {strides = array<i32>} : memref<32xf32, #tpu.memory_space<vmem>>, vector<16xf32>,
    %swap3A_634 = vector.shape_cast %swap3A_633 : vector<16xf32> to vector<16xf32>
    %swap3A_635 = vector.shape_cast %select_n3A_631 : vector<16xf32> to vector<16xf32>
    tpu.vector_store %arg10[%swap3A_632], %swap3A_635 {strides = array<i32>} : memref<32xf32, #tpu.memory_space<vmem>>, vector<16xf32>,
    %swap3A_636 = arith.constant 16 : index
    %swap3A_637 = tpu.vector_load %arg10[%swap3A_636] {strides = array<i32>} : memref<32xf32, #tpu.memory_space<vmem>>, vector<16xf32>,
    %swap3A_638 = vector.shape_cast %swap3A_637 : vector<16xf32> to vector<16xf32>
    %swap3A_639 = vector.shape_cast %select_n3A_631 : vector<16xf32> to vector<16xf32>
    tpu.vector_store %arg10[%swap3A_636], %swap3A_639 {strides = array<i32>} : memref<32xf32, #tpu.memory_space<vmem>>, vector<16xf32>,
    %get3A_640 = arith.constant 1 : index
    %get3A_641 = tpu.vector_load %arg10[%get3A_640] {strides = array<i32>} : memref<32xf32, #tpu.memory_space<vmem>>, vector<16xf32>,
    %get3A_642 = vector.shape_cast %get3A_641 : vector<16xf32> to vector<16xf32>
    %min3A_643 = arith.minimumf %select_n3A_631, %get3A_642 : vector<16xf32>
    %swap3A_644 = arith.constant 0 : index
    %swap3A_645 = tpu.vector_load %arg10[%swap3A_644] {strides = array<i32>} : memref<32xf32, #tpu.memory_space<vmem>>, vector<16xf32>,
    %swap3A_646 = vector.shape_cast %swap3A_645 : vector<16xf32> to vector<16xf32>
    %swap3A_647 = vector.shape_cast %min3A_643 : vector<16xf32> to vector<16xf32>
    tpu.vector_store %arg10[%swap3A_644], %swap3A_647 {strides = array<i32>} : memref<32xf32, #tpu.memory_space<vmem>>, vector<16xf32>,
    %swap3A_648 = arith.constant 16 : index
    %swap3A_649 = tpu.vector_load %arg10[%swap3A_648] {strides = array<i32>} : memref<32xf32, #tpu.memory_space<vmem>>, vector<16xf32>,
    %swap3A_650 = vector.shape_cast %swap3A_649 : vector<16xf32> to vector<16xf32>
    %swap3A_651 = vector.shape_cast %min3A_643 : vector<16xf32> to vector<16xf32>
    tpu.vector_store %arg10[%swap3A_648], %swap3A_651 {strides = array<i32>} : memref<32xf32, #tpu.memory_space<vmem>>, vector<16xf32>,
    %get3A_652 = arith.constant 2 : index
    %get3A_653 = tpu.vector_load %arg10[%get3A_652] {strides = array<i32>} : memref<32xf32, #tpu.memory_space<vmem>>, vector<16xf32>,
    %get3A_654 = vector.shape_cast %get3A_653 : vector<16xf32> to vector<16xf32>
    %min3A_655 = arith.minimumf %min3A_643, %get3A_654 : vector<16xf32>
    %swap3A_656 = arith.constant 0 : index
    %swap3A_657 = tpu.vector_load %arg10[%swap3A_656] {strides = array<i32>} : memref<32xf32, #tpu.memory_space<vmem>>, vector<16xf32>,
    %swap3A_658 = vector.shape_cast %swap3A_657 : vector<16xf32> to vector<16xf32>
    %swap3A_659 = vector.shape_cast %min3A_655 : vector<16xf32> to vector<16xf32>
    tpu.vector_store %arg10[%swap3A_656], %swap3A_659 {strides = array<i32>} : memref<32xf32, #tpu.memory_space<vmem>>, vector<16xf32>,
    %swap3A_660 = arith.constant 16 : index
    %swap3A_661 = tpu.vector_load %arg10[%swap3A_660] {strides = array<i32>} : memref<32xf32, #tpu.memory_space<vmem>>, vector<16xf32>,
    %swap3A_662 = vector.shape_cast %swap3A_661 : vector<16xf32> to vector<16xf32>
    %swap3A_663 = vector.shape_cast %min3A_655 : vector<16xf32> to vector<16xf32>
    tpu.vector_store %arg10[%swap3A_660], %swap3A_663 {strides = array<i32>} : memref<32xf32, #tpu.memory_space<vmem>>, vector<16xf32>,
    %get3A_664 = arith.constant 4 : index
    %get3A_665 = tpu.vector_load %arg10[%get3A_664] {strides = array<i32>} : memref<32xf32, #tpu.memory_space<vmem>>, vector<16xf32>,
    %get3A_666 = vector.shape_cast %get3A_665 : vector<16xf32> to vector<16xf32>
    %min3A_667 = arith.minimumf %min3A_655, %get3A_666 : vector<16xf32>
    %swap3A_668 = arith.constant 0 : index
    %swap3A_669 = tpu.vector_load %arg10[%swap3A_668] {strides = array<i32>} : memref<32xf32, #tpu.memory_space<vmem>>, vector<16xf32>,
    %swap3A_670 = vector.shape_cast %swap3A_669 : vector<16xf32> to vector<16xf32>
    %swap3A_671 = vector.shape_cast %min3A_667 : vector<16xf32> to vector<16xf32>
    tpu.vector_store %arg10[%swap3A_668], %swap3A_671 {strides = array<i32>} : memref<32xf32, #tpu.memory_space<vmem>>, vector<16xf32>,
    %swap3A_672 = arith.constant 16 : index
    %swap3A_673 = tpu.vector_load %arg10[%swap3A_672] {strides = array<i32>} : memref<32xf32, #tpu.memory_space<vmem>>, vector<16xf32>,
    %swap3A_674 = vector.shape_cast %swap3A_673 : vector<16xf32> to vector<16xf32>
    %swap3A_675 = vector.shape_cast %min3A_667 : vector<16xf32> to vector<16xf32>
    tpu.vector_store %arg10[%swap3A_672], %swap3A_675 {strides = array<i32>} : memref<32xf32, #tpu.memory_space<vmem>>, vector<16xf32>,
    %get3A_676 = arith.constant 8 : index
    %get3A_677 = tpu.vector_load %arg10[%get3A_676] {strides = array<i32>} : memref<32xf32, #tpu.memory_space<vmem>>, vector<16xf32>,
    %get3A_678 = vector.shape_cast %get3A_677 : vector<16xf32> to vector<16xf32>
    %min3A_679 = arith.minimumf %min3A_667, %get3A_678 : vector<16xf32>
    %sub3A_680 = arith.subf %max3A_627, %max3A_523 : vector<16xf32>
    %exp3A_681 = math.exp %sub3A_680 : vector<16xf32>
    %add3A_682 = arith.constant 1.000000e+00 : f32
    %add3A_683 = vector.broadcast %add3A_682 : f32 to vector<16xf32>
    %add3A_684 = arith.addf %add3A_683, %exp3A_681 : vector<16xf32>
    %div3A_685 = arith.constant 1.000000e+00 : f32
    %div3A_686 = vector.broadcast %div3A_685 : f32 to vector<16xf32>
    %div3A_687 = arith.divf %div3A_686, %add3A_684 : vector<16xf32>
    %add3A_688 = arith.constant 1.000000e+00 : f32
    %add3A_689 = vector.broadcast %add3A_688 : f32 to vector<16xf32>
    %add3A_690 = arith.addf %add3A_689, %exp3A_681 : vector<16xf32>
    %div3A_691 = arith.divf %exp3A_681, %add3A_690 : vector<16xf32>
    %broadcast_in_dim3A_692 = arith.constant 0.000000e+00 : f32
    %broadcast_in_dim3A_693 = vector.broadcast %broadcast_in_dim3A_692 : f32 to vector<16xf32>
    %eq3A_694 = arith.cmpf oeq, %convert_element_type3A_475, %min3A_575 : vector<16xf32>
    %select_n3A_695 = arith.select %eq3A_694, %div3A_687, %broadcast_in_dim3A_693 : vector<16xi1>, vector<16xf32>
    %eq3A_696 = arith.cmpf oeq, %convert_element_type3A_475, %min3A_679 : vector<16xf32>
    %select_n3A_697 = arith.select %eq3A_696, %div3A_691, %broadcast_in_dim3A_693 : vector<16xi1>, vector<16xf32>
    %add3A_698 = arith.addf %select_n3A_695, %select_n3A_697 : vector<16xf32>
    %swap3A_699 = arith.constant 32 : index
    %swap3A_700 = tpu.vector_load %arg9[%swap3A_699] {strides = array<i32>} : memref<64xf32, #tpu.memory_space<vmem>>, vector<16xf32>,
    %swap3A_701 = vector.shape_cast %swap3A_700 : vector<16xf32> to vector<16xf32>
    %swap3A_702 = vector.shape_cast %add3A_698 : vector<16xf32> to vector<16xf32>
    tpu.vector_store %arg9[%swap3A_699], %swap3A_702 {strides = array<i32>} : memref<64xf32, #tpu.memory_space<vmem>>, vector<16xf32>,
    %get3A_703 = arith.constant 0 : index
    %get3A_704 = tpu.vector_load %arg8[%get3A_703] {strides = array<i32>} : memref<16xf32, #tpu.memory_space<vmem>>, vector<16xf32>,
    %get3A_705 = vector.shape_cast %get3A_704 : vector<16xf32> to vector<16xf32>
    %scan3A_706 = arith.constant 0 : i32
    %scan3A_707 = arith.constant 64 : i32
    %scan3A_708 = arith.addi %scan3A_706, %scan3A_707 : i32
    %scan3A_709 = arith.constant 1 : i32
    %scan3A_710 = scf.for %scan3A_943 = %scan3A_706 to %scan3A_708 step %scan3A_709 iter_args(%scan3A_944 = %get3A_705) -> (vector<16xf32>)  : i32 {
      %mul3A_945 = arith.constant 16 : i32
      %mul3A_946 = arith.muli %scan3A_943, %mul3A_945 : i32
      %add3A_947 = arith.constant 3072 : i32
      %add3A_948 = arith.addi %add3A_947, %mul3A_946 : i32
      %get3A_949 = arith.index_cast %add3A_948 : i32 to index
      %get3A_950 = tpu.vector_load %arg6[%get3A_949] {strides = array<i32>} : memref<4096xf32, #tpu.memory_space<vmem>>, vector<16xf32>,
      %get3A_951 = vector.shape_cast %get3A_950 : vector<16xf32> to vector<16xf32>
      %mul3A_952 = arith.constant 16 : i32
      %mul3A_953 = arith.muli %scan3A_943, %mul3A_952 : i32
      %add3A_954 = arith.constant 0 : i32
      %add3A_955 = arith.addi %mul3A_953, %add3A_954 : i32
      %slice3A = vector.extract_strided_slice %get3A_951 {offsets = [0], sizes = [1], strides = [1]} : vector<16xf32> to vector<1xf32>
      %squeeze3A = vector.extract %slice3A[0] : f32 from vector<1xf32>
      %mul3A_956 = arith.constant 16 : i32
      %mul3A_957 = arith.muli %add3A_955, %mul3A_956 : i32
      %get3A_958 = arith.index_cast %mul3A_957 : i32 to index
      %get3A_959 = tpu.vector_load %arg7[%get3A_958] {strides = array<i32>} : memref<16384xf32, #tpu.memory_space<vmem>>, vector<16xf32>,
      %get3A_960 = vector.shape_cast %get3A_959 : vector<16xf32> to vector<16xf32>
      %mul3A_961 = vector.broadcast %squeeze3A : f32 to vector<16xf32>
      %mul3A_962 = arith.mulf %mul3A_961, %get3A_960 : vector<16xf32>
      %add3A_963 = arith.addf %scan3A_944, %mul3A_962 : vector<16xf32>
      %mul3A_964 = arith.constant 16 : i32
      %mul3A_965 = arith.muli %scan3A_943, %mul3A_964 : i32
      %add3A_966 = arith.constant 1 : i32
      %add3A_967 = arith.addi %mul3A_965, %add3A_966 : i32
      %slice3A_968 = vector.extract_strided_slice %get3A_951 {offsets = [1], sizes = [1], strides = [1]} : vector<16xf32> to vector<1xf32>
      %squeeze3A_969 = vector.extract %slice3A_968[0] : f32 from vector<1xf32>
      %mul3A_970 = arith.constant 16 : i32
      %mul3A_971 = arith.muli %add3A_967, %mul3A_970 : i32
      %get3A_972 = arith.index_cast %mul3A_971 : i32 to index
      %get3A_973 = tpu.vector_load %arg7[%get3A_972] {strides = array<i32>} : memref<16384xf32, #tpu.memory_space<vmem>>, vector<16xf32>,
      %get3A_974 = vector.shape_cast %get3A_973 : vector<16xf32> to vector<16xf32>
      %mul3A_975 = vector.broadcast %squeeze3A_969 : f32 to vector<16xf32>
      %mul3A_976 = arith.mulf %mul3A_975, %get3A_974 : vector<16xf32>
      %add3A_977 = arith.addf %add3A_963, %mul3A_976 : vector<16xf32>
      %mul3A_978 = arith.constant 16 : i32
      %mul3A_979 = arith.muli %scan3A_943, %mul3A_978 : i32
      %add3A_980 = arith.constant 2 : i32
      %add3A_981 = arith.addi %mul3A_979, %add3A_980 : i32
      %slice3A_982 = vector.extract_strided_slice %get3A_951 {offsets = [2], sizes = [1], strides = [1]} : vector<16xf32> to vector<1xf32>
      %squeeze3A_983 = vector.extract %slice3A_982[0] : f32 from vector<1xf32>
      %mul3A_984 = arith.constant 16 : i32
      %mul3A_985 = arith.muli %add3A_981, %mul3A_984 : i32
      %get3A_986 = arith.index_cast %mul3A_985 : i32 to index
      %get3A_987 = tpu.vector_load %arg7[%get3A_986] {strides = array<i32>} : memref<16384xf32, #tpu.memory_space<vmem>>, vector<16xf32>,
      %get3A_988 = vector.shape_cast %get3A_987 : vector<16xf32> to vector<16xf32>
      %mul3A_989 = vector.broadcast %squeeze3A_983 : f32 to vector<16xf32>
      %mul3A_990 = arith.mulf %mul3A_989, %get3A_988 : vector<16xf32>
      %add3A_991 = arith.addf %add3A_977, %mul3A_990 : vector<16xf32>
      %mul3A_992 = arith.constant 16 : i32
      %mul3A_993 = arith.muli %scan3A_943, %mul3A_992 : i32
      %add3A_994 = arith.constant 3 : i32
      %add3A_995 = arith.addi %mul3A_993, %add3A_994 : i32
      %slice3A_996 = vector.extract_strided_slice %get3A_951 {offsets = [3], sizes = [1], strides = [1]} : vector<16xf32> to vector<1xf32>
      %squeeze3A_997 = vector.extract %slice3A_996[0] : f32 from vector<1xf32>
      %mul3A_998 = arith.constant 16 : i32
      %mul3A_999 = arith.muli %add3A_995, %mul3A_998 : i32
      %get3A_1000 = arith.index_cast %mul3A_999 : i32 to index
      %get3A_1001 = tpu.vector_load %arg7[%get3A_1000] {strides = array<i32>} : memref<16384xf32, #tpu.memory_space<vmem>>, vector<16xf32>,
      %get3A_1002 = vector.shape_cast %get3A_1001 : vector<16xf32> to vector<16xf32>
      %mul3A_1003 = vector.broadcast %squeeze3A_997 : f32 to vector<16xf32>
      %mul3A_1004 = arith.mulf %mul3A_1003, %get3A_1002 : vector<16xf32>
      %add3A_1005 = arith.addf %add3A_991, %mul3A_1004 : vector<16xf32>
      %mul3A_1006 = arith.constant 16 : i32
      %mul3A_1007 = arith.muli %scan3A_943, %mul3A_1006 : i32
      %add3A_1008 = arith.constant 4 : i32
      %add3A_1009 = arith.addi %mul3A_1007, %add3A_1008 : i32
      %slice3A_1010 = vector.extract_strided_slice %get3A_951 {offsets = [4], sizes = [1], strides = [1]} : vector<16xf32> to vector<1xf32>
      %squeeze3A_1011 = vector.extract %slice3A_1010[0] : f32 from vector<1xf32>
      %mul3A_1012 = arith.constant 16 : i32
      %mul3A_1013 = arith.muli %add3A_1009, %mul3A_1012 : i32
      %get3A_1014 = arith.index_cast %mul3A_1013 : i32 to index
      %get3A_1015 = tpu.vector_load %arg7[%get3A_1014] {strides = array<i32>} : memref<16384xf32, #tpu.memory_space<vmem>>, vector<16xf32>,
      %get3A_1016 = vector.shape_cast %get3A_1015 : vector<16xf32> to vector<16xf32>
      %mul3A_1017 = vector.broadcast %squeeze3A_1011 : f32 to vector<16xf32>
      %mul3A_1018 = arith.mulf %mul3A_1017, %get3A_1016 : vector<16xf32>
      %add3A_1019 = arith.addf %add3A_1005, %mul3A_1018 : vector<16xf32>
      %mul3A_1020 = arith.constant 16 : i32
      %mul3A_1021 = arith.muli %scan3A_943, %mul3A_1020 : i32
      %add3A_1022 = arith.constant 5 : i32
      %add3A_1023 = arith.addi %mul3A_1021, %add3A_1022 : i32
      %slice3A_1024 = vector.extract_strided_slice %get3A_951 {offsets = [5], sizes = [1], strides = [1]} : vector<16xf32> to vector<1xf32>
      %squeeze3A_1025 = vector.extract %slice3A_1024[0] : f32 from vector<1xf32>
      %mul3A_1026 = arith.constant 16 : i32
      %mul3A_1027 = arith.muli %add3A_1023, %mul3A_1026 : i32
      %get3A_1028 = arith.index_cast %mul3A_1027 : i32 to index
      %get3A_1029 = tpu.vector_load %arg7[%get3A_1028] {strides = array<i32>} : memref<16384xf32, #tpu.memory_space<vmem>>, vector<16xf32>,
      %get3A_1030 = vector.shape_cast %get3A_1029 : vector<16xf32> to vector<16xf32>
      %mul3A_1031 = vector.broadcast %squeeze3A_1025 : f32 to vector<16xf32>
      %mul3A_1032 = arith.mulf %mul3A_1031, %get3A_1030 : vector<16xf32>
      %add3A_1033 = arith.addf %add3A_1019, %mul3A_1032 : vector<16xf32>
      %mul3A_1034 = arith.constant 16 : i32
      %mul3A_1035 = arith.muli %scan3A_943, %mul3A_1034 : i32
      %add3A_1036 = arith.constant 6 : i32
      %add3A_1037 = arith.addi %mul3A_1035, %add3A_1036 : i32
      %slice3A_1038 = vector.extract_strided_slice %get3A_951 {offsets = [6], sizes = [1], strides = [1]} : vector<16xf32> to vector<1xf32>
      %squeeze3A_1039 = vector.extract %slice3A_1038[0] : f32 from vector<1xf32>
      %mul3A_1040 = arith.constant 16 : i32
      %mul3A_1041 = arith.muli %add3A_1037, %mul3A_1040 : i32
      %get3A_1042 = arith.index_cast %mul3A_1041 : i32 to index
      %get3A_1043 = tpu.vector_load %arg7[%get3A_1042] {strides = array<i32>} : memref<16384xf32, #tpu.memory_space<vmem>>, vector<16xf32>,
      %get3A_1044 = vector.shape_cast %get3A_1043 : vector<16xf32> to vector<16xf32>
      %mul3A_1045 = vector.broadcast %squeeze3A_1039 : f32 to vector<16xf32>
      %mul3A_1046 = arith.mulf %mul3A_1045, %get3A_1044 : vector<16xf32>
      %add3A_1047 = arith.addf %add3A_1033, %mul3A_1046 : vector<16xf32>
      %mul3A_1048 = arith.constant 16 : i32
      %mul3A_1049 = arith.muli %scan3A_943, %mul3A_1048 : i32
      %add3A_1050 = arith.constant 7 : i32
      %add3A_1051 = arith.addi %mul3A_1049, %add3A_1050 : i32
      %slice3A_1052 = vector.extract_strided_slice %get3A_951 {offsets = [7], sizes = [1], strides = [1]} : vector<16xf32> to vector<1xf32>
      %squeeze3A_1053 = vector.extract %slice3A_1052[0] : f32 from vector<1xf32>
      %mul3A_1054 = arith.constant 16 : i32
      %mul3A_1055 = arith.muli %add3A_1051, %mul3A_1054 : i32
      %get3A_1056 = arith.index_cast %mul3A_1055 : i32 to index
      %get3A_1057 = tpu.vector_load %arg7[%get3A_1056] {strides = array<i32>} : memref<16384xf32, #tpu.memory_space<vmem>>, vector<16xf32>,
      %get3A_1058 = vector.shape_cast %get3A_1057 : vector<16xf32> to vector<16xf32>
      %mul3A_1059 = vector.broadcast %squeeze3A_1053 : f32 to vector<16xf32>
      %mul3A_1060 = arith.mulf %mul3A_1059, %get3A_1058 : vector<16xf32>
      %add3A_1061 = arith.addf %add3A_1047, %mul3A_1060 : vector<16xf32>
      %mul3A_1062 = arith.constant 16 : i32
      %mul3A_1063 = arith.muli %scan3A_943, %mul3A_1062 : i32
      %add3A_1064 = arith.constant 8 : i32
      %add3A_1065 = arith.addi %mul3A_1063, %add3A_1064 : i32
      %slice3A_1066 = vector.extract_strided_slice %get3A_951 {offsets = [8], sizes = [1], strides = [1]} : vector<16xf32> to vector<1xf32>
      %squeeze3A_1067 = vector.extract %slice3A_1066[0] : f32 from vector<1xf32>
      %mul3A_1068 = arith.constant 16 : i32
      %mul3A_1069 = arith.muli %add3A_1065, %mul3A_1068 : i32
      %get3A_1070 = arith.index_cast %mul3A_1069 : i32 to index
      %get3A_1071 = tpu.vector_load %arg7[%get3A_1070] {strides = array<i32>} : memref<16384xf32, #tpu.memory_space<vmem>>, vector<16xf32>,
      %get3A_1072 = vector.shape_cast %get3A_1071 : vector<16xf32> to vector<16xf32>
      %mul3A_1073 = vector.broadcast %squeeze3A_1067 : f32 to vector<16xf32>
      %mul3A_1074 = arith.mulf %mul3A_1073, %get3A_1072 : vector<16xf32>
      %add3A_1075 = arith.addf %add3A_1061, %mul3A_1074 : vector<16xf32>
      %mul3A_1076 = arith.constant 16 : i32
      %mul3A_1077 = arith.muli %scan3A_943, %mul3A_1076 : i32
      %add3A_1078 = arith.constant 9 : i32
      %add3A_1079 = arith.addi %mul3A_1077, %add3A_1078 : i32
      %slice3A_1080 = vector.extract_strided_slice %get3A_951 {offsets = [9], sizes = [1], strides = [1]} : vector<16xf32> to vector<1xf32>
      %squeeze3A_1081 = vector.extract %slice3A_1080[0] : f32 from vector<1xf32>
      %mul3A_1082 = arith.constant 16 : i32
      %mul3A_1083 = arith.muli %add3A_1079, %mul3A_1082 : i32
      %get3A_1084 = arith.index_cast %mul3A_1083 : i32 to index
      %get3A_1085 = tpu.vector_load %arg7[%get3A_1084] {strides = array<i32>} : memref<16384xf32, #tpu.memory_space<vmem>>, vector<16xf32>,
      %get3A_1086 = vector.shape_cast %get3A_1085 : vector<16xf32> to vector<16xf32>
      %mul3A_1087 = vector.broadcast %squeeze3A_1081 : f32 to vector<16xf32>
      %mul3A_1088 = arith.mulf %mul3A_1087, %get3A_1086 : vector<16xf32>
      %add3A_1089 = arith.addf %add3A_1075, %mul3A_1088 : vector<16xf32>
      %mul3A_1090 = arith.constant 16 : i32
      %mul3A_1091 = arith.muli %scan3A_943, %mul3A_1090 : i32
      %add3A_1092 = arith.constant 10 : i32
      %add3A_1093 = arith.addi %mul3A_1091, %add3A_1092 : i32
      %slice3A_1094 = vector.extract_strided_slice %get3A_951 {offsets = [10], sizes = [1], strides = [1]} : vector<16xf32> to vector<1xf32>
      %squeeze3A_1095 = vector.extract %slice3A_1094[0] : f32 from vector<1xf32>
      %mul3A_1096 = arith.constant 16 : i32
      %mul3A_1097 = arith.muli %add3A_1093, %mul3A_1096 : i32
      %get3A_1098 = arith.index_cast %mul3A_1097 : i32 to index
      %get3A_1099 = tpu.vector_load %arg7[%get3A_1098] {strides = array<i32>} : memref<16384xf32, #tpu.memory_space<vmem>>, vector<16xf32>,
      %get3A_1100 = vector.shape_cast %get3A_1099 : vector<16xf32> to vector<16xf32>
      %mul3A_1101 = vector.broadcast %squeeze3A_1095 : f32 to vector<16xf32>
      %mul3A_1102 = arith.mulf %mul3A_1101, %get3A_1100 : vector<16xf32>
      %add3A_1103 = arith.addf %add3A_1089, %mul3A_1102 : vector<16xf32>
      %mul3A_1104 = arith.constant 16 : i32
      %mul3A_1105 = arith.muli %scan3A_943, %mul3A_1104 : i32
      %add3A_1106 = arith.constant 11 : i32
      %add3A_1107 = arith.addi %mul3A_1105, %add3A_1106 : i32
      %slice3A_1108 = vector.extract_strided_slice %get3A_951 {offsets = [11], sizes = [1], strides = [1]} : vector<16xf32> to vector<1xf32>
      %squeeze3A_1109 = vector.extract %slice3A_1108[0] : f32 from vector<1xf32>
      %mul3A_1110 = arith.constant 16 : i32
      %mul3A_1111 = arith.muli %add3A_1107, %mul3A_1110 : i32
      %get3A_1112 = arith.index_cast %mul3A_1111 : i32 to index
      %get3A_1113 = tpu.vector_load %arg7[%get3A_1112] {strides = array<i32>} : memref<16384xf32, #tpu.memory_space<vmem>>, vector<16xf32>,
      %get3A_1114 = vector.shape_cast %get3A_1113 : vector<16xf32> to vector<16xf32>
      %mul3A_1115 = vector.broadcast %squeeze3A_1109 : f32 to vector<16xf32>
      %mul3A_1116 = arith.mulf %mul3A_1115, %get3A_1114 : vector<16xf32>
      %add3A_1117 = arith.addf %add3A_1103, %mul3A_1116 : vector<16xf32>
      %mul3A_1118 = arith.constant 16 : i32
      %mul3A_1119 = arith.muli %scan3A_943, %mul3A_1118 : i32
      %add3A_1120 = arith.constant 12 : i32
      %add3A_1121 = arith.addi %mul3A_1119, %add3A_1120 : i32
      %slice3A_1122 = vector.extract_strided_slice %get3A_951 {offsets = [12], sizes = [1], strides = [1]} : vector<16xf32> to vector<1xf32>
      %squeeze3A_1123 = vector.extract %slice3A_1122[0] : f32 from vector<1xf32>
      %mul3A_1124 = arith.constant 16 : i32
      %mul3A_1125 = arith.muli %add3A_1121, %mul3A_1124 : i32
      %get3A_1126 = arith.index_cast %mul3A_1125 : i32 to index
      %get3A_1127 = tpu.vector_load %arg7[%get3A_1126] {strides = array<i32>} : memref<16384xf32, #tpu.memory_space<vmem>>, vector<16xf32>,
      %get3A_1128 = vector.shape_cast %get3A_1127 : vector<16xf32> to vector<16xf32>
      %mul3A_1129 = vector.broadcast %squeeze3A_1123 : f32 to vector<16xf32>
      %mul3A_1130 = arith.mulf %mul3A_1129, %get3A_1128 : vector<16xf32>
      %add3A_1131 = arith.addf %add3A_1117, %mul3A_1130 : vector<16xf32>
      %mul3A_1132 = arith.constant 16 : i32
      %mul3A_1133 = arith.muli %scan3A_943, %mul3A_1132 : i32
      %add3A_1134 = arith.constant 13 : i32
      %add3A_1135 = arith.addi %mul3A_1133, %add3A_1134 : i32
      %slice3A_1136 = vector.extract_strided_slice %get3A_951 {offsets = [13], sizes = [1], strides = [1]} : vector<16xf32> to vector<1xf32>
      %squeeze3A_1137 = vector.extract %slice3A_1136[0] : f32 from vector<1xf32>
      %mul3A_1138 = arith.constant 16 : i32
      %mul3A_1139 = arith.muli %add3A_1135, %mul3A_1138 : i32
      %get3A_1140 = arith.index_cast %mul3A_1139 : i32 to index
      %get3A_1141 = tpu.vector_load %arg7[%get3A_1140] {strides = array<i32>} : memref<16384xf32, #tpu.memory_space<vmem>>, vector<16xf32>,
      %get3A_1142 = vector.shape_cast %get3A_1141 : vector<16xf32> to vector<16xf32>
      %mul3A_1143 = vector.broadcast %squeeze3A_1137 : f32 to vector<16xf32>
      %mul3A_1144 = arith.mulf %mul3A_1143, %get3A_1142 : vector<16xf32>
      %add3A_1145 = arith.addf %add3A_1131, %mul3A_1144 : vector<16xf32>
      %mul3A_1146 = arith.constant 16 : i32
      %mul3A_1147 = arith.muli %scan3A_943, %mul3A_1146 : i32
      %add3A_1148 = arith.constant 14 : i32
      %add3A_1149 = arith.addi %mul3A_1147, %add3A_1148 : i32
      %slice3A_1150 = vector.extract_strided_slice %get3A_951 {offsets = [14], sizes = [1], strides = [1]} : vector<16xf32> to vector<1xf32>
      %squeeze3A_1151 = vector.extract %slice3A_1150[0] : f32 from vector<1xf32>
      %mul3A_1152 = arith.constant 16 : i32
      %mul3A_1153 = arith.muli %add3A_1149, %mul3A_1152 : i32
      %get3A_1154 = arith.index_cast %mul3A_1153 : i32 to index
      %get3A_1155 = tpu.vector_load %arg7[%get3A_1154] {strides = array<i32>} : memref<16384xf32, #tpu.memory_space<vmem>>, vector<16xf32>,
      %get3A_1156 = vector.shape_cast %get3A_1155 : vector<16xf32> to vector<16xf32>
      %mul3A_1157 = vector.broadcast %squeeze3A_1151 : f32 to vector<16xf32>
      %mul3A_1158 = arith.mulf %mul3A_1157, %get3A_1156 : vector<16xf32>
      %add3A_1159 = arith.addf %add3A_1145, %mul3A_1158 : vector<16xf32>
      %mul3A_1160 = arith.constant 16 : i32
      %mul3A_1161 = arith.muli %scan3A_943, %mul3A_1160 : i32
      %add3A_1162 = arith.constant 15 : i32
      %add3A_1163 = arith.addi %mul3A_1161, %add3A_1162 : i32
      %slice3A_1164 = vector.extract_strided_slice %get3A_951 {offsets = [15], sizes = [1], strides = [1]} : vector<16xf32> to vector<1xf32>
      %squeeze3A_1165 = vector.extract %slice3A_1164[0] : f32 from vector<1xf32>
      %mul3A_1166 = arith.constant 16 : i32
      %mul3A_1167 = arith.muli %add3A_1163, %mul3A_1166 : i32
      %get3A_1168 = arith.index_cast %mul3A_1167 : i32 to index
      %get3A_1169 = tpu.vector_load %arg7[%get3A_1168] {strides = array<i32>} : memref<16384xf32, #tpu.memory_space<vmem>>, vector<16xf32>,
      %get3A_1170 = vector.shape_cast %get3A_1169 : vector<16xf32> to vector<16xf32>
      %mul3A_1171 = vector.broadcast %squeeze3A_1165 : f32 to vector<16xf32>
      %mul3A_1172 = arith.mulf %mul3A_1171, %get3A_1170 : vector<16xf32>
      %add3A_1173 = arith.addf %add3A_1159, %mul3A_1172 : vector<16xf32>
      scf.yield %add3A_1173 : vector<16xf32>
    }
    %scan3A_711 = arith.constant 64 : i32
    %iota3A_712 = tpu.iota {dimensions = array<i32: 0>} : vector<16xi32>
    %convert_element_type3A_713 = arith.sitofp %iota3A_712 : vector<16xi32> to vector<16xf32>
    %swap3A_714 = arith.constant 0 : index
    %swap3A_715 = tpu.vector_load %arg10[%swap3A_714] {strides = array<i32>} : memref<32xf32, #tpu.memory_space<vmem>>, vector<16xf32>,
    %swap3A_716 = vector.shape_cast %swap3A_715 : vector<16xf32> to vector<16xf32>
    %swap3A_717 = vector.shape_cast %scan3A_710 : vector<16xf32> to vector<16xf32>
    tpu.vector_store %arg10[%swap3A_714], %swap3A_717 {strides = array<i32>} : memref<32xf32, #tpu.memory_space<vmem>>, vector<16xf32>,
    %swap3A_718 = arith.constant 16 : index
    %swap3A_719 = tpu.vector_load %arg10[%swap3A_718] {strides = array<i32>} : memref<32xf32, #tpu.memory_space<vmem>>, vector<16xf32>,
    %swap3A_720 = vector.shape_cast %swap3A_719 : vector<16xf32> to vector<16xf32>
    %swap3A_721 = vector.shape_cast %scan3A_710 : vector<16xf32> to vector<16xf32>
    tpu.vector_store %arg10[%swap3A_718], %swap3A_721 {strides = array<i32>} : memref<32xf32, #tpu.memory_space<vmem>>, vector<16xf32>,
    %get3A_722 = arith.constant 1 : index
    %get3A_723 = tpu.vector_load %arg10[%get3A_722] {strides = array<i32>} : memref<32xf32, #tpu.memory_space<vmem>>, vector<16xf32>,
    %get3A_724 = vector.shape_cast %get3A_723 : vector<16xf32> to vector<16xf32>
    %max3A_725 = arith.maximumf %scan3A_710, %get3A_724 : vector<16xf32>
    %swap3A_726 = arith.constant 0 : index
    %swap3A_727 = tpu.vector_load %arg10[%swap3A_726] {strides = array<i32>} : memref<32xf32, #tpu.memory_space<vmem>>, vector<16xf32>,
    %swap3A_728 = vector.shape_cast %swap3A_727 : vector<16xf32> to vector<16xf32>
    %swap3A_729 = vector.shape_cast %max3A_725 : vector<16xf32> to vector<16xf32>
    tpu.vector_store %arg10[%swap3A_726], %swap3A_729 {strides = array<i32>} : memref<32xf32, #tpu.memory_space<vmem>>, vector<16xf32>,
    %swap3A_730 = arith.constant 16 : index
    %swap3A_731 = tpu.vector_load %arg10[%swap3A_730] {strides = array<i32>} : memref<32xf32, #tpu.memory_space<vmem>>, vector<16xf32>,
    %swap3A_732 = vector.shape_cast %swap3A_731 : vector<16xf32> to vector<16xf32>
    %swap3A_733 = vector.shape_cast %max3A_725 : vector<16xf32> to vector<16xf32>
    tpu.vector_store %arg10[%swap3A_730], %swap3A_733 {strides = array<i32>} : memref<32xf32, #tpu.memory_space<vmem>>, vector<16xf32>,
    %get3A_734 = arith.constant 2 : index
    %get3A_735 = tpu.vector_load %arg10[%get3A_734] {strides = array<i32>} : memref<32xf32, #tpu.memory_space<vmem>>, vector<16xf32>,
    %get3A_736 = vector.shape_cast %get3A_735 : vector<16xf32> to vector<16xf32>
    %max3A_737 = arith.maximumf %max3A_725, %get3A_736 : vector<16xf32>
    %swap3A_738 = arith.constant 0 : index
    %swap3A_739 = tpu.vector_load %arg10[%swap3A_738] {strides = array<i32>} : memref<32xf32, #tpu.memory_space<vmem>>, vector<16xf32>,
    %swap3A_740 = vector.shape_cast %swap3A_739 : vector<16xf32> to vector<16xf32>
    %swap3A_741 = vector.shape_cast %max3A_737 : vector<16xf32> to vector<16xf32>
    tpu.vector_store %arg10[%swap3A_738], %swap3A_741 {strides = array<i32>} : memref<32xf32, #tpu.memory_space<vmem>>, vector<16xf32>,
    %swap3A_742 = arith.constant 16 : index
    %swap3A_743 = tpu.vector_load %arg10[%swap3A_742] {strides = array<i32>} : memref<32xf32, #tpu.memory_space<vmem>>, vector<16xf32>,
    %swap3A_744 = vector.shape_cast %swap3A_743 : vector<16xf32> to vector<16xf32>
    %swap3A_745 = vector.shape_cast %max3A_737 : vector<16xf32> to vector<16xf32>
    tpu.vector_store %arg10[%swap3A_742], %swap3A_745 {strides = array<i32>} : memref<32xf32, #tpu.memory_space<vmem>>, vector<16xf32>,
    %get3A_746 = arith.constant 4 : index
    %get3A_747 = tpu.vector_load %arg10[%get3A_746] {strides = array<i32>} : memref<32xf32, #tpu.memory_space<vmem>>, vector<16xf32>,
    %get3A_748 = vector.shape_cast %get3A_747 : vector<16xf32> to vector<16xf32>
    %max3A_749 = arith.maximumf %max3A_737, %get3A_748 : vector<16xf32>
    %swap3A_750 = arith.constant 0 : index
    %swap3A_751 = tpu.vector_load %arg10[%swap3A_750] {strides = array<i32>} : memref<32xf32, #tpu.memory_space<vmem>>, vector<16xf32>,
    %swap3A_752 = vector.shape_cast %swap3A_751 : vector<16xf32> to vector<16xf32>
    %swap3A_753 = vector.shape_cast %max3A_749 : vector<16xf32> to vector<16xf32>
    tpu.vector_store %arg10[%swap3A_750], %swap3A_753 {strides = array<i32>} : memref<32xf32, #tpu.memory_space<vmem>>, vector<16xf32>,
    %swap3A_754 = arith.constant 16 : index
    %swap3A_755 = tpu.vector_load %arg10[%swap3A_754] {strides = array<i32>} : memref<32xf32, #tpu.memory_space<vmem>>, vector<16xf32>,
    %swap3A_756 = vector.shape_cast %swap3A_755 : vector<16xf32> to vector<16xf32>
    %swap3A_757 = vector.shape_cast %max3A_749 : vector<16xf32> to vector<16xf32>
    tpu.vector_store %arg10[%swap3A_754], %swap3A_757 {strides = array<i32>} : memref<32xf32, #tpu.memory_space<vmem>>, vector<16xf32>,
    %get3A_758 = arith.constant 8 : index
    %get3A_759 = tpu.vector_load %arg10[%get3A_758] {strides = array<i32>} : memref<32xf32, #tpu.memory_space<vmem>>, vector<16xf32>,
    %get3A_760 = vector.shape_cast %get3A_759 : vector<16xf32> to vector<16xf32>
    %max3A_761 = arith.maximumf %max3A_749, %get3A_760 : vector<16xf32>
    %eq3A_762 = arith.cmpf oeq, %scan3A_710, %max3A_761 : vector<16xf32>
    %jit3A_763 = arith.constant 9.900000e+01 : f32
    %broadcast_in_dim3A_764 = vector.broadcast %jit3A_763 : f32 to vector<16xf32>
    %select_n3A_765 = arith.select %eq3A_762, %convert_element_type3A_713, %broadcast_in_dim3A_764 : vector<16xi1>, vector<16xf32>
    %swap3A_766 = arith.constant 0 : index
    %swap3A_767 = tpu.vector_load %arg10[%swap3A_766] {strides = array<i32>} : memref<32xf32, #tpu.memory_space<vmem>>, vector<16xf32>,
    %swap3A_768 = vector.shape_cast %swap3A_767 : vector<16xf32> to vector<16xf32>
    %swap3A_769 = vector.shape_cast %select_n3A_765 : vector<16xf32> to vector<16xf32>
    tpu.vector_store %arg10[%swap3A_766], %swap3A_769 {strides = array<i32>} : memref<32xf32, #tpu.memory_space<vmem>>, vector<16xf32>,
    %swap3A_770 = arith.constant 16 : index
    %swap3A_771 = tpu.vector_load %arg10[%swap3A_770] {strides = array<i32>} : memref<32xf32, #tpu.memory_space<vmem>>, vector<16xf32>,
    %swap3A_772 = vector.shape_cast %swap3A_771 : vector<16xf32> to vector<16xf32>
    %swap3A_773 = vector.shape_cast %select_n3A_765 : vector<16xf32> to vector<16xf32>
    tpu.vector_store %arg10[%swap3A_770], %swap3A_773 {strides = array<i32>} : memref<32xf32, #tpu.memory_space<vmem>>, vector<16xf32>,
    %get3A_774 = arith.constant 1 : index
    %get3A_775 = tpu.vector_load %arg10[%get3A_774] {strides = array<i32>} : memref<32xf32, #tpu.memory_space<vmem>>, vector<16xf32>,
    %get3A_776 = vector.shape_cast %get3A_775 : vector<16xf32> to vector<16xf32>
    %min3A_777 = arith.minimumf %select_n3A_765, %get3A_776 : vector<16xf32>
    %swap3A_778 = arith.constant 0 : index
    %swap3A_779 = tpu.vector_load %arg10[%swap3A_778] {strides = array<i32>} : memref<32xf32, #tpu.memory_space<vmem>>, vector<16xf32>,
    %swap3A_780 = vector.shape_cast %swap3A_779 : vector<16xf32> to vector<16xf32>
    %swap3A_781 = vector.shape_cast %min3A_777 : vector<16xf32> to vector<16xf32>
    tpu.vector_store %arg10[%swap3A_778], %swap3A_781 {strides = array<i32>} : memref<32xf32, #tpu.memory_space<vmem>>, vector<16xf32>,
    %swap3A_782 = arith.constant 16 : index
    %swap3A_783 = tpu.vector_load %arg10[%swap3A_782] {strides = array<i32>} : memref<32xf32, #tpu.memory_space<vmem>>, vector<16xf32>,
    %swap3A_784 = vector.shape_cast %swap3A_783 : vector<16xf32> to vector<16xf32>
    %swap3A_785 = vector.shape_cast %min3A_777 : vector<16xf32> to vector<16xf32>
    tpu.vector_store %arg10[%swap3A_782], %swap3A_785 {strides = array<i32>} : memref<32xf32, #tpu.memory_space<vmem>>, vector<16xf32>,
    %get3A_786 = arith.constant 2 : index
    %get3A_787 = tpu.vector_load %arg10[%get3A_786] {strides = array<i32>} : memref<32xf32, #tpu.memory_space<vmem>>, vector<16xf32>,
    %get3A_788 = vector.shape_cast %get3A_787 : vector<16xf32> to vector<16xf32>
    %min3A_789 = arith.minimumf %min3A_777, %get3A_788 : vector<16xf32>
    %swap3A_790 = arith.constant 0 : index
    %swap3A_791 = tpu.vector_load %arg10[%swap3A_790] {strides = array<i32>} : memref<32xf32, #tpu.memory_space<vmem>>, vector<16xf32>,
    %swap3A_792 = vector.shape_cast %swap3A_791 : vector<16xf32> to vector<16xf32>
    %swap3A_793 = vector.shape_cast %min3A_789 : vector<16xf32> to vector<16xf32>
    tpu.vector_store %arg10[%swap3A_790], %swap3A_793 {strides = array<i32>} : memref<32xf32, #tpu.memory_space<vmem>>, vector<16xf32>,
    %swap3A_794 = arith.constant 16 : index
    %swap3A_795 = tpu.vector_load %arg10[%swap3A_794] {strides = array<i32>} : memref<32xf32, #tpu.memory_space<vmem>>, vector<16xf32>,
    %swap3A_796 = vector.shape_cast %swap3A_795 : vector<16xf32> to vector<16xf32>
    %swap3A_797 = vector.shape_cast %min3A_789 : vector<16xf32> to vector<16xf32>
    tpu.vector_store %arg10[%swap3A_794], %swap3A_797 {strides = array<i32>} : memref<32xf32, #tpu.memory_space<vmem>>, vector<16xf32>,
    %get3A_798 = arith.constant 4 : index
    %get3A_799 = tpu.vector_load %arg10[%get3A_798] {strides = array<i32>} : memref<32xf32, #tpu.memory_space<vmem>>, vector<16xf32>,
    %get3A_800 = vector.shape_cast %get3A_799 : vector<16xf32> to vector<16xf32>
    %min3A_801 = arith.minimumf %min3A_789, %get3A_800 : vector<16xf32>
    %swap3A_802 = arith.constant 0 : index
    %swap3A_803 = tpu.vector_load %arg10[%swap3A_802] {strides = array<i32>} : memref<32xf32, #tpu.memory_space<vmem>>, vector<16xf32>,
    %swap3A_804 = vector.shape_cast %swap3A_803 : vector<16xf32> to vector<16xf32>
    %swap3A_805 = vector.shape_cast %min3A_801 : vector<16xf32> to vector<16xf32>
    tpu.vector_store %arg10[%swap3A_802], %swap3A_805 {strides = array<i32>} : memref<32xf32, #tpu.memory_space<vmem>>, vector<16xf32>,
    %swap3A_806 = arith.constant 16 : index
    %swap3A_807 = tpu.vector_load %arg10[%swap3A_806] {strides = array<i32>} : memref<32xf32, #tpu.memory_space<vmem>>, vector<16xf32>,
    %swap3A_808 = vector.shape_cast %swap3A_807 : vector<16xf32> to vector<16xf32>
    %swap3A_809 = vector.shape_cast %min3A_801 : vector<16xf32> to vector<16xf32>
    tpu.vector_store %arg10[%swap3A_806], %swap3A_809 {strides = array<i32>} : memref<32xf32, #tpu.memory_space<vmem>>, vector<16xf32>,
    %get3A_810 = arith.constant 8 : index
    %get3A_811 = tpu.vector_load %arg10[%get3A_810] {strides = array<i32>} : memref<32xf32, #tpu.memory_space<vmem>>, vector<16xf32>,
    %get3A_812 = vector.shape_cast %get3A_811 : vector<16xf32> to vector<16xf32>
    %min3A_813 = arith.minimumf %min3A_801, %get3A_812 : vector<16xf32>
    %eq3A_814 = arith.cmpf oeq, %convert_element_type3A_713, %min3A_813 : vector<16xf32>
    %jit3A_815 = arith.constant -1.000000e+30 : f32
    %broadcast_in_dim3A_816 = vector.broadcast %jit3A_815 : f32 to vector<16xf32>
    %select_n3A_817 = arith.select %eq3A_814, %broadcast_in_dim3A_816, %scan3A_710 : vector<16xi1>, vector<16xf32>
    %swap3A_818 = arith.constant 0 : index
    %swap3A_819 = tpu.vector_load %arg10[%swap3A_818] {strides = array<i32>} : memref<32xf32, #tpu.memory_space<vmem>>, vector<16xf32>,
    %swap3A_820 = vector.shape_cast %swap3A_819 : vector<16xf32> to vector<16xf32>
    %swap3A_821 = vector.shape_cast %select_n3A_817 : vector<16xf32> to vector<16xf32>
    tpu.vector_store %arg10[%swap3A_818], %swap3A_821 {strides = array<i32>} : memref<32xf32, #tpu.memory_space<vmem>>, vector<16xf32>,
    %swap3A_822 = arith.constant 16 : index
    %swap3A_823 = tpu.vector_load %arg10[%swap3A_822] {strides = array<i32>} : memref<32xf32, #tpu.memory_space<vmem>>, vector<16xf32>,
    %swap3A_824 = vector.shape_cast %swap3A_823 : vector<16xf32> to vector<16xf32>
    %swap3A_825 = vector.shape_cast %select_n3A_817 : vector<16xf32> to vector<16xf32>
    tpu.vector_store %arg10[%swap3A_822], %swap3A_825 {strides = array<i32>} : memref<32xf32, #tpu.memory_space<vmem>>, vector<16xf32>,
    %get3A_826 = arith.constant 1 : index
    %get3A_827 = tpu.vector_load %arg10[%get3A_826] {strides = array<i32>} : memref<32xf32, #tpu.memory_space<vmem>>, vector<16xf32>,
    %get3A_828 = vector.shape_cast %get3A_827 : vector<16xf32> to vector<16xf32>
    %max3A_829 = arith.maximumf %select_n3A_817, %get3A_828 : vector<16xf32>
    %swap3A_830 = arith.constant 0 : index
    %swap3A_831 = tpu.vector_load %arg10[%swap3A_830] {strides = array<i32>} : memref<32xf32, #tpu.memory_space<vmem>>, vector<16xf32>,
    %swap3A_832 = vector.shape_cast %swap3A_831 : vector<16xf32> to vector<16xf32>
    %swap3A_833 = vector.shape_cast %max3A_829 : vector<16xf32> to vector<16xf32>
    tpu.vector_store %arg10[%swap3A_830], %swap3A_833 {strides = array<i32>} : memref<32xf32, #tpu.memory_space<vmem>>, vector<16xf32>,
    %swap3A_834 = arith.constant 16 : index
    %swap3A_835 = tpu.vector_load %arg10[%swap3A_834] {strides = array<i32>} : memref<32xf32, #tpu.memory_space<vmem>>, vector<16xf32>,
    %swap3A_836 = vector.shape_cast %swap3A_835 : vector<16xf32> to vector<16xf32>
    %swap3A_837 = vector.shape_cast %max3A_829 : vector<16xf32> to vector<16xf32>
    tpu.vector_store %arg10[%swap3A_834], %swap3A_837 {strides = array<i32>} : memref<32xf32, #tpu.memory_space<vmem>>, vector<16xf32>,
    %get3A_838 = arith.constant 2 : index
    %get3A_839 = tpu.vector_load %arg10[%get3A_838] {strides = array<i32>} : memref<32xf32, #tpu.memory_space<vmem>>, vector<16xf32>,
    %get3A_840 = vector.shape_cast %get3A_839 : vector<16xf32> to vector<16xf32>
    %max3A_841 = arith.maximumf %max3A_829, %get3A_840 : vector<16xf32>
    %swap3A_842 = arith.constant 0 : index
    %swap3A_843 = tpu.vector_load %arg10[%swap3A_842] {strides = array<i32>} : memref<32xf32, #tpu.memory_space<vmem>>, vector<16xf32>,
    %swap3A_844 = vector.shape_cast %swap3A_843 : vector<16xf32> to vector<16xf32>
    %swap3A_845 = vector.shape_cast %max3A_841 : vector<16xf32> to vector<16xf32>
    tpu.vector_store %arg10[%swap3A_842], %swap3A_845 {strides = array<i32>} : memref<32xf32, #tpu.memory_space<vmem>>, vector<16xf32>,
    %swap3A_846 = arith.constant 16 : index
    %swap3A_847 = tpu.vector_load %arg10[%swap3A_846] {strides = array<i32>} : memref<32xf32, #tpu.memory_space<vmem>>, vector<16xf32>,
    %swap3A_848 = vector.shape_cast %swap3A_847 : vector<16xf32> to vector<16xf32>
    %swap3A_849 = vector.shape_cast %max3A_841 : vector<16xf32> to vector<16xf32>
    tpu.vector_store %arg10[%swap3A_846], %swap3A_849 {strides = array<i32>} : memref<32xf32, #tpu.memory_space<vmem>>, vector<16xf32>,
    %get3A_850 = arith.constant 4 : index
    %get3A_851 = tpu.vector_load %arg10[%get3A_850] {strides = array<i32>} : memref<32xf32, #tpu.memory_space<vmem>>, vector<16xf32>,
    %get3A_852 = vector.shape_cast %get3A_851 : vector<16xf32> to vector<16xf32>
    %max3A_853 = arith.maximumf %max3A_841, %get3A_852 : vector<16xf32>
    %swap3A_854 = arith.constant 0 : index
    %swap3A_855 = tpu.vector_load %arg10[%swap3A_854] {strides = array<i32>} : memref<32xf32, #tpu.memory_space<vmem>>, vector<16xf32>,
    %swap3A_856 = vector.shape_cast %swap3A_855 : vector<16xf32> to vector<16xf32>
    %swap3A_857 = vector.shape_cast %max3A_853 : vector<16xf32> to vector<16xf32>
    tpu.vector_store %arg10[%swap3A_854], %swap3A_857 {strides = array<i32>} : memref<32xf32, #tpu.memory_space<vmem>>, vector<16xf32>,
    %swap3A_858 = arith.constant 16 : index
    %swap3A_859 = tpu.vector_load %arg10[%swap3A_858] {strides = array<i32>} : memref<32xf32, #tpu.memory_space<vmem>>, vector<16xf32>,
    %swap3A_860 = vector.shape_cast %swap3A_859 : vector<16xf32> to vector<16xf32>
    %swap3A_861 = vector.shape_cast %max3A_853 : vector<16xf32> to vector<16xf32>
    tpu.vector_store %arg10[%swap3A_858], %swap3A_861 {strides = array<i32>} : memref<32xf32, #tpu.memory_space<vmem>>, vector<16xf32>,
    %get3A_862 = arith.constant 8 : index
    %get3A_863 = tpu.vector_load %arg10[%get3A_862] {strides = array<i32>} : memref<32xf32, #tpu.memory_space<vmem>>, vector<16xf32>,
    %get3A_864 = vector.shape_cast %get3A_863 : vector<16xf32> to vector<16xf32>
    %max3A_865 = arith.maximumf %max3A_853, %get3A_864 : vector<16xf32>
    %eq3A_866 = arith.cmpf oeq, %select_n3A_817, %max3A_865 : vector<16xf32>
    %jit3A_867 = arith.constant 9.900000e+01 : f32
    %broadcast_in_dim3A_868 = vector.broadcast %jit3A_867 : f32 to vector<16xf32>
    %select_n3A_869 = arith.select %eq3A_866, %convert_element_type3A_713, %broadcast_in_dim3A_868 : vector<16xi1>, vector<16xf32>
    %swap3A_870 = arith.constant 0 : index
    %swap3A_871 = tpu.vector_load %arg10[%swap3A_870] {strides = array<i32>} : memref<32xf32, #tpu.memory_space<vmem>>, vector<16xf32>,
    %swap3A_872 = vector.shape_cast %swap3A_871 : vector<16xf32> to vector<16xf32>
    %swap3A_873 = vector.shape_cast %select_n3A_869 : vector<16xf32> to vector<16xf32>
    tpu.vector_store %arg10[%swap3A_870], %swap3A_873 {strides = array<i32>} : memref<32xf32, #tpu.memory_space<vmem>>, vector<16xf32>,
    %swap3A_874 = arith.constant 16 : index
    %swap3A_875 = tpu.vector_load %arg10[%swap3A_874] {strides = array<i32>} : memref<32xf32, #tpu.memory_space<vmem>>, vector<16xf32>,
    %swap3A_876 = vector.shape_cast %swap3A_875 : vector<16xf32> to vector<16xf32>
    %swap3A_877 = vector.shape_cast %select_n3A_869 : vector<16xf32> to vector<16xf32>
    tpu.vector_store %arg10[%swap3A_874], %swap3A_877 {strides = array<i32>} : memref<32xf32, #tpu.memory_space<vmem>>, vector<16xf32>,
    %get3A_878 = arith.constant 1 : index
    %get3A_879 = tpu.vector_load %arg10[%get3A_878] {strides = array<i32>} : memref<32xf32, #tpu.memory_space<vmem>>, vector<16xf32>,
    %get3A_880 = vector.shape_cast %get3A_879 : vector<16xf32> to vector<16xf32>
    %min3A_881 = arith.minimumf %select_n3A_869, %get3A_880 : vector<16xf32>
    %swap3A_882 = arith.constant 0 : index
    %swap3A_883 = tpu.vector_load %arg10[%swap3A_882] {strides = array<i32>} : memref<32xf32, #tpu.memory_space<vmem>>, vector<16xf32>,
    %swap3A_884 = vector.shape_cast %swap3A_883 : vector<16xf32> to vector<16xf32>
    %swap3A_885 = vector.shape_cast %min3A_881 : vector<16xf32> to vector<16xf32>
    tpu.vector_store %arg10[%swap3A_882], %swap3A_885 {strides = array<i32>} : memref<32xf32, #tpu.memory_space<vmem>>, vector<16xf32>,
    %swap3A_886 = arith.constant 16 : index
    %swap3A_887 = tpu.vector_load %arg10[%swap3A_886] {strides = array<i32>} : memref<32xf32, #tpu.memory_space<vmem>>, vector<16xf32>,
    %swap3A_888 = vector.shape_cast %swap3A_887 : vector<16xf32> to vector<16xf32>
    %swap3A_889 = vector.shape_cast %min3A_881 : vector<16xf32> to vector<16xf32>
    tpu.vector_store %arg10[%swap3A_886], %swap3A_889 {strides = array<i32>} : memref<32xf32, #tpu.memory_space<vmem>>, vector<16xf32>,
    %get3A_890 = arith.constant 2 : index
    %get3A_891 = tpu.vector_load %arg10[%get3A_890] {strides = array<i32>} : memref<32xf32, #tpu.memory_space<vmem>>, vector<16xf32>,
    %get3A_892 = vector.shape_cast %get3A_891 : vector<16xf32> to vector<16xf32>
    %min3A_893 = arith.minimumf %min3A_881, %get3A_892 : vector<16xf32>
    %swap3A_894 = arith.constant 0 : index
    %swap3A_895 = tpu.vector_load %arg10[%swap3A_894] {strides = array<i32>} : memref<32xf32, #tpu.memory_space<vmem>>, vector<16xf32>,
    %swap3A_896 = vector.shape_cast %swap3A_895 : vector<16xf32> to vector<16xf32>
    %swap3A_897 = vector.shape_cast %min3A_893 : vector<16xf32> to vector<16xf32>
    tpu.vector_store %arg10[%swap3A_894], %swap3A_897 {strides = array<i32>} : memref<32xf32, #tpu.memory_space<vmem>>, vector<16xf32>,
    %swap3A_898 = arith.constant 16 : index
    %swap3A_899 = tpu.vector_load %arg10[%swap3A_898] {strides = array<i32>} : memref<32xf32, #tpu.memory_space<vmem>>, vector<16xf32>,
    %swap3A_900 = vector.shape_cast %swap3A_899 : vector<16xf32> to vector<16xf32>
    %swap3A_901 = vector.shape_cast %min3A_893 : vector<16xf32> to vector<16xf32>
    tpu.vector_store %arg10[%swap3A_898], %swap3A_901 {strides = array<i32>} : memref<32xf32, #tpu.memory_space<vmem>>, vector<16xf32>,
    %get3A_902 = arith.constant 4 : index
    %get3A_903 = tpu.vector_load %arg10[%get3A_902] {strides = array<i32>} : memref<32xf32, #tpu.memory_space<vmem>>, vector<16xf32>,
    %get3A_904 = vector.shape_cast %get3A_903 : vector<16xf32> to vector<16xf32>
    %min3A_905 = arith.minimumf %min3A_893, %get3A_904 : vector<16xf32>
    %swap3A_906 = arith.constant 0 : index
    %swap3A_907 = tpu.vector_load %arg10[%swap3A_906] {strides = array<i32>} : memref<32xf32, #tpu.memory_space<vmem>>, vector<16xf32>,
    %swap3A_908 = vector.shape_cast %swap3A_907 : vector<16xf32> to vector<16xf32>
    %swap3A_909 = vector.shape_cast %min3A_905 : vector<16xf32> to vector<16xf32>
    tpu.vector_store %arg10[%swap3A_906], %swap3A_909 {strides = array<i32>} : memref<32xf32, #tpu.memory_space<vmem>>, vector<16xf32>,
    %swap3A_910 = arith.constant 16 : index
    %swap3A_911 = tpu.vector_load %arg10[%swap3A_910] {strides = array<i32>} : memref<32xf32, #tpu.memory_space<vmem>>, vector<16xf32>,
    %swap3A_912 = vector.shape_cast %swap3A_911 : vector<16xf32> to vector<16xf32>
    %swap3A_913 = vector.shape_cast %min3A_905 : vector<16xf32> to vector<16xf32>
    tpu.vector_store %arg10[%swap3A_910], %swap3A_913 {strides = array<i32>} : memref<32xf32, #tpu.memory_space<vmem>>, vector<16xf32>,
    %get3A_914 = arith.constant 8 : index
    %get3A_915 = tpu.vector_load %arg10[%get3A_914] {strides = array<i32>} : memref<32xf32, #tpu.memory_space<vmem>>, vector<16xf32>,
    %get3A_916 = vector.shape_cast %get3A_915 : vector<16xf32> to vector<16xf32>
    %min3A_917 = arith.minimumf %min3A_905, %get3A_916 : vector<16xf32>
    %sub3A_918 = arith.subf %max3A_865, %max3A_761 : vector<16xf32>
    %exp3A_919 = math.exp %sub3A_918 : vector<16xf32>
    %add3A_920 = arith.constant 1.000000e+00 : f32
    %add3A_921 = vector.broadcast %add3A_920 : f32 to vector<16xf32>
    %add3A_922 = arith.addf %add3A_921, %exp3A_919 : vector<16xf32>
    %div3A_923 = arith.constant 1.000000e+00 : f32
    %div3A_924 = vector.broadcast %div3A_923 : f32 to vector<16xf32>
    %div3A_925 = arith.divf %div3A_924, %add3A_922 : vector<16xf32>
    %add3A_926 = arith.constant 1.000000e+00 : f32
    %add3A_927 = vector.broadcast %add3A_926 : f32 to vector<16xf32>
    %add3A_928 = arith.addf %add3A_927, %exp3A_919 : vector<16xf32>
    %div3A_929 = arith.divf %exp3A_919, %add3A_928 : vector<16xf32>
    %broadcast_in_dim3A_930 = arith.constant 0.000000e+00 : f32
    %broadcast_in_dim3A_931 = vector.broadcast %broadcast_in_dim3A_930 : f32 to vector<16xf32>
    %eq3A_932 = arith.cmpf oeq, %convert_element_type3A_713, %min3A_813 : vector<16xf32>
    %select_n3A_933 = arith.select %eq3A_932, %div3A_925, %broadcast_in_dim3A_931 : vector<16xi1>, vector<16xf32>
    %eq3A_934 = arith.cmpf oeq, %convert_element_type3A_713, %min3A_917 : vector<16xf32>
    %select_n3A_935 = arith.select %eq3A_934, %div3A_929, %broadcast_in_dim3A_931 : vector<16xi1>, vector<16xf32>
    %add3A_936 = arith.addf %select_n3A_933, %select_n3A_935 : vector<16xf32>
    %swap3A_937 = arith.constant 48 : index
    %swap3A_938 = tpu.vector_load %arg9[%swap3A_937] {strides = array<i32>} : memref<64xf32, #tpu.memory_space<vmem>>, vector<16xf32>,
    %swap3A_939 = vector.shape_cast %swap3A_938 : vector<16xf32> to vector<16xf32>
    %swap3A_940 = vector.shape_cast %add3A_936 : vector<16xf32> to vector<16xf32>
    tpu.vector_store %arg9[%swap3A_937], %swap3A_940 {strides = array<i32>} : memref<64xf32, #tpu.memory_space<vmem>>, vector<16xf32>,
    %mul3A_941 = arith.constant 64 : i32
    %mul3A_942 = arith.muli %add3A, %mul3A_941 : i32
    "tpu.region"() ({
      %run_scoped3A = tpu.sem_alloc : memref<!tpu.dma_semaphore, #tpu.memory_space<semaphore_mem>>
      %dma_start3A = tpu.memref_slice %arg5[%mul3A_942] : memref<2048xf32, #tpu.memory_space<hbm>> -> memref<64xf32, #tpu.memory_space<hbm>>
      %dma_start3A_943 = tpu.memref_slice %arg5[%mul3A_942] : memref<2048xf32, #tpu.memory_space<hbm>> -> memref<64xf32, #tpu.memory_space<hbm>>
      tpu.enqueue_dma source(%arg9 : memref<64xf32, #tpu.memory_space<vmem>>) target(%dma_start3A_943 : memref<64xf32, #tpu.memory_space<hbm>>) target_semaphore(%run_scoped3A : memref<!tpu.dma_semaphore, #tpu.memory_space<semaphore_mem>>)
      %dma_wait3A = tpu.memref_slice %arg5[%mul3A_942] : memref<2048xf32, #tpu.memory_space<hbm>> -> memref<64xf32, #tpu.memory_space<hbm>>
      %dma_wait3A_944 = tpu.memref_slice %arg5[%mul3A_942] : memref<2048xf32, #tpu.memory_space<hbm>> -> memref<64xf32, #tpu.memory_space<hbm>>
      tpu.wait_dma2 semaphore(%run_scoped3A : memref<!tpu.dma_semaphore, #tpu.memory_space<semaphore_mem>>) src(%arg9 : memref<64xf32, #tpu.memory_space<vmem>>) dst(%dma_wait3A_944 : memref<64xf32, #tpu.memory_space<hbm>>)
      tpu.yield
    }) : () -> ()
    return
  }
}

module attributes {stable_mosaic.version = 14 : i64} {
  func.func @_moe_kernel(%arg0: i32, %arg1: memref<128x1024xf32, #tpu.memory_space<vmem>>, %arg2: memref<128x16xf32, #tpu.memory_space<vmem>>, %arg3: memref<16x3072xf32, #tpu.memory_space<vmem>>, %arg4: memref<1x1024x1024xf32, #tpu.memory_space<vmem>>, %arg5: memref<1x1024x1024xf32, #tpu.memory_space<vmem>>, %arg6: memref<1x1024x1024xf32, #tpu.memory_space<vmem>>, %arg7: memref<128x1024xf32, #tpu.memory_space<vmem>>) attributes {dimension_semantics = [#tpu.dimension_semantics<arbitrary>], iteration_bounds = array<i64: 16>, scalar_prefetch = 0 : i64, scratch_operands = 0 : i64, tpu.core_type = #tpu.core_type<tc>, window_params = [{pipeline_mode = #tpu.pipeline_mode<synchronous>, transform_indices = @transform_0, window_bounds = array<i64: 128, 1024>}, {pipeline_mode = #tpu.pipeline_mode<synchronous>, transform_indices = @transform_1, window_bounds = array<i64: 128, 16>}, {pipeline_mode = #tpu.pipeline_mode<synchronous>, transform_indices = @transform_2, window_bounds = array<i64: 16, 3072>}, {transform_indices = @transform_3, window_bounds = array<i64: 1, 1024, 1024>}, {transform_indices = @transform_4, window_bounds = array<i64: 1, 1024, 1024>}, {transform_indices = @transform_5, window_bounds = array<i64: 1, 1024, 1024>}, {pipeline_mode = #tpu.pipeline_mode<synchronous>, transform_indices = @transform_6, window_bounds = array<i64: 128, 1024>}]} {
    %get3A = arith.constant 0 : index
    %get3A_0 = arith.constant 0 : index
    %get3A_1 = vector.load %arg1[%get3A, %get3A_0] : memref<128x1024xf32, #tpu.memory_space<vmem>>, vector<128x1024xf32>
    %iota3A = tpu.iota {dimensions = array<i32: 1>} : vector<128x16xi32>
    %eq3A = vector.broadcast %arg0 : i32 to vector<128x16xi32>
    %eq3A_2 = arith.cmpi eq, %iota3A, %eq3A : vector<128x16xi32>
    %get3A_3 = arith.constant 0 : index
    %get3A_4 = arith.constant 0 : index
    %get3A_5 = vector.load %arg2[%get3A_3, %get3A_4] : memref<128x16xf32, #tpu.memory_space<vmem>>, vector<128x16xf32>
    %jit3A = arith.constant 0.000000e+00 : f32
    %broadcast_in_dim3A = vector.broadcast %jit3A : f32 to vector<128x16xf32>
    %select_n3A = arith.select %eq3A_2, %get3A_5, %broadcast_in_dim3A : vector<128x16xi1>, vector<128x16xf32>
    %reduce_sum3A = arith.constant dense<0.000000e+00> : vector<128xf32>
    %reduce_sum3A_6 = vector.multi_reduction <add>, %select_n3A, %reduce_sum3A [1] : vector<128x16xf32> to vector<128xf32>
    %broadcast_in_dim3A_7 = vector.shape_cast %reduce_sum3A_6 : vector<128xf32> to vector<128x1xf32>
    %get3A_8 = arith.index_cast %arg0 : i32 to index
    %get3A_9 = arith.constant 0 : index
    %get3A_10 = vector.load %arg3[%get3A_8, %get3A_9] : memref<16x3072xf32, #tpu.memory_space<vmem>>, vector<1x1024xf32>
    %get3A_11 = arith.index_cast %arg0 : i32 to index
    %get3A_12 = arith.constant 1024 : index
    %get3A_13 = vector.load %arg3[%get3A_11, %get3A_12] : memref<16x3072xf32, #tpu.memory_space<vmem>>, vector<1x1024xf32>
    %get3A_14 = arith.index_cast %arg0 : i32 to index
    %get3A_15 = arith.constant 2048 : index
    %get3A_16 = vector.load %arg3[%get3A_14, %get3A_15] : memref<16x3072xf32, #tpu.memory_space<vmem>>, vector<1x1024xf32>
    %get3A_17 = arith.constant 0 : index
    %get3A_18 = arith.constant 0 : index
    %get3A_19 = arith.constant 0 : index
    %get3A_20 = vector.load %arg4[%get3A_17, %get3A_18, %get3A_19] : memref<1x1024x1024xf32, #tpu.memory_space<vmem>>, vector<1x1024x1024xf32>
    %get3A_21 = vector.shape_cast %get3A_20 : vector<1x1024x1024xf32> to vector<1024x1024xf32>
    %dot_general3A = arith.constant dense<0.000000e+00> : vector<128x1024xf32>
    %dot_general3A_22 = tpu.matmul %get3A_1, %get3A_21, %dot_general3A {dimension_numbers = #tpu.dot_dimension_numbers<[1], [1], [0], [0], [0, 0, 1, 0], [], []>, transpose_lhs_hint = false} : vector<128x1024xf32>, vector<1024x1024xf32>, vector<128x1024xf32> -> vector<128x1024xf32>
    %add3A = vector.broadcast %get3A_10 : vector<1x1024xf32> to vector<128x1024xf32>
    %add3A_23 = arith.addf %dot_general3A_22, %add3A : vector<128x1024xf32>
    %get3A_24 = arith.constant 0 : index
    %get3A_25 = arith.constant 0 : index
    %get3A_26 = arith.constant 0 : index
    %get3A_27 = vector.load %arg5[%get3A_24, %get3A_25, %get3A_26] : memref<1x1024x1024xf32, #tpu.memory_space<vmem>>, vector<1x1024x1024xf32>
    %get3A_28 = vector.shape_cast %get3A_27 : vector<1x1024x1024xf32> to vector<1024x1024xf32>
    %dot_general3A_29 = arith.constant dense<0.000000e+00> : vector<128x1024xf32>
    %dot_general3A_30 = tpu.matmul %get3A_1, %get3A_28, %dot_general3A_29 {dimension_numbers = #tpu.dot_dimension_numbers<[1], [1], [0], [0], [0, 0, 1, 0], [], []>, transpose_lhs_hint = false} : vector<128x1024xf32>, vector<1024x1024xf32>, vector<128x1024xf32> -> vector<128x1024xf32>
    %add3A_31 = vector.broadcast %get3A_13 : vector<1x1024xf32> to vector<128x1024xf32>
    %add3A_32 = arith.addf %dot_general3A_30, %add3A_31 : vector<128x1024xf32>
    %min3A = arith.constant 7.000000e+00 : f32
    %min3A_33 = vector.broadcast %min3A : f32 to vector<128x1024xf32>
    %min3A_34 = arith.minimumf %add3A_23, %min3A_33 : vector<128x1024xf32>
    %jit3A_35 = arith.constant -7.000000e+00 : f32
    %jit3A_36 = arith.constant 7.000000e+00 : f32
    %max3A = vector.broadcast %jit3A_35 : f32 to vector<128x1024xf32>
    %max3A_37 = arith.maximumf %max3A, %add3A_32 : vector<128x1024xf32>
    %min3A_38 = vector.broadcast %jit3A_36 : f32 to vector<128x1024xf32>
    %min3A_39 = arith.minimumf %min3A_38, %max3A_37 : vector<128x1024xf32>
    %mul3A = arith.constant 1.702000e+00 : f32
    %mul3A_40 = vector.broadcast %mul3A : f32 to vector<128x1024xf32>
    %mul3A_41 = arith.mulf %min3A_34, %mul3A_40 : vector<128x1024xf32>
    %logistic3A = arith.negf %mul3A_41 : vector<128x1024xf32>
    %logistic3A_42 = math.exp %logistic3A : vector<128x1024xf32>
    %logistic3A_43 = arith.constant 1.000000e+00 : f32
    %logistic3A_44 = vector.broadcast %logistic3A_43 : f32 to vector<128x1024xf32>
    %logistic3A_45 = arith.addf %logistic3A_44, %logistic3A_42 : vector<128x1024xf32>
    %logistic3A_46 = arith.divf %logistic3A_44, %logistic3A_45 : vector<128x1024xf32>
    %mul3A_47 = arith.mulf %min3A_34, %logistic3A_46 : vector<128x1024xf32>
    %add3A_48 = arith.constant 1.000000e+00 : f32
    %add3A_49 = vector.broadcast %add3A_48 : f32 to vector<128x1024xf32>
    %add3A_50 = arith.addf %min3A_39, %add3A_49 : vector<128x1024xf32>
    %mul3A_51 = arith.mulf %add3A_50, %mul3A_47 : vector<128x1024xf32>
    %get3A_52 = arith.constant 0 : index
    %get3A_53 = arith.constant 0 : index
    %get3A_54 = arith.constant 0 : index
    %get3A_55 = vector.load %arg6[%get3A_52, %get3A_53, %get3A_54] : memref<1x1024x1024xf32, #tpu.memory_space<vmem>>, vector<1x1024x1024xf32>
    %get3A_56 = vector.shape_cast %get3A_55 : vector<1x1024x1024xf32> to vector<1024x1024xf32>
    %dot_general3A_57 = arith.constant dense<0.000000e+00> : vector<128x1024xf32>
    %dot_general3A_58 = tpu.matmul %mul3A_51, %get3A_56, %dot_general3A_57 {dimension_numbers = #tpu.dot_dimension_numbers<[1], [1], [0], [0], [0, 0, 1, 0], [], []>, transpose_lhs_hint = false} : vector<128x1024xf32>, vector<1024x1024xf32>, vector<128x1024xf32> -> vector<128x1024xf32>
    %add3A_59 = vector.broadcast %get3A_16 : vector<1x1024xf32> to vector<128x1024xf32>
    %add3A_60 = arith.addf %dot_general3A_58, %add3A_59 : vector<128x1024xf32>
    %mul3A_61 = vector.broadcast %broadcast_in_dim3A_7 : vector<128x1xf32> to vector<128x1024xf32>
    %mul3A_62 = arith.mulf %add3A_60, %mul3A_61 : vector<128x1024xf32>
    %eq3A_63 = arith.constant 0 : i32
    %eq3A_64 = arith.cmpi eq, %arg0, %eq3A_63 : i32
    %convert_element_type3A = arith.extui %eq3A_64 : i1 to i32
    %cond3A = arith.constant 0 : i32
    %cond3A_65 = arith.cmpi ne, %convert_element_type3A, %cond3A : i32
    scf.if %cond3A_65 {
      %swap3A = arith.constant 0 : index
      %swap3A_70 = arith.constant 0 : index
      %swap3A_71 = vector.load %arg7[%swap3A, %swap3A_70] : memref<128x1024xf32, #tpu.memory_space<vmem>>, vector<128x1024xf32>
      tpu.vector_store %arg7[%swap3A, %swap3A_70], %mul3A_62 {strides = array<i32>} : memref<128x1024xf32, #tpu.memory_space<vmem>>, vector<128x1024xf32>,
    } else {
    }
    %ne3A = arith.constant 0 : i32
    %ne3A_66 = arith.cmpi ne, %arg0, %ne3A : i32
    %convert_element_type3A_67 = arith.extui %ne3A_66 : i1 to i32
    %cond3A_68 = arith.constant 0 : i32
    %cond3A_69 = arith.cmpi ne, %convert_element_type3A_67, %cond3A_68 : i32
    scf.if %cond3A_69 {
      %get3A_70 = arith.constant 0 : index
      %get3A_71 = arith.constant 0 : index
      %get3A_72 = vector.load %arg7[%get3A_70, %get3A_71] : memref<128x1024xf32, #tpu.memory_space<vmem>>, vector<128x1024xf32>
      %add3A_73 = arith.addf %get3A_72, %mul3A_62 : vector<128x1024xf32>
      %swap3A = arith.constant 0 : index
      %swap3A_74 = arith.constant 0 : index
      %swap3A_75 = vector.load %arg7[%swap3A, %swap3A_74] : memref<128x1024xf32, #tpu.memory_space<vmem>>, vector<128x1024xf32>
      tpu.vector_store %arg7[%swap3A, %swap3A_74], %add3A_73 {strides = array<i32>} : memref<128x1024xf32, #tpu.memory_space<vmem>>, vector<128x1024xf32>,
    } else {
    }
    return
  }
  func.func @transform_0(%arg0: i32) -> (i32, i32) {
    %c0_i32 = arith.constant 0 : i32
    %c0_i32_0 = arith.constant 0 : i32
    %c0_i32_1 = arith.constant 0 : i32
    return %c0_i32, %c0_i32_0 : i32, i32
  }
  func.func @transform_1(%arg0: i32) -> (i32, i32) {
    %c0_i32 = arith.constant 0 : i32
    %c0_i32_0 = arith.constant 0 : i32
    %c0_i32_1 = arith.constant 0 : i32
    return %c0_i32, %c0_i32_0 : i32, i32
  }
  func.func @transform_2(%arg0: i32) -> (i32, i32) {
    %c0_i32 = arith.constant 0 : i32
    %c0_i32_0 = arith.constant 0 : i32
    %c0_i32_1 = arith.constant 0 : i32
    return %c0_i32, %c0_i32_0 : i32, i32
  }
  func.func @transform_3(%arg0: i32) -> (i32, i32, i32) {
    %c0_i32 = arith.constant 0 : i32
    %c0_i32_0 = arith.constant 0 : i32
    %c0_i32_1 = arith.constant 0 : i32
    return %arg0, %c0_i32, %c0_i32_0 : i32, i32, i32
  }
  func.func @transform_4(%arg0: i32) -> (i32, i32, i32) {
    %c0_i32 = arith.constant 0 : i32
    %c0_i32_0 = arith.constant 0 : i32
    %c0_i32_1 = arith.constant 0 : i32
    return %arg0, %c0_i32, %c0_i32_0 : i32, i32, i32
  }
  func.func @transform_5(%arg0: i32) -> (i32, i32, i32) {
    %c0_i32 = arith.constant 0 : i32
    %c0_i32_0 = arith.constant 0 : i32
    %c0_i32_1 = arith.constant 0 : i32
    return %arg0, %c0_i32, %c0_i32_0 : i32, i32, i32
  }
  func.func @transform_6(%arg0: i32) -> (i32, i32) {
    %c0_i32 = arith.constant 0 : i32
    %c0_i32_0 = arith.constant 0 : i32
    %c0_i32_1 = arith.constant 0 : i32
    return %c0_i32, %c0_i32_0 : i32, i32
  }
}

</mosaic_0001>

<sc_bundles>
// kernel: kernel.4.cloned.1.call-start
scs
__scs_entry_jumppad:
0x0: {  	(pc) =	sbr.rel $0x88, $3  }
0x1: {  	(tag) =	ssettag $0x0;
	lr =	simm.s32 $0x1  }
0x2: {  	[smem:$0x3F98] =	sst lr;
	_ =	strace $0xD0000000  }
0x3: {  	_ = 	snop  }
0x4: {  	_ = 	snop  }
0x5: {  	_ = 	snop  }
0x6: {  	_ = 	snop  }
0x7: {  	_ = 	snop  }
__scs_overlays_trampoline_lowered:
0x8: {  	[smem:$0x3FA7] =	sst s0  }
0x9: {  	[smem:$0x3FA8] =	sst s1  }
0xa: {  	[smem:$0x3FA9] =	sst s2  }
0xb: {  	[smem:$0x3FAA] =	sst s3  }
0xc: {  	[smem:$0x3FAB] =	sst s4  }
0xd: {  	[smem:$0x3FAC] =	sst s5  }
0xe: {  	[smem:$0x3FAD] =	sst s6  }
0xf: {  	[smem:$0x3FAE] =	sst s7  }
0x10: {  	[smem:$0x3FAF] =	sst s8  }
0x11: {  	[smem:$0x3FB0] =	sst s9;
	s0 =	simm.s32 @!p0 $0x0  }
0x12: {  	s1 =	sld [smem:$0x3F96];
	s0 =	simm.s32 @p0 $0x1  }
0x13: {  	[smem:$0x3FB1] =	sst s0;
	s0 =	simm.s32 @!p1 $0x0  }
0x14: {  	s2 =	sld [smem:$0x3F95];
	s0 =	simm.s32 @p1 $0x1  }
0x15: {  	[smem:$0x3FB2] =	sst s0;
	s0 =	simm.s32 @!p2 $0x0  }
0x16: {  	s3 =	sld [smem:$0x3FDB];
	s0 =	simm.s32 @p2 $0x1  }
0x17: {  	s4 =	simm.s32 $0x1BF5;
	[smem:$0x3FB4] =	sst s0  }
0x18: {  	s0 =	sld [smem:$0x3F97];
	_ =	swait.ge [sflag:s4], $0x0  }
0x19: {  	s7 =	sld [smem:$0x3F98]  }
0x1a: {  	s8 =	sadd.s32 $0xFFFFE003, lr  }
0x1b: {  	s9 =	sadd.s32 $0xFFFFFEF7, lr;
	s5 =	simm.s32 $0xFFFFFFFF;
	p2 =	slt.u32 s8, $0xFFFFF086  }
0x1c: {  	p1 =	slt.u32 s9, $0xF7A;
	s5 =	simm.s32 @!p2 $0x0  }
0x1d: {  	s5 =	simm.s32 @p1 $0x1;
	p0 =	seq.s32 s7, s2  }
0x1e: {  	s7 =	smul.u32 @!p0 $0xF7A, s2;
	p2 =	seq.s32 @!p0 s5, $0x0  }
0x1f: {  	s9 =	smul.u32 $0xF7A, s1;
	s8 =	simm.s32 @!p0 $0x1BF5;
	p2 =	por !p2, p0  }
0x20: {  	[sflag:s8] =	ssyncset.s32 @!p0 $0xFFFFF086;
	s6 =	sadd.s32 @!p0 s3, s7;
	s7 =	simm.s32 @!p0 $0x108  }
0x21: {  	s3 =	sadd.s32 s3, s9;
	s6 =	sadd.s32 @!p0 $0x88, s6;
	s7 =	simm.s32 @p2 $0x1082  }
0x22: {  	[simem:s7], [sflag:s8] =	dma.local @!p0 [hbm:s6], $0xF7A  }
0x23: {  	s9 =	sor.u32 $0xD0000000, s2;
	s6 =	simm.s32 $0x108;
	_ =	swait.ge @!p0 [sflag:s8], $0x0  }
0x24: {  	s3 =	sadd.s32 $0x88, s3;
	s6 =	simm.s32 @!p1 $0x1082;
	[sflag:s4] =	ssyncset.s32 $0xFFFFF086  }
0x25: {  	[simem:s6], [sflag:s4] =	dma.local [hbm:s3], $0xF7A  }
0x26: {  	[smem:$0x3F98] =	sst s1;
	(tag) =	ssettag s2;
	_ =	strace s9  }
0x27: {  	s1 =	sld [smem:$0x3FA8]  }
0x28: {  	s2 =	sld [smem:$0x3FA9]  }
0x29: {  	s4 =	sld [smem:$0x3FAB]  }
0x2a: {  	p0 =	seq.s32 s5, $0x0;
	s5 =	sld [smem:$0x3FAC]  }
0x2b: {  	s6 =	sld [smem:$0x3FAD]  }
0x2c: {  	s7 =	sld [smem:$0x3FAE]  }
0x2d: {  	s3 =	simm.s32 $0x108;
	s8 =	sld [smem:$0x3FAF]  }
0x2e: {  	s3 =	simm.s32 @!p0 $0x1082;
	s9 =	sld [smem:$0x3FB0]  }
0x2f: {  	lr =	sadd.s32 s0, s3;
	s0 =	sld [smem:$0x3FA7]  }
0x30: {  	s3 =	sld [smem:$0x3FAA]  }
0x31: {  	[smem:$0x3FB3] =	sst s10  }
0x32: {  	s10 =	sld [smem:$0x3FB1];
	_ =	sdelay $0x3  }
0x33: {  	p0 =	seq.s32 s10, $0x1;
	s10 =	sld [smem:$0x3FB3];
	_ =	sdelay $0x3  }
0x34: {  	[smem:$0x3FB3] =	sst s10  }
0x35: {  	s10 =	sld [smem:$0x3FB2];
	_ =	sdelay $0x3  }
0x36: {  	p1 =	seq.s32 s10, $0x1;
	s10 =	sld [smem:$0x3FB3];
	_ =	sdelay $0x3  }
0x37: {  	[smem:$0x3FB3] =	sst s10  }
0x38: {  	s10 =	sld [smem:$0x3FB4]  }
0x39: {  	_ = 	snop;
	(pc) =	sbr.ind lr, $3  }
0x3a: {  	_ = 	snop  }
0x3b: {  	_ = 	snop  }
0x3c: {  	p2 =	seq.s32 s10, $0x1;
	s10 =	sld [smem:$0x3FB3]  }
0x3d: {  	_ =	shalt  }
0x3e: {  	_ =	shalt  }
0x3f: {  	_ =	shalt  }
0x40: {  	_ =	shalt  }
0x41: {  	_ =	shalt  }
0x42: {  	_ =	shalt  }
0x43: {  	_ =	shalt  }
0x44: {  	_ =	shalt  }
0x45: {  	_ =	shalt  }
0x46: {  	_ =	shalt  }
0x47: {  	_ =	shalt  }
0x48: {  	_ =	shalt  }
0x49: {  	_ =	shalt  }
0x4a: {  	_ =	shalt  }
0x4b: {  	_ =	shalt  }
0x4c: {  	_ =	shalt  }
0x4d: {  	_ =	shalt  }
0x4e: {  	_ =	shalt  }
0x4f: {  	_ =	shalt  }
0x50: {  	_ =	shalt  }
0x51: {  	_ =	shalt  }
0x52: {  	_ =	shalt  }
0x53: {  	_ =	shalt  }
0x54: {  	_ =	shalt  }
0x55: {  	_ =	shalt  }
0x56: {  	_ =	shalt  }
0x57: {  	_ =	shalt  }
0x58: {  	_ =	shalt  }
0x59: {  	_ =	shalt  }
0x5a: {  	_ =	shalt  }
0x5b: {  	_ =	shalt  }
0x5c: {  	_ =	shalt  }
0x5d: {  	_ =	shalt  }
0x5e: {  	_ =	shalt  }
0x5f: {  	_ =	shalt  }
0x60: {  	_ =	shalt  }
0x61: {  	_ =	shalt  }
0x62: {  	_ =	shalt  }
0x63: {  	_ =	shalt  }
0x64: {  	_ =	shalt  }
0x65: {  	_ =	shalt  }
0x66: {  	_ =	shalt  }
0x67: {  	_ =	shalt  }
0x68: {  	_ =	shalt  }
0x69: {  	_ =	shalt  }
0x6a: {  	_ =	shalt  }
0x6b: {  	_ =	shalt  }
0x6c: {  	_ =	shalt  }
0x6d: {  	_ =	shalt  }
0x6e: {  	_ =	shalt  }
0x6f: {  	_ =	shalt  }
0x70: {  	_ =	shalt  }
0x71: {  	_ =	shalt  }
0x72: {  	_ =	shalt  }
0x73: {  	_ =	shalt  }
0x74: {  	_ =	shalt  }
0x75: {  	_ =	shalt  }
0x76: {  	_ =	shalt  }
0x77: {  	_ =	shalt  }
0x78: {  	_ =	shalt  }
0x79: {  	_ =	shalt  }
0x7a: {  	_ =	shalt  }
0x7b: {  	_ =	shalt  }
0x7c: {  	_ =	shalt  }
0x7d: {  	_ =	shalt  }
0x7e: {  	_ =	shalt  }
0x7f: {  	_ =	shalt  }
0x80: {  	_ =	shalt  }
0x81: {  	_ =	shalt  }
0x82: {  	_ =	shalt  }
0x83: {  	_ =	shalt  }
0x84: {  	_ =	shalt  }
0x85: {  	_ =	shalt  }
0x86: {  	_ =	shalt  }
0x87: {  	_ =	shalt  }
.Lfunc_end0:
.L_simem_size_0:
called_computation_lowered:
.L_overlay_start_0:
0x88: {  	s2 =	sld [smem:$0x3FD9]  }
0x89: {  	s3 =	sld [smem:$0x3FFE];
	_ =	sdelay $0x1  }
0x8a: {  	s1 =	srdreg.scid  }
0x8b: {  	s0 =	sand.u32 $0x1, s1  }
0x8c: {  	s14 =	sshll.u32 s0, $0xA;
	s2 =	sadd.s32 s3, s2  }
0x8d: {  	s2 =	sadd.s32 s2, s14  }
0x8e: {  	[smem:$0x3FBF] =	sst s2  }
0x8f: {  	_ = 	snop  }
0x90: {  	s2 =	sld [smem:$0x3FD0];
	_ =	sdelay $0x2  }
0x91: {  	s4 =	simm.s32 $0xA;
	s5 =	simm.s32 $0x10;
	s15 =	sld [smem:$0x3FC7]  }
0x92: {  	[smem:s5], [sflag:s4] =	dma.local [hbm:s2], $0x1  }
0x93: {  	_ =	swait.eq [sflag:s4], $0x1  }
0x94: {  	[sflag:s4] =	ssyncset.done $0x0  }
0x95: {  	s16 =	sld [smem:$0x10];
	[sflag:s4] =	ssyncadd.s32 $0xFFFFFFFF  }
0x96: {  	s17 =	sld [smem:$0x11];
	(tm) =	ssettm $0x1  }
0x97: {  	s18 =	sld [smem:$0x3FFB];
	_ =	sdelay $0x3  }
0x98: {  	_ =	strace s18  }
0x99: {  	s5 =	sld [smem:$0x3FFC];
	_ =	sdelay $0x3  }
0x9a: {  	_ =	strace s5  }
0x9b: {  	s5 =	sld [smem:$0x3FFD];
	_ =	sdelay $0x3  }
0x9c: {  	_ =	strace s5  }
0x9d: {  	_ =	strace $0x8FFFFFFF  }
0x9e: {  	s19 =	sld [smem:$0x3FDB];
	_ =	sdelay $0x1  }
0x9f: {  	s6 =	simm.s32 $_scs_section_size  }
0xa0: {  	s7 =	simm.s32 $_size__tile_overlayer_lowered;
	s8 =	simm.s32 $_tile_overlayer_lowered  }
0xa1: {  	s22 =	simm.s32 $0x1BFF;
	s21 =	sshll.u32 s8, $0x1;
	s5 =	sadd.s32 s6, s19  }
0xa2: {  	s9 =	simm.s32 $0x0;
	s20 =	sshll.u32 s7, $0x1;
	s7 =	sadd.s32 s21, s5  }
0xa3: {  	[timem:s9], [sflag:s22] =	dma.local [hbm:s7], s20  }
0xa4: {  	_ =	swait.ge [sflag:s22], s20  }
0xa5: {  	s6 =	ssub.s32 $0x0, s20;
	[sflag:s22] =	ssyncset.done $0x0  }
0xa6: {  	[sflag:s22] =	ssyncadd.s32 s6;
	_ =	sdelay $0x1  }
0xa7: {  	s23 =	simm.s32 $0x1B8B  }
0xa8: {  	_ =	swait.ge [sflag:s23], $0x1  }
0xa9: {  	[sflag:s23] =	ssyncset.done $0x0  }
0xaa: {  	s25 =	simm.s32 $0x1B8E;
	s24 =	sld [smem:$0x3FFE];
	[sflag:s23] =	ssyncadd.s32 $0xFFFFFFFF  }
0xab: {  	s26 =	simm.s32 $execute0_lowered;
	[smem:$0x3FD2] =	sst s25  }
0xac: {  	s7 =	sshll.u32 s26, $0x1;
	_ =	strace $0x80000046;
	[dreg:$0x1] =	wrdreg $0xFFFFFFFF  }
0xad: {  	s28 =	simm.s32 $_size_execute0_lowered;
	s5 =	sadd.s32 s5, s7;
	[dreg:$0x0] =	wrdreg $0x0  }
0xae: {  	s7 =	sshll.u32 s28, $0x1;
	[dreg:$0x2] =	wrdreg s5  }
0xaf: {  	[dreg:$0x3] =	wrdreg s7  }
0xb0: {  	[dreg:$0x4] =	wrdreg $0xC0  }
0xb1: {  	_ =	task [dreg:s9], $0x5FFFF  }
0xb2: {  	[dreg:$0x1] =	wrdreg $0xFFFFFFFF  }
0xb3: {  	[dreg:$0x0] =	wrdreg $0x60  }
0xb4: {  	[dreg:$0x2] =	wrdreg s16  }
0xb5: {  	[dreg:$0x3] =	wrdreg s24  }
0xb6: {  	[dreg:$0x4] =	wrdreg s15  }
0xb7: {  	[dreg:$0x5] =	wrdreg s17  }
0xb8: {  	[dreg:$0x6] =	wrdreg $0x9  }
0xb9: {  	_ =	task.clear_ibuf [dreg:s9], $0x7FFFF;
	_ =	strace $0x90000046  }
0xba: {  	s29 =	simm.s32 $0x9;
	_ =	strace $0x80000048  }
0xbb: {  	_ =	swait.ge [sflag:s29], $0x1  }
0xbc: {  	[sflag:s29] =	ssyncadd.s32 $0xFFFFFFFF  }
0xbd: {  	_ =	strace $0x90000048  }
0xbe: {  	_ =	sfence  }
0xbf: {  	s30 =	sld [smem:$0x0];
	_ =	sdelay $0x2  }
0xc0: {  	s31 =	sshll.u32 s1, $0xD;
	s1 =	sshrl.u32 s1, $0x2  }
0xc1: {  	s3 =	sand.u32 $0x4000, s31;
	s1 =	sadd.s32 s1, s30  }
0xc2: {  	s0 =	sor.u32 s3, s0;
	s1 =	sshll.u32 s1, $0x11  }
0xc3: {  	s0 =	sor.u32 s1, s0  }
0xc4: {  	s0 =	sadd.s32 $0x8F2B, s0  }
0xc5: {  	[sflag:s0] =	ssyncadd.remote.s32 $0x1  }
0xc6: {  	_ =	sfence.sel $0xFFFF  }
0xc7: {  	[dreg:$0x0] =	wrdreg $0xFFFFFFFF;
	(pc) =	sbr.abs _section_cstart, $3  }
0xc8: {  	[dreg:$0x1] =	wrdreg $0xFFFFFFFF  }
0xc9: {  	_ =	task.clear_ibuf [dreg:s9], $0x2FFFF;
	_ =	strace $0x9FFFFFFF  }
0xca: {  	(tm) =	ssettm $0x7FFFFFFF  }
0xcb: {  	_ =	shalt  }
tec
execute0_lowered:
.L_overlay_start_1:
0x0: {  	(tag) =	ssettag $0x1  }
0x1: {  	v0 =	vimm.f32 $1.500000000e+01;
	vm0 =	vcmask $0x300  }
0x2: {  	vm14 =	vcmask $0x704;
	v0 =	vsel vm0, $0x0, v0  }
0x3: {  	vm15 =	vcmask $0xB08;
	v0 =	vsel vm14, $0x3F800000, v0  }
0x4: {  	vm4 =	vcmask $0xF0C;
	v0 =	vsel vm15, $0x40000000, v0  }
0x5: {  	s5 =	rddreg [dreg:$0x0];
	vm5 =	vcmask $0x1310;
	v0 =	vsel vm4, $0x40400000, v0  }
0x6: {  	s4 =	rddreg [dreg:$0x1];
	vm6 =	vcmask $0x1714;
	v0 =	vsel vm5, $0x40800000, v0  }
0x7: {  	s1 =	rddreg [dreg:$0x2];
	vm7 =	vcmask $0x1B18;
	v0 =	vsel vm6, $0x40A00000, v0  }
0x8: {  	s6 =	rddreg [dreg:$0x3];
	vm8 =	vcmask $0x1F1C;
	v0 =	vsel vm7, $0x40C00000, v0  }
0x9: {  	s0 =	rddreg [dreg:$0x4];
	s2 =	simm.s32 $0x0;
	vm9 =	vcmask $0x2320;
	v0 =	vsel vm8, $0x40E00000, v0  }
0xa: {  	s3 =	srdreg.scid;
	vm10 =	vcmask $0x2724;
	s11 =	simm.s32 $0x5080;
	s12 =	simm.s32 $0x0;
	v0 =	vsel vm9, $0x41000000, v0  }
0xb: {  	vm11 =	vcmask $0x2B28;
	[smem:$0x7FF] =	sst s2;
	s7 =	sand.u32 $0x1, s3;
	s3 =	stileid.u32;
	v0 =	vsel vm10, $0x41100000, v0  }
0xc: {  	vm12 =	vcmask $0x2F2C;
	s4 =	sadd.s32 $0x400, s4;
	s8 =	sshll.u32 s7, $0x4;
	s7 =	ssub.s32 $0x2, s7;
	v0 =	vsel vm11, $0x41200000, v0  }
0xd: {  	vm13 =	vcmask $0x3330;
	_ =	strace $0x80000047;
	s8 =	sor.u32 s3, s8;
	s9 =	sshrl.u32 s7, $0x1;
	v0 =	vsel vm12, $0x41300000, v0  }
0xe: {  	vm14 =	vcmask $0x3734;
	s10 =	sshll.u32 s8, $0x9;
	s8 =	sshll.u32 s8, $0x3;
	s7 =	ssub.s32 s7, s9;
	v0 =	vsel vm13, $0x41400000, v0  }
0xf: {  	vm15 =	vcmask $0x3B38;
	s9 =	simm.s32 $0x1000;
	s5 =	sadd.s32 s5, s10;
	s6 =	sadd.s32 s6, s8;
	v0 =	vsel vm14, $0x41500000, v0  }
0x10: {  	s7 =	smax.u32 s7, $0x1;
	s8 =	simm.s32 $0x1;
	s10 =	simm.s32 $0x5000;
	v0 =	vsel vm15, $0x41600000, v0  }
.LBB2_1:
0x11: {  	[tilespmem:s2], [sflag:$0x1] =	stream.linear.gather [hbm4b:s5+s2], $0x1000, $0x38;
	[tilespmem:$0x5180] =	vst v63  }
0x12: {  	_ =	swait.ge [sflag:s8], $0x1000  }
0x13: {  	[sflag:s8] =	ssyncset.done $0x0  }
0x14: {  	[sflag:s8] =	ssyncadd.s32 $0xFFFFF000  }
0x15: {  	[tilespmem:s9], [sflag:$0x1] =	stream.linear.gather [hbm4b:s4+s2], $0x4000, $0x38;
	[tilespmem:$0x5180] =	vst v63  }
0x16: {  	_ =	swait.ge [sflag:s8], $0x4000  }
0x17: {  	[sflag:s8] =	ssyncset.done $0x0  }
0x18: {  	[sflag:s8] =	ssyncadd.s32 $0xFFFFC000  }
0x19: {  	[tilespmem:s10], [sflag:$0x1] =	stream.linear.gather [hbm4b:s1+s2], $0x80, $0x38;
	[tilespmem:$0x5180] =	vst v63  }
0x1a: {  	_ =	swait.ge [sflag:s8], $0x80  }
0x1b: {  	[sflag:s8] =	ssyncset.done $0x0  }
0x1c: {  	s13 =	simm.s32 $0x0;
	[sflag:s8] =	ssyncadd.s32 $0xFFFFFF80  }
0x1d: {  	v1 =	vld [tilespmem:s13+$0x0]  }
0x1e: {  	s13 =	simm.s32 $0x1080  }
0x1f: {  	v2 =	vld [tilespmem:s13+$0xFFFFFF80]  }
0x20: {  	v3 =	vld [tilespmem:$0x5000]  }
0x21: {  	v4 =	vld [tilespmem:s13+$0xFFFFFF90]  }
0x22: {  	v5 =	vbroadcast v1, $0x0  }
0x23: {  	v6 =	vld [tilespmem:s13+$0xFFFFFFA0]  }
0x24: {  	v2 =	vmul.f32 v2, v5;
	v5 =	vbroadcast v1, $0x1  }
0x25: {  	v7 =	vld [tilespmem:s13+$0xFFFFFFB0]  }
0x26: {  	v2 =	vadd.f32 v2, v3;
	v3 =	vmul.f32 v4, v5;
	v4 =	vbroadcast v1, $0x2  }
0x27: {  	v5 =	vld [tilespmem:s13+$0xFFFFFFC0]  }
0x28: {  	v2 =	vadd.f32 v3, v2;
	v3 =	vmul.f32 v6, v4;
	v4 =	vbroadcast v1, $0x3  }
0x29: {  	v6 =	vld [tilespmem:s13+$0xFFFFFFD0]  }
0x2a: {  	v2 =	vadd.f32 v3, v2;
	v3 =	vmul.f32 v7, v4;
	v4 =	vbroadcast v1, $0x4  }
0x2b: {  	v7 =	vld [tilespmem:s13+$0xFFFFFFE0]  }
0x2c: {  	v2 =	vadd.f32 v3, v2;
	v3 =	vmul.f32 v5, v4;
	v4 =	vbroadcast v1, $0x5  }
0x2d: {  	v5 =	vld [tilespmem:s13+$0xFFFFFFF0]  }
0x2e: {  	v2 =	vadd.f32 v3, v2;
	v3 =	vmul.f32 v6, v4;
	v4 =	vbroadcast v1, $0x6  }
0x2f: {  	v6 =	vld [tilespmem:s13+$0x0]  }
0x30: {  	v2 =	vadd.f32 v3, v2;
	v3 =	vmul.f32 v7, v4;
	v4 =	vbroadcast v1, $0x7  }
0x31: {  	v7 =	vld [tilespmem:s13+$0x10]  }
0x32: {  	v2 =	vadd.f32 v3, v2;
	v3 =	vmul.f32 v5, v4;
	v4 =	vbroadcast v1, $0x8  }
0x33: {  	v5 =	vld [tilespmem:s13+$0x20]  }
0x34: {  	v2 =	vadd.f32 v3, v2;
	v3 =	vmul.f32 v6, v4;
	v4 =	vbroadcast v1, $0x9  }
0x35: {  	v6 =	vld [tilespmem:s13+$0x30]  }
0x36: {  	v2 =	vadd.f32 v3, v2;
	v3 =	vmul.f32 v7, v4;
	v4 =	vbroadcast v1, $0xA  }
0x37: {  	v7 =	vld [tilespmem:s13+$0x40]  }
0x38: {  	v2 =	vadd.f32 v3, v2;
	v3 =	vmul.f32 v5, v4;
	v5 =	vbroadcast v1, $0xB  }
0x39: {  	v4 =	vld [tilespmem:s13+$0x50]  }
0x3a: {  	v3 =	vadd.f32 v3, v2;
	v5 =	vmul.f32 v6, v5;
	v6 =	vbroadcast v1, $0xC  }
0x3b: {  	v2 =	vld [tilespmem:s13+$0x60]  }
0x3c: {  	s15 =	simm.s32 $0x10;
	s14 =	simm.s32 $0x80;
	v5 =	vadd.f32 v5, v3;
	v6 =	vmul.f32 v7, v6;
	v7 =	vbroadcast v1, $0xD;
	v3 =	vld [tilespmem:s13+$0x70]  }
.LBB2_2:
0x3d: {  	p0 =	sne.s32 s14, $0xFC0;
	v8 =	vld [tilespmem:s15+$0x0]  }
0x3e: {  	s13 =	sadd.s32 $0x100, s13;
	v5 =	vadd.f32 v6, v5;
	v4 =	vmul.f32 v4, v7;
	v6 =	vbroadcast v1, $0xE  }
0x3f: {  	v7 =	vld [tilespmem:s13+$0xFFFFFF80]  }
0x40: {  	v9 =	vbroadcast v1, $0xF;
	v4 =	vadd.f32 v4, v5;
	v2 =	vmul.f32 v2, v6  }
0x41: {  	v5 =	vld [tilespmem:s13+$0xFFFFFF90]  }
0x42: {  	v3 =	vmul.f32 v3, v9;
	v6 =	vbroadcast v8, $0x0;
	v2 =	vadd.f32 v2, v4;
	v1 =	vmovc v8  }
0x43: {  	v4 =	vld [tilespmem:s13+$0xFFFFFFA0]  }
0x44: {  	v6 =	vmul.f32 v7, v6;
	v7 =	vbroadcast v1, $0x1;
	v2 =	vadd.f32 v3, v2  }
0x45: {  	v3 =	vld [tilespmem:s13+$0xFFFFFFB0]  }
0x46: {  	v2 =	vadd.f32 v6, v2;
	v5 =	vmul.f32 v5, v7;
	v6 =	vbroadcast v1, $0x2  }
0x47: {  	v7 =	vld [tilespmem:s13+$0xFFFFFFC0]  }
0x48: {  	v2 =	vadd.f32 v5, v2;
	v4 =	vmul.f32 v4, v6;
	v5 =	vbroadcast v1, $0x3  }
0x49: {  	v6 =	vld [tilespmem:s13+$0xFFFFFFD0]  }
0x4a: {  	v2 =	vadd.f32 v4, v2;
	v3 =	vmul.f32 v3, v5;
	v4 =	vbroadcast v1, $0x4  }
0x4b: {  	v5 =	vld [tilespmem:s13+$0xFFFFFFE0]  }
0x4c: {  	v2 =	vadd.f32 v3, v2;
	v3 =	vmul.f32 v7, v4;
	v4 =	vbroadcast v1, $0x5  }
0x4d: {  	v7 =	vld [tilespmem:s13+$0xFFFFFFF0]  }
0x4e: {  	v2 =	vadd.f32 v3, v2;
	v3 =	vmul.f32 v6, v4;
	v4 =	vbroadcast v1, $0x6  }
0x4f: {  	v6 =	vld [tilespmem:s13+$0x0]  }
0x50: {  	v2 =	vadd.f32 v3, v2;
	v3 =	vmul.f32 v5, v4;
	v4 =	vbroadcast v1, $0x7  }
0x51: {  	v5 =	vld [tilespmem:s13+$0x10]  }
0x52: {  	v2 =	vadd.f32 v3, v2;
	v3 =	vmul.f32 v7, v4;
	v4 =	vbroadcast v1, $0x8  }
0x53: {  	v7 =	vld [tilespmem:s13+$0x20]  }
0x54: {  	v2 =	vadd.f32 v3, v2;
	v3 =	vmul.f32 v6, v4;
	v4 =	vbroadcast v1, $0x9  }
0x55: {  	v6 =	vld [tilespmem:s13+$0x30]  }
0x56: {  	v2 =	vadd.f32 v3, v2;
	v3 =	vmul.f32 v5, v4;
	v4 =	vbroadcast v1, $0xA  }
0x57: {  	v8 =	vld [tilespmem:s13+$0x40]  }
.Ltmp0:
0x58: {  	v5 =	vbroadcast v1, $0xB;
	v2 =	vadd.f32 v3, v2;
	v3 =	vmul.f32 v7, v4;
	(pc) =	sbr.rel @p0 .LBB2_2-.Ltmp0, $4  }
0x59: {  	v4 =	vld [tilespmem:s13+$0x50]  }
0x5a: {  	v3 =	vadd.f32 v3, v2;
	v5 =	vmul.f32 v6, v5;
	v6 =	vbroadcast v1, $0xC  }
0x5b: {  	v2 =	vld [tilespmem:s13+$0x60]  }
0x5c: {  	s15 =	sshra.s32 s14, $0x2;
	s14 =	sadd.s32 $0x40, s14;
	v7 =	vbroadcast v1, $0xD;
	v5 =	vadd.f32 v5, v3;
	v6 =	vmul.f32 v8, v6;
	v3 =	vld [tilespmem:s13+$0x70]  }
0x5d: {  	v8 =	vld [tilespmem:s15+$0x0]  }
0x5e: {  	s13 =	sadd.s32 $0x100, s13;
	v5 =	vadd.f32 v6, v5;
	v4 =	vmul.f32 v4, v7;
	v6 =	vbroadcast v1, $0xE  }
0x5f: {  	v7 =	vld [tilespmem:s13+$0xFFFFFF80]  }
0x60: {  	v1 =	vbroadcast v1, $0xF;
	v4 =	vadd.f32 v4, v5;
	v2 =	vmul.f32 v2, v6  }
0x61: {  	v5 =	vld [tilespmem:s13+$0xFFFFFF90]  }
0x62: {  	v1 =	vmul.f32 v3, v1;
	v6 =	vbroadcast v8, $0x0;
	v2 =	vadd.f32 v2, v4  }
0x63: {  	v3 =	vld [tilespmem:s13+$0xFFFFFFA0]  }
0x64: {  	v4 =	vmul.f32 v7, v6;
	v6 =	vbroadcast v8, $0x1;
	v1 =	vadd.f32 v1, v2  }
0x65: {  	v2 =	vld [tilespmem:s13+$0xFFFFFFB0]  }
0x66: {  	v1 =	vadd.f32 v4, v1;
	v4 =	vmul.f32 v5, v6;
	v5 =	vbroadcast v8, $0x2  }
0x67: {  	v6 =	vld [tilespmem:s13+$0xFFFFFFC0]  }
0x68: {  	v1 =	vadd.f32 v4, v1;
	v3 =	vmul.f32 v3, v5;
	v4 =	vbroadcast v8, $0x3  }
0x69: {  	v5 =	vld [tilespmem:s13+$0xFFFFFFD0]  }
0x6a: {  	v1 =	vadd.f32 v3, v1;
	v2 =	vmul.f32 v2, v4;
	v3 =	vbroadcast v8, $0x4  }
0x6b: {  	v4 =	vld [tilespmem:s13+$0xFFFFFFE0]  }
0x6c: {  	v1 =	vadd.f32 v2, v1;
	v2 =	vmul.f32 v6, v3;
	v3 =	vbroadcast v8, $0x5  }
0x6d: {  	v6 =	vld [tilespmem:s13+$0xFFFFFFF0]  }
0x6e: {  	v1 =	vadd.f32 v2, v1;
	v2 =	vmul.f32 v5, v3;
	v3 =	vbroadcast v8, $0x6  }
0x6f: {  	v5 =	vld [tilespmem:s13+$0x0]  }
0x70: {  	v1 =	vadd.f32 v2, v1;
	v2 =	vmul.f32 v4, v3;
	v3 =	vbroadcast v8, $0x7  }
0x71: {  	v4 =	vld [tilespmem:s13+$0x10]  }
0x72: {  	v1 =	vadd.f32 v2, v1;
	v2 =	vmul.f32 v6, v3;
	v3 =	vbroadcast v8, $0x8  }
0x73: {  	v6 =	vld [tilespmem:s13+$0x20]  }
0x74: {  	v1 =	vadd.f32 v2, v1;
	v2 =	vmul.f32 v5, v3;
	v3 =	vbroadcast v8, $0x9  }
0x75: {  	v5 =	vld [tilespmem:s13+$0x30]  }
0x76: {  	v1 =	vadd.f32 v2, v1;
	v2 =	vmul.f32 v4, v3;
	v3 =	vbroadcast v8, $0xA  }
0x77: {  	v4 =	vld [tilespmem:s13+$0x40]  }
0x78: {  	v1 =	vadd.f32 v2, v1;
	v2 =	vmul.f32 v6, v3;
	v3 =	vbroadcast v8, $0xB  }
0x79: {  	v6 =	vld [tilespmem:s13+$0x50]  }
0x7a: {  	v1 =	vadd.f32 v2, v1;
	v2 =	vmul.f32 v5, v3;
	v3 =	vbroadcast v8, $0xC  }
0x7b: {  	v5 =	vld [tilespmem:s13+$0x60]  }
0x7c: {  	v1 =	vadd.f32 v2, v1;
	v2 =	vmul.f32 v4, v3;
	v3 =	vbroadcast v8, $0xD  }
0x7d: {  	v4 =	vld [tilespmem:s13+$0x70]  }
0x7e: {  	v1 =	vadd.f32 v2, v1;
	v2 =	vmul.f32 v6, v3;
	v3 =	vbroadcast v8, $0xE;
	_ =	sdelay $0x1  }
0x7f: {  	v1 =	vadd.f32 v2, v1;
	v2 =	vmul.f32 v5, v3;
	v3 =	vbroadcast v8, $0xF;
	_ =	sdelay $0x1  }
0x80: {  	v1 =	vadd.f32 v2, v1;
	v2 =	vmul.f32 v4, v3;
	_ =	sdelay $0x1  }
0x81: {  	v1 =	vadd.f32 v2, v1;
	_ =	sdelay $0x1  }
0x82: {  	[tilespmem:$0x5100] =	vst v1  }
0x83: {  	[tilespmem:$0x5110] =	vst v1  }
0x84: {  	v2 =	vld [tilespmem:$0x5101];
	_ =	sdelay $0x4  }
0x85: {  	v2 =	vmax.f32 v1, v2  }
0x86: {  	[tilespmem:$0x5100] =	vst v2  }
0x87: {  	[tilespmem:$0x5110] =	vst v2  }
0x88: {  	v3 =	vld [tilespmem:$0x5102];
	_ =	sdelay $0x4  }
0x89: {  	v2 =	vmax.f32 v2, v3  }
0x8a: {  	[tilespmem:$0x5100] =	vst v2  }
0x8b: {  	[tilespmem:$0x5110] =	vst v2  }
0x8c: {  	v3 =	vld [tilespmem:$0x5104];
	_ =	sdelay $0x4  }
0x8d: {  	v2 =	vmax.f32 v2, v3  }
0x8e: {  	[tilespmem:$0x5100] =	vst v2  }
0x8f: {  	[tilespmem:$0x5110] =	vst v2  }
0x90: {  	v3 =	vld [tilespmem:$0x5108];
	_ =	sdelay $0x4  }
0x91: {  	v2 =	vmax.f32 v2, v3  }
0x92: {  	vm0 =	veq.f32 v1, v2  }
0x93: {  	v3 =	vnsel vm0, $0x42C60000, v0  }
0x94: {  	[tilespmem:$0x5100] =	vst v3  }
0x95: {  	[tilespmem:$0x5110] =	vst v3  }
0x96: {  	v4 =	vld [tilespmem:$0x5101];
	_ =	sdelay $0x4  }
0x97: {  	v3 =	vmin.f32 v3, v4  }
0x98: {  	[tilespmem:$0x5100] =	vst v3  }
0x99: {  	[tilespmem:$0x5110] =	vst v3  }
0x9a: {  	v4 =	vld [tilespmem:$0x5102];
	_ =	sdelay $0x4  }
0x9b: {  	v3 =	vmin.f32 v3, v4  }
0x9c: {  	[tilespmem:$0x5100] =	vst v3  }
0x9d: {  	[tilespmem:$0x5110] =	vst v3  }
0x9e: {  	v4 =	vld [tilespmem:$0x5104];
	_ =	sdelay $0x4  }
0x9f: {  	v3 =	vmin.f32 v3, v4  }
0xa0: {  	[tilespmem:$0x5100] =	vst v3  }
0xa1: {  	[tilespmem:$0x5110] =	vst v3  }
0xa2: {  	v4 =	vld [tilespmem:$0x5108];
	_ =	sdelay $0x4  }
0xa3: {  	v3 =	vmin.f32 v3, v4  }
0xa4: {  	vm14 =	veq.f32 v3, v0  }
0xa5: {  	v1 =	vsel vm14, $0xF149F2CA, v1  }
0xa6: {  	[tilespmem:$0x5100] =	vst v1  }
0xa7: {  	[tilespmem:$0x5110] =	vst v1  }
0xa8: {  	v3 =	vld [tilespmem:$0x5101];
	_ =	sdelay $0x4  }
0xa9: {  	v3 =	vmax.f32 v1, v3  }
0xaa: {  	[tilespmem:$0x5100] =	vst v3  }
0xab: {  	[tilespmem:$0x5110] =	vst v3  }
0xac: {  	v4 =	vld [tilespmem:$0x5102];
	_ =	sdelay $0x4  }
0xad: {  	v3 =	vmax.f32 v3, v4  }
0xae: {  	[tilespmem:$0x5100] =	vst v3  }
0xaf: {  	[tilespmem:$0x5110] =	vst v3  }
0xb0: {  	v4 =	vld [tilespmem:$0x5104];
	_ =	sdelay $0x4  }
0xb1: {  	v3 =	vmax.f32 v3, v4  }
0xb2: {  	[tilespmem:$0x5100] =	vst v3  }
0xb3: {  	[tilespmem:$0x5110] =	vst v3  }
0xb4: {  	v4 =	vld [tilespmem:$0x5108];
	_ =	sdelay $0x4  }
0xb5: {  	v3 =	vmax.f32 v3, v4  }
0xb6: {  	vm1 =	veq.f32 v1, v3  }
0xb7: {  	v1 =	vnsel vm1, $0x42C60000, v0  }
0xb8: {  	[tilespmem:$0x5100] =	vst v1  }
0xb9: {  	[tilespmem:$0x5110] =	vst v1  }
0xba: {  	v4 =	vld [tilespmem:$0x5101];
	_ =	sdelay $0x2  }
0xbb: {  	v2 =	vsub.f32 v3, v2;
	_ =	sdelay $0x1  }
0xbc: {  	v2 =	vmul.f32 $1.442695020e+00, v2;
	v1 =	vmin.f32 v1, v4  }
0xbd: {  	[tilespmem:$0x5100] =	vst v1  }
0xbe: {  	(erf) = vpow2.f32 v2;
	[tilespmem:$0x5110] =	vst v1  }
0xbf: {  	v2 =	vld [tilespmem:$0x5102];
	_ =	sdelay $0x4  }
0xc0: {  	v1 =	vmin.f32 v1, v2  }
0xc1: {  	[tilespmem:$0x5100] =	vst v1  }
0xc2: {  	[tilespmem:$0x5110] =	vst v1  }
0xc3: {  	v3 =	vpop (erf);
	v2 =	vld [tilespmem:$0x5104]  }
0xc4: {  	v4 =	vadd.f32 $1.000000000e+00, v3;
	_ =	sdelay $0x1  }
0xc5: {  	(erf) = vrcp.f32 v4;
	_ =	sdelay $0x1  }
0xc6: {  	v1 =	vmin.f32 v1, v2  }
0xc7: {  	[tilespmem:$0x5100] =	vst v1  }
0xc8: {  	[tilespmem:$0x5110] =	vst v1  }
0xc9: {  	v2 =	vld [tilespmem:$0x5108];
	_ =	sdelay $0x3  }
0xca: {  	v4 =	vpop (erf)  }
0xcb: {  	v1 =	vmin.f32 v1, v2;
	v2 =	vmul.f32 v4, v3  }
0xcc: {  	vm15 =	veq.f32 v1, v0  }
0xcd: {  	v1 =	vnsel vm14, $0x0, v4;
	v2 =	vnsel vm15, $0x0, v2  }
0xce: {  	v1 =	vadd.f32 v2, v1  }
0xcf: {  	s31 =	simm.s32 $0x0  }
0xd0: {  	s13 =	sand.u32 $0x3F0, s31;
	[tilespmem:$0x5080] =	vst v1  }
0xd1: {  	v1 =	vld [tilespmem:s13+$0x400]  }
0xd2: {  	s13 =	simm.s32 $0x1080  }
0xd3: {  	v2 =	vld [tilespmem:s13+$0xFFFFFF80]  }
0xd4: {  	v3 =	vld [tilespmem:$0x5000]  }
0xd5: {  	v4 =	vld [tilespmem:s13+$0xFFFFFF90]  }
0xd6: {  	v5 =	vbroadcast v1, $0x0  }
0xd7: {  	v6 =	vld [tilespmem:s13+$0xFFFFFFA0]  }
0xd8: {  	v2 =	vmul.f32 v2, v5;
	v5 =	vbroadcast v1, $0x1  }
0xd9: {  	v7 =	vld [tilespmem:s13+$0xFFFFFFB0]  }
0xda: {  	v2 =	vadd.f32 v2, v3;
	v3 =	vmul.f32 v4, v5;
	v4 =	vbroadcast v1, $0x2  }
0xdb: {  	v5 =	vld [tilespmem:s13+$0xFFFFFFC0]  }
0xdc: {  	v2 =	vadd.f32 v3, v2;
	v3 =	vmul.f32 v6, v4;
	v4 =	vbroadcast v1, $0x3  }
0xdd: {  	v6 =	vld [tilespmem:s13+$0xFFFFFFD0]  }
0xde: {  	v2 =	vadd.f32 v3, v2;
	v3 =	vmul.f32 v7, v4;
	v4 =	vbroadcast v1, $0x4  }
0xdf: {  	v7 =	vld [tilespmem:s13+$0xFFFFFFE0]  }
0xe0: {  	v2 =	vadd.f32 v3, v2;
	v3 =	vmul.f32 v5, v4;
	v4 =	vbroadcast v1, $0x5  }
0xe1: {  	v5 =	vld [tilespmem:s13+$0xFFFFFFF0]  }
0xe2: {  	v2 =	vadd.f32 v3, v2;
	v3 =	vmul.f32 v6, v4;
	v4 =	vbroadcast v1, $0x6  }
0xe3: {  	v6 =	vld [tilespmem:s13+$0x0]  }
0xe4: {  	v2 =	vadd.f32 v3, v2;
	v3 =	vmul.f32 v7, v4;
	v4 =	vbroadcast v1, $0x7  }
0xe5: {  	v7 =	vld [tilespmem:s13+$0x10]  }
0xe6: {  	v2 =	vadd.f32 v3, v2;
	v3 =	vmul.f32 v5, v4;
	v4 =	vbroadcast v1, $0x8  }
0xe7: {  	v5 =	vld [tilespmem:s13+$0x20]  }
0xe8: {  	v2 =	vadd.f32 v3, v2;
	v3 =	vmul.f32 v6, v4;
	v4 =	vbroadcast v1, $0x9  }
0xe9: {  	v6 =	vld [tilespmem:s13+$0x30]  }
0xea: {  	v2 =	vadd.f32 v3, v2;
	v3 =	vmul.f32 v7, v4;
	v4 =	vbroadcast v1, $0xA  }
0xeb: {  	v7 =	vld [tilespmem:s13+$0x40]  }
0xec: {  	v2 =	vadd.f32 v3, v2;
	v4 =	vmul.f32 v5, v4;
	v5 =	vbroadcast v1, $0xB  }
0xed: {  	v3 =	vld [tilespmem:s13+$0x50]  }
0xee: {  	v4 =	vadd.f32 v4, v2;
	v5 =	vmul.f32 v6, v5;
	v6 =	vbroadcast v1, $0xC  }
0xef: {  	s14 =	simm.s32 $0x10;
	v2 =	vld [tilespmem:s13+$0x60]  }
0xf0: {  	s15 =	sand.u32 $0x3F0, s14;
	s14 =	simm.s32 $0x20;
	v5 =	vadd.f32 v5, v4;
	v6 =	vmul.f32 v7, v6;
	v7 =	vbroadcast v1, $0xD;
	v4 =	vld [tilespmem:s13+$0x70]  }
.LBB2_4:
0xf1: {  	p0 =	sne.s32 s14, $0x3F0;
	v8 =	vld [tilespmem:s15+$0x400]  }
0xf2: {  	s13 =	sadd.s32 $0x100, s13;
	v5 =	vadd.f32 v6, v5;
	v3 =	vmul.f32 v3, v7;
	v6 =	vbroadcast v1, $0xE  }
0xf3: {  	v7 =	vld [tilespmem:s13+$0xFFFFFF80]  }
0xf4: {  	v9 =	vbroadcast v1, $0xF;
	v3 =	vadd.f32 v3, v5;
	v2 =	vmul.f32 v2, v6  }
0xf5: {  	v5 =	vld [tilespmem:s13+$0xFFFFFF90]  }
0xf6: {  	v6 =	vbroadcast v8, $0x0;
	v2 =	vadd.f32 v2, v3;
	v3 =	vmul.f32 v4, v9;
	v1 =	vmovc v8  }
0xf7: {  	v4 =	vld [tilespmem:s13+$0xFFFFFFA0]  }
0xf8: {  	v6 =	vmul.f32 v7, v6;
	v7 =	vbroadcast v1, $0x1;
	v2 =	vadd.f32 v3, v2  }
0xf9: {  	v3 =	vld [tilespmem:s13+$0xFFFFFFB0]  }
0xfa: {  	v2 =	vadd.f32 v6, v2;
	v5 =	vmul.f32 v5, v7;
	v6 =	vbroadcast v1, $0x2  }
0xfb: {  	v7 =	vld [tilespmem:s13+$0xFFFFFFC0]  }
0xfc: {  	v2 =	vadd.f32 v5, v2;
	v4 =	vmul.f32 v4, v6;
	v5 =	vbroadcast v1, $0x3  }
0xfd: {  	v6 =	vld [tilespmem:s13+$0xFFFFFFD0]  }
0xfe: {  	v2 =	vadd.f32 v4, v2;
	v3 =	vmul.f32 v3, v5;
	v4 =	vbroadcast v1, $0x4  }
0xff: {  	v5 =	vld [tilespmem:s13+$0xFFFFFFE0]  }
0x100: {  	v2 =	vadd.f32 v3, v2;
	v3 =	vmul.f32 v7, v4;
	v4 =	vbroadcast v1, $0x5  }
0x101: {  	v7 =	vld [tilespmem:s13+$0xFFFFFFF0]  }
0x102: {  	v2 =	vadd.f32 v3, v2;
	v3 =	vmul.f32 v6, v4;
	v4 =	vbroadcast v1, $0x6  }
0x103: {  	v6 =	vld [tilespmem:s13+$0x0]  }
0x104: {  	v2 =	vadd.f32 v3, v2;
	v3 =	vmul.f32 v5, v4;
	v4 =	vbroadcast v1, $0x7  }
0x105: {  	v5 =	vld [tilespmem:s13+$0x10]  }
0x106: {  	v2 =	vadd.f32 v3, v2;
	v3 =	vmul.f32 v7, v4;
	v4 =	vbroadcast v1, $0x8  }
0x107: {  	v7 =	vld [tilespmem:s13+$0x20]  }
0x108: {  	v2 =	vadd.f32 v3, v2;
	v3 =	vmul.f32 v6, v4;
	v4 =	vbroadcast v1, $0x9  }
0x109: {  	v6 =	vld [tilespmem:s13+$0x30]  }
0x10a: {  	v2 =	vadd.f32 v3, v2;
	v3 =	vmul.f32 v5, v4;
	v4 =	vbroadcast v1, $0xA  }
0x10b: {  	v8 =	vld [tilespmem:s13+$0x40]  }
.Ltmp1:
0x10c: {  	v5 =	vbroadcast v1, $0xB;
	v2 =	vadd.f32 v3, v2;
	v4 =	vmul.f32 v7, v4;
	(pc) =	sbr.rel @p0 .LBB2_4-.Ltmp1, $4  }
0x10d: {  	v3 =	vld [tilespmem:s13+$0x50]  }
0x10e: {  	v4 =	vadd.f32 v4, v2;
	v5 =	vmul.f32 v6, v5;
	v6 =	vbroadcast v1, $0xC  }
0x10f: {  	v2 =	vld [tilespmem:s13+$0x60]  }
0x110: {  	s15 =	sand.u32 $0x3F0, s14;
	s14 =	sadd.s32 $0x10, s14;
	v7 =	vbroadcast v1, $0xD;
	v5 =	vadd.f32 v5, v4;
	v6 =	vmul.f32 v8, v6;
	v4 =	vld [tilespmem:s13+$0x70]  }
0x111: {  	v8 =	vld [tilespmem:s15+$0x400]  }
0x112: {  	s13 =	sadd.s32 $0x100, s13;
	v5 =	vadd.f32 v6, v5;
	v3 =	vmul.f32 v3, v7;
	v6 =	vbroadcast v1, $0xE  }
0x113: {  	v7 =	vld [tilespmem:s13+$0xFFFFFF80]  }
0x114: {  	v1 =	vbroadcast v1, $0xF;
	v3 =	vadd.f32 v3, v5;
	v2 =	vmul.f32 v2, v6  }
0x115: {  	v5 =	vld [tilespmem:s13+$0xFFFFFF90]  }
0x116: {  	v1 =	vmul.f32 v4, v1;
	v6 =	vbroadcast v8, $0x0;
	v2 =	vadd.f32 v2, v3  }
0x117: {  	v3 =	vld [tilespmem:s13+$0xFFFFFFA0]  }
0x118: {  	v4 =	vmul.f32 v7, v6;
	v6 =	vbroadcast v8, $0x1;
	v1 =	vadd.f32 v1, v2  }
0x119: {  	v2 =	vld [tilespmem:s13+$0xFFFFFFB0]  }
0x11a: {  	v1 =	vadd.f32 v4, v1;
	v4 =	vmul.f32 v5, v6;
	v5 =	vbroadcast v8, $0x2  }
0x11b: {  	v6 =	vld [tilespmem:s13+$0xFFFFFFC0]  }
0x11c: {  	v1 =	vadd.f32 v4, v1;
	v3 =	vmul.f32 v3, v5;
	v4 =	vbroadcast v8, $0x3  }
0x11d: {  	v5 =	vld [tilespmem:s13+$0xFFFFFFD0]  }
0x11e: {  	v1 =	vadd.f32 v3, v1;
	v2 =	vmul.f32 v2, v4;
	v3 =	vbroadcast v8, $0x4  }
0x11f: {  	v4 =	vld [tilespmem:s13+$0xFFFFFFE0]  }
0x120: {  	v1 =	vadd.f32 v2, v1;
	v2 =	vmul.f32 v6, v3;
	v3 =	vbroadcast v8, $0x5  }
0x121: {  	v6 =	vld [tilespmem:s13+$0xFFFFFFF0]  }
0x122: {  	v1 =	vadd.f32 v2, v1;
	v2 =	vmul.f32 v5, v3;
	v3 =	vbroadcast v8, $0x6  }
0x123: {  	v5 =	vld [tilespmem:s13+$0x0]  }
0x124: {  	v1 =	vadd.f32 v2, v1;
	v2 =	vmul.f32 v4, v3;
	v3 =	vbroadcast v8, $0x7  }
0x125: {  	v4 =	vld [tilespmem:s13+$0x10]  }
0x126: {  	v1 =	vadd.f32 v2, v1;
	v2 =	vmul.f32 v6, v3;
	v3 =	vbroadcast v8, $0x8  }
0x127: {  	v6 =	vld [tilespmem:s13+$0x20]  }
0x128: {  	v1 =	vadd.f32 v2, v1;
	v2 =	vmul.f32 v5, v3;
	v3 =	vbroadcast v8, $0x9  }
0x129: {  	v5 =	vld [tilespmem:s13+$0x30]  }
0x12a: {  	v1 =	vadd.f32 v2, v1;
	v2 =	vmul.f32 v4, v3;
	v3 =	vbroadcast v8, $0xA  }
0x12b: {  	v4 =	vld [tilespmem:s13+$0x40]  }
0x12c: {  	v1 =	vadd.f32 v2, v1;
	v2 =	vmul.f32 v6, v3;
	v3 =	vbroadcast v8, $0xB  }
0x12d: {  	v6 =	vld [tilespmem:s13+$0x50]  }
0x12e: {  	v1 =	vadd.f32 v2, v1;
	v2 =	vmul.f32 v5, v3;
	v3 =	vbroadcast v8, $0xC  }
0x12f: {  	v5 =	vld [tilespmem:s13+$0x60]  }
0x130: {  	v1 =	vadd.f32 v2, v1;
	v2 =	vmul.f32 v4, v3;
	v3 =	vbroadcast v8, $0xD  }
0x131: {  	v4 =	vld [tilespmem:s13+$0x70]  }
0x132: {  	v1 =	vadd.f32 v2, v1;
	v2 =	vmul.f32 v6, v3;
	v3 =	vbroadcast v8, $0xE;
	_ =	sdelay $0x1  }
0x133: {  	v1 =	vadd.f32 v2, v1;
	v2 =	vmul.f32 v5, v3;
	v3 =	vbroadcast v8, $0xF;
	_ =	sdelay $0x1  }
0x134: {  	v1 =	vadd.f32 v2, v1;
	v2 =	vmul.f32 v4, v3;
	_ =	sdelay $0x1  }
0x135: {  	v1 =	vadd.f32 v2, v1;
	_ =	sdelay $0x1  }
0x136: {  	[tilespmem:$0x5100] =	vst v1  }
0x137: {  	[tilespmem:$0x5110] =	vst v1  }
0x138: {  	v2 =	vld [tilespmem:$0x5101];
	_ =	sdelay $0x4  }
0x139: {  	v2 =	vmax.f32 v1, v2  }
0x13a: {  	[tilespmem:$0x5100] =	vst v2  }
0x13b: {  	[tilespmem:$0x5110] =	vst v2  }
0x13c: {  	v3 =	vld [tilespmem:$0x5102];
	_ =	sdelay $0x4  }
0x13d: {  	v2 =	vmax.f32 v2, v3  }
0x13e: {  	[tilespmem:$0x5100] =	vst v2  }
0x13f: {  	[tilespmem:$0x5110] =	vst v2  }
0x140: {  	v3 =	vld [tilespmem:$0x5104];
	_ =	sdelay $0x4  }
0x141: {  	v2 =	vmax.f32 v2, v3  }
0x142: {  	[tilespmem:$0x5100] =	vst v2  }
0x143: {  	[tilespmem:$0x5110] =	vst v2  }
0x144: {  	v3 =	vld [tilespmem:$0x5108];
	_ =	sdelay $0x4  }
0x145: {  	v2 =	vmax.f32 v2, v3  }
0x146: {  	vm0 =	veq.f32 v1, v2  }
0x147: {  	v3 =	vnsel vm0, $0x42C60000, v0  }
0x148: {  	[tilespmem:$0x5100] =	vst v3  }
0x149: {  	[tilespmem:$0x5110] =	vst v3  }
0x14a: {  	v4 =	vld [tilespmem:$0x5101];
	_ =	sdelay $0x4  }
0x14b: {  	v3 =	vmin.f32 v3, v4  }
0x14c: {  	[tilespmem:$0x5100] =	vst v3  }
0x14d: {  	[tilespmem:$0x5110] =	vst v3  }
0x14e: {  	v4 =	vld [tilespmem:$0x5102];
	_ =	sdelay $0x4  }
0x14f: {  	v3 =	vmin.f32 v3, v4  }
0x150: {  	[tilespmem:$0x5100] =	vst v3  }
0x151: {  	[tilespmem:$0x5110] =	vst v3  }
0x152: {  	v4 =	vld [tilespmem:$0x5104];
	_ =	sdelay $0x4  }
0x153: {  	v3 =	vmin.f32 v3, v4  }
0x154: {  	[tilespmem:$0x5100] =	vst v3  }
0x155: {  	[tilespmem:$0x5110] =	vst v3  }
0x156: {  	v4 =	vld [tilespmem:$0x5108];
	_ =	sdelay $0x4  }
0x157: {  	v3 =	vmin.f32 v3, v4  }
0x158: {  	vm14 =	veq.f32 v3, v0  }
0x159: {  	v1 =	vsel vm14, $0xF149F2CA, v1  }
0x15a: {  	[tilespmem:$0x5100] =	vst v1  }
0x15b: {  	[tilespmem:$0x5110] =	vst v1  }
0x15c: {  	v3 =	vld [tilespmem:$0x5101];
	_ =	sdelay $0x4  }
0x15d: {  	v3 =	vmax.f32 v1, v3  }
0x15e: {  	[tilespmem:$0x5100] =	vst v3  }
0x15f: {  	[tilespmem:$0x5110] =	vst v3  }
0x160: {  	v4 =	vld [tilespmem:$0x5102];
	_ =	sdelay $0x4  }
0x161: {  	v3 =	vmax.f32 v3, v4  }
0x162: {  	[tilespmem:$0x5100] =	vst v3  }
0x163: {  	[tilespmem:$0x5110] =	vst v3  }
0x164: {  	v4 =	vld [tilespmem:$0x5104];
	_ =	sdelay $0x4  }
0x165: {  	v3 =	vmax.f32 v3, v4  }
0x166: {  	[tilespmem:$0x5100] =	vst v3  }
0x167: {  	[tilespmem:$0x5110] =	vst v3  }
0x168: {  	v4 =	vld [tilespmem:$0x5108];
	_ =	sdelay $0x4  }
0x169: {  	v3 =	vmax.f32 v3, v4  }
0x16a: {  	vm1 =	veq.f32 v1, v3  }
0x16b: {  	v1 =	vnsel vm1, $0x42C60000, v0  }
0x16c: {  	[tilespmem:$0x5100] =	vst v1  }
0x16d: {  	[tilespmem:$0x5110] =	vst v1  }
0x16e: {  	v4 =	vld [tilespmem:$0x5101];
	_ =	sdelay $0x2  }
0x16f: {  	v2 =	vsub.f32 v3, v2;
	_ =	sdelay $0x1  }
0x170: {  	v2 =	vmul.f32 $1.442695020e+00, v2;
	v1 =	vmin.f32 v1, v4  }
0x171: {  	[tilespmem:$0x5100] =	vst v1  }
0x172: {  	(erf) = vpow2.f32 v2;
	[tilespmem:$0x5110] =	vst v1  }
0x173: {  	v2 =	vld [tilespmem:$0x5102];
	_ =	sdelay $0x4  }
0x174: {  	v1 =	vmin.f32 v1, v2  }
0x175: {  	[tilespmem:$0x5100] =	vst v1  }
0x176: {  	[tilespmem:$0x5110] =	vst v1  }
0x177: {  	v3 =	vpop (erf);
	v2 =	vld [tilespmem:$0x5104]  }
0x178: {  	v4 =	vadd.f32 $1.000000000e+00, v3;
	_ =	sdelay $0x1  }
0x179: {  	(erf) = vrcp.f32 v4;
	_ =	sdelay $0x1  }
0x17a: {  	v1 =	vmin.f32 v1, v2  }
0x17b: {  	[tilespmem:$0x5100] =	vst v1  }
0x17c: {  	[tilespmem:$0x5110] =	vst v1  }
0x17d: {  	v2 =	vld [tilespmem:$0x5108];
	_ =	sdelay $0x3  }
0x17e: {  	v4 =	vpop (erf)  }
0x17f: {  	v1 =	vmin.f32 v1, v2;
	v2 =	vmul.f32 v4, v3  }
0x180: {  	vm15 =	veq.f32 v1, v0  }
0x181: {  	v1 =	vnsel vm14, $0x0, v4;
	v2 =	vnsel vm15, $0x0, v2  }
0x182: {  	v1 =	vadd.f32 v2, v1  }
0x183: {  	s31 =	simm.s32 $0x0  }
0x184: {  	s13 =	sand.u32 $0x3F0, s31;
	[tilespmem:$0x5090] =	vst v1  }
0x185: {  	v1 =	vld [tilespmem:s13+$0x800]  }
0x186: {  	s13 =	simm.s32 $0x1080  }
0x187: {  	v2 =	vld [tilespmem:s13+$0xFFFFFF80]  }
0x188: {  	v3 =	vld [tilespmem:$0x5000]  }
0x189: {  	v4 =	vld [tilespmem:s13+$0xFFFFFF90]  }
0x18a: {  	v5 =	vbroadcast v1, $0x0  }
0x18b: {  	v6 =	vld [tilespmem:s13+$0xFFFFFFA0]  }
0x18c: {  	v2 =	vmul.f32 v2, v5;
	v5 =	vbroadcast v1, $0x1  }
0x18d: {  	v7 =	vld [tilespmem:s13+$0xFFFFFFB0]  }
0x18e: {  	v2 =	vadd.f32 v2, v3;
	v3 =	vmul.f32 v4, v5;
	v4 =	vbroadcast v1, $0x2  }
0x18f: {  	v5 =	vld [tilespmem:s13+$0xFFFFFFC0]  }
0x190: {  	v2 =	vadd.f32 v3, v2;
	v3 =	vmul.f32 v6, v4;
	v4 =	vbroadcast v1, $0x3  }
0x191: {  	v6 =	vld [tilespmem:s13+$0xFFFFFFD0]  }
0x192: {  	v2 =	vadd.f32 v3, v2;
	v3 =	vmul.f32 v7, v4;
	v4 =	vbroadcast v1, $0x4  }
0x193: {  	v7 =	vld [tilespmem:s13+$0xFFFFFFE0]  }
0x194: {  	v2 =	vadd.f32 v3, v2;
	v3 =	vmul.f32 v5, v4;
	v4 =	vbroadcast v1, $0x5  }
0x195: {  	v5 =	vld [tilespmem:s13+$0xFFFFFFF0]  }
0x196: {  	v2 =	vadd.f32 v3, v2;
	v3 =	vmul.f32 v6, v4;
	v4 =	vbroadcast v1, $0x6  }
0x197: {  	v6 =	vld [tilespmem:s13+$0x0]  }
0x198: {  	v2 =	vadd.f32 v3, v2;
	v3 =	vmul.f32 v7, v4;
	v4 =	vbroadcast v1, $0x7  }
0x199: {  	v7 =	vld [tilespmem:s13+$0x10]  }
0x19a: {  	v2 =	vadd.f32 v3, v2;
	v3 =	vmul.f32 v5, v4;
	v4 =	vbroadcast v1, $0x8  }
0x19b: {  	v5 =	vld [tilespmem:s13+$0x20]  }
0x19c: {  	v2 =	vadd.f32 v3, v2;
	v3 =	vmul.f32 v6, v4;
	v4 =	vbroadcast v1, $0x9  }
0x19d: {  	v6 =	vld [tilespmem:s13+$0x30]  }
0x19e: {  	v2 =	vadd.f32 v3, v2;
	v3 =	vmul.f32 v7, v4;
	v4 =	vbroadcast v1, $0xA  }
0x19f: {  	v7 =	vld [tilespmem:s13+$0x40]  }
0x1a0: {  	v2 =	vadd.f32 v3, v2;
	v4 =	vmul.f32 v5, v4;
	v5 =	vbroadcast v1, $0xB  }
0x1a1: {  	v3 =	vld [tilespmem:s13+$0x50]  }
0x1a2: {  	v4 =	vadd.f32 v4, v2;
	v5 =	vmul.f32 v6, v5;
	v6 =	vbroadcast v1, $0xC  }
0x1a3: {  	s14 =	simm.s32 $0x10;
	v2 =	vld [tilespmem:s13+$0x60]  }
0x1a4: {  	s15 =	sand.u32 $0x3F0, s14;
	s14 =	simm.s32 $0x20;
	v5 =	vadd.f32 v5, v4;
	v6 =	vmul.f32 v7, v6;
	v7 =	vbroadcast v1, $0xD;
	v4 =	vld [tilespmem:s13+$0x70]  }
.LBB2_6:
0x1a5: {  	p0 =	sne.s32 s14, $0x3F0;
	v8 =	vld [tilespmem:s15+$0x800]  }
0x1a6: {  	s13 =	sadd.s32 $0x100, s13;
	v5 =	vadd.f32 v6, v5;
	v3 =	vmul.f32 v3, v7;
	v6 =	vbroadcast v1, $0xE  }
0x1a7: {  	v7 =	vld [tilespmem:s13+$0xFFFFFF80]  }
0x1a8: {  	v9 =	vbroadcast v1, $0xF;
	v3 =	vadd.f32 v3, v5;
	v2 =	vmul.f32 v2, v6  }
0x1a9: {  	v5 =	vld [tilespmem:s13+$0xFFFFFF90]  }
0x1aa: {  	v6 =	vbroadcast v8, $0x0;
	v2 =	vadd.f32 v2, v3;
	v3 =	vmul.f32 v4, v9;
	v1 =	vmovc v8  }
0x1ab: {  	v4 =	vld [tilespmem:s13+$0xFFFFFFA0]  }
0x1ac: {  	v6 =	vmul.f32 v7, v6;
	v7 =	vbroadcast v1, $0x1;
	v2 =	vadd.f32 v3, v2  }
0x1ad: {  	v3 =	vld [tilespmem:s13+$0xFFFFFFB0]  }
0x1ae: {  	v2 =	vadd.f32 v6, v2;
	v5 =	vmul.f32 v5, v7;
	v6 =	vbroadcast v1, $0x2  }
0x1af: {  	v7 =	vld [tilespmem:s13+$0xFFFFFFC0]  }
0x1b0: {  	v2 =	vadd.f32 v5, v2;
	v4 =	vmul.f32 v4, v6;
	v5 =	vbroadcast v1, $0x3  }
0x1b1: {  	v6 =	vld [tilespmem:s13+$0xFFFFFFD0]  }
0x1b2: {  	v2 =	vadd.f32 v4, v2;
	v3 =	vmul.f32 v3, v5;
	v4 =	vbroadcast v1, $0x4  }
0x1b3: {  	v5 =	vld [tilespmem:s13+$0xFFFFFFE0]  }
0x1b4: {  	v2 =	vadd.f32 v3, v2;
	v3 =	vmul.f32 v7, v4;
	v4 =	vbroadcast v1, $0x5  }
0x1b5: {  	v7 =	vld [tilespmem:s13+$0xFFFFFFF0]  }
0x1b6: {  	v2 =	vadd.f32 v3, v2;
	v3 =	vmul.f32 v6, v4;
	v4 =	vbroadcast v1, $0x6  }
0x1b7: {  	v6 =	vld [tilespmem:s13+$0x0]  }
0x1b8: {  	v2 =	vadd.f32 v3, v2;
	v3 =	vmul.f32 v5, v4;
	v4 =	vbroadcast v1, $0x7  }
0x1b9: {  	v5 =	vld [tilespmem:s13+$0x10]  }
0x1ba: {  	v2 =	vadd.f32 v3, v2;
	v3 =	vmul.f32 v7, v4;
	v4 =	vbroadcast v1, $0x8  }
0x1bb: {  	v7 =	vld [tilespmem:s13+$0x20]  }
0x1bc: {  	v2 =	vadd.f32 v3, v2;
	v3 =	vmul.f32 v6, v4;
	v4 =	vbroadcast v1, $0x9  }
0x1bd: {  	v6 =	vld [tilespmem:s13+$0x30]  }
0x1be: {  	v2 =	vadd.f32 v3, v2;
	v3 =	vmul.f32 v5, v4;
	v4 =	vbroadcast v1, $0xA  }
0x1bf: {  	v8 =	vld [tilespmem:s13+$0x40]  }
.Ltmp2:
0x1c0: {  	v5 =	vbroadcast v1, $0xB;
	v2 =	vadd.f32 v3, v2;
	v4 =	vmul.f32 v7, v4;
	(pc) =	sbr.rel @p0 .LBB2_6-.Ltmp2, $4  }
0x1c1: {  	v3 =	vld [tilespmem:s13+$0x50]  }
0x1c2: {  	v4 =	vadd.f32 v4, v2;
	v5 =	vmul.f32 v6, v5;
	v6 =	vbroadcast v1, $0xC  }
0x1c3: {  	v2 =	vld [tilespmem:s13+$0x60]  }
0x1c4: {  	s15 =	sand.u32 $0x3F0, s14;
	s14 =	sadd.s32 $0x10, s14;
	v7 =	vbroadcast v1, $0xD;
	v5 =	vadd.f32 v5, v4;
	v6 =	vmul.f32 v8, v6;
	v4 =	vld [tilespmem:s13+$0x70]  }
0x1c5: {  	v8 =	vld [tilespmem:s15+$0x800]  }
0x1c6: {  	s13 =	sadd.s32 $0x100, s13;
	v5 =	vadd.f32 v6, v5;
	v3 =	vmul.f32 v3, v7;
	v6 =	vbroadcast v1, $0xE  }
0x1c7: {  	v7 =	vld [tilespmem:s13+$0xFFFFFF80]  }
0x1c8: {  	v1 =	vbroadcast v1, $0xF;
	v3 =	vadd.f32 v3, v5;
	v2 =	vmul.f32 v2, v6  }
0x1c9: {  	v5 =	vld [tilespmem:s13+$0xFFFFFF90]  }
0x1ca: {  	v1 =	vmul.f32 v4, v1;
	v6 =	vbroadcast v8, $0x0;
	v2 =	vadd.f32 v2, v3  }
0x1cb: {  	v3 =	vld [tilespmem:s13+$0xFFFFFFA0]  }
0x1cc: {  	v4 =	vmul.f32 v7, v6;
	v6 =	vbroadcast v8, $0x1;
	v1 =	vadd.f32 v1, v2  }
0x1cd: {  	v2 =	vld [tilespmem:s13+$0xFFFFFFB0]  }
0x1ce: {  	v1 =	vadd.f32 v4, v1;
	v4 =	vmul.f32 v5, v6;
	v5 =	vbroadcast v8, $0x2  }
0x1cf: {  	v6 =	vld [tilespmem:s13+$0xFFFFFFC0]  }
0x1d0: {  	v1 =	vadd.f32 v4, v1;
	v3 =	vmul.f32 v3, v5;
	v4 =	vbroadcast v8, $0x3  }
0x1d1: {  	v5 =	vld [tilespmem:s13+$0xFFFFFFD0]  }
0x1d2: {  	v1 =	vadd.f32 v3, v1;
	v2 =	vmul.f32 v2, v4;
	v3 =	vbroadcast v8, $0x4  }
0x1d3: {  	v4 =	vld [tilespmem:s13+$0xFFFFFFE0]  }
0x1d4: {  	v1 =	vadd.f32 v2, v1;
	v2 =	vmul.f32 v6, v3;
	v3 =	vbroadcast v8, $0x5  }
0x1d5: {  	v6 =	vld [tilespmem:s13+$0xFFFFFFF0]  }
0x1d6: {  	v1 =	vadd.f32 v2, v1;
	v2 =	vmul.f32 v5, v3;
	v3 =	vbroadcast v8, $0x6  }
0x1d7: {  	v5 =	vld [tilespmem:s13+$0x0]  }
0x1d8: {  	v1 =	vadd.f32 v2, v1;
	v2 =	vmul.f32 v4, v3;
	v3 =	vbroadcast v8, $0x7  }
0x1d9: {  	v4 =	vld [tilespmem:s13+$0x10]  }
0x1da: {  	v1 =	vadd.f32 v2, v1;
	v2 =	vmul.f32 v6, v3;
	v3 =	vbroadcast v8, $0x8  }
0x1db: {  	v6 =	vld [tilespmem:s13+$0x20]  }
0x1dc: {  	v1 =	vadd.f32 v2, v1;
	v2 =	vmul.f32 v5, v3;
	v3 =	vbroadcast v8, $0x9  }
0x1dd: {  	v5 =	vld [tilespmem:s13+$0x30]  }
0x1de: {  	v1 =	vadd.f32 v2, v1;
	v2 =	vmul.f32 v4, v3;
	v3 =	vbroadcast v8, $0xA  }
0x1df: {  	v4 =	vld [tilespmem:s13+$0x40]  }
0x1e0: {  	v1 =	vadd.f32 v2, v1;
	v2 =	vmul.f32 v6, v3;
	v3 =	vbroadcast v8, $0xB  }
0x1e1: {  	v6 =	vld [tilespmem:s13+$0x50]  }
0x1e2: {  	v1 =	vadd.f32 v2, v1;
	v2 =	vmul.f32 v5, v3;
	v3 =	vbroadcast v8, $0xC  }
0x1e3: {  	v5 =	vld [tilespmem:s13+$0x60]  }
0x1e4: {  	v1 =	vadd.f32 v2, v1;
	v2 =	vmul.f32 v4, v3;
	v3 =	vbroadcast v8, $0xD  }
0x1e5: {  	v4 =	vld [tilespmem:s13+$0x70]  }
0x1e6: {  	v1 =	vadd.f32 v2, v1;
	v2 =	vmul.f32 v6, v3;
	v3 =	vbroadcast v8, $0xE;
	_ =	sdelay $0x1  }
0x1e7: {  	v1 =	vadd.f32 v2, v1;
	v2 =	vmul.f32 v5, v3;
	v3 =	vbroadcast v8, $0xF;
	_ =	sdelay $0x1  }
0x1e8: {  	v1 =	vadd.f32 v2, v1;
	v2 =	vmul.f32 v4, v3;
	_ =	sdelay $0x1  }
0x1e9: {  	v1 =	vadd.f32 v2, v1;
	_ =	sdelay $0x1  }
0x1ea: {  	[tilespmem:$0x5100] =	vst v1  }
0x1eb: {  	[tilespmem:$0x5110] =	vst v1  }
0x1ec: {  	v2 =	vld [tilespmem:$0x5101];
	_ =	sdelay $0x4  }
0x1ed: {  	v2 =	vmax.f32 v1, v2  }
0x1ee: {  	[tilespmem:$0x5100] =	vst v2  }
0x1ef: {  	[tilespmem:$0x5110] =	vst v2  }
0x1f0: {  	v3 =	vld [tilespmem:$0x5102];
	_ =	sdelay $0x4  }
0x1f1: {  	v2 =	vmax.f32 v2, v3  }
0x1f2: {  	[tilespmem:$0x5100] =	vst v2  }
0x1f3: {  	[tilespmem:$0x5110] =	vst v2  }
0x1f4: {  	v3 =	vld [tilespmem:$0x5104];
	_ =	sdelay $0x4  }
0x1f5: {  	v2 =	vmax.f32 v2, v3  }
0x1f6: {  	[tilespmem:$0x5100] =	vst v2  }
0x1f7: {  	[tilespmem:$0x5110] =	vst v2  }
0x1f8: {  	v3 =	vld [tilespmem:$0x5108];
	_ =	sdelay $0x4  }
0x1f9: {  	v2 =	vmax.f32 v2, v3  }
0x1fa: {  	vm0 =	veq.f32 v1, v2  }
0x1fb: {  	v3 =	vnsel vm0, $0x42C60000, v0  }
0x1fc: {  	[tilespmem:$0x5100] =	vst v3  }
0x1fd: {  	[tilespmem:$0x5110] =	vst v3  }
0x1fe: {  	v4 =	vld [tilespmem:$0x5101];
	_ =	sdelay $0x4  }
0x1ff: {  	v3 =	vmin.f32 v3, v4  }
0x200: {  	[tilespmem:$0x5100] =	vst v3  }
0x201: {  	[tilespmem:$0x5110] =	vst v3  }
0x202: {  	v4 =	vld [tilespmem:$0x5102];
	_ =	sdelay $0x4  }
0x203: {  	v3 =	vmin.f32 v3, v4  }
0x204: {  	[tilespmem:$0x5100] =	vst v3  }
0x205: {  	[tilespmem:$0x5110] =	vst v3  }
0x206: {  	v4 =	vld [tilespmem:$0x5104];
	_ =	sdelay $0x4  }
0x207: {  	v3 =	vmin.f32 v3, v4  }
0x208: {  	[tilespmem:$0x5100] =	vst v3  }
0x209: {  	[tilespmem:$0x5110] =	vst v3  }
0x20a: {  	v4 =	vld [tilespmem:$0x5108];
	_ =	sdelay $0x4  }
0x20b: {  	v3 =	vmin.f32 v3, v4  }
0x20c: {  	vm14 =	veq.f32 v3, v0  }
0x20d: {  	v1 =	vsel vm14, $0xF149F2CA, v1  }
0x20e: {  	[tilespmem:$0x5100] =	vst v1  }
0x20f: {  	[tilespmem:$0x5110] =	vst v1  }
0x210: {  	v3 =	vld [tilespmem:$0x5101];
	_ =	sdelay $0x4  }
0x211: {  	v3 =	vmax.f32 v1, v3  }
0x212: {  	[tilespmem:$0x5100] =	vst v3  }
0x213: {  	[tilespmem:$0x5110] =	vst v3  }
0x214: {  	v4 =	vld [tilespmem:$0x5102];
	_ =	sdelay $0x4  }
0x215: {  	v3 =	vmax.f32 v3, v4  }
0x216: {  	[tilespmem:$0x5100] =	vst v3  }
0x217: {  	[tilespmem:$0x5110] =	vst v3  }
0x218: {  	v4 =	vld [tilespmem:$0x5104];
	_ =	sdelay $0x4  }
0x219: {  	v3 =	vmax.f32 v3, v4  }
0x21a: {  	[tilespmem:$0x5100] =	vst v3  }
0x21b: {  	[tilespmem:$0x5110] =	vst v3  }
0x21c: {  	v4 =	vld [tilespmem:$0x5108];
	_ =	sdelay $0x4  }
0x21d: {  	v3 =	vmax.f32 v3, v4  }
0x21e: {  	vm1 =	veq.f32 v1, v3  }
0x21f: {  	v1 =	vnsel vm1, $0x42C60000, v0  }
0x220: {  	[tilespmem:$0x5100] =	vst v1  }
0x221: {  	[tilespmem:$0x5110] =	vst v1  }
0x222: {  	v4 =	vld [tilespmem:$0x5101];
	_ =	sdelay $0x2  }
0x223: {  	v2 =	vsub.f32 v3, v2;
	_ =	sdelay $0x1  }
0x224: {  	v2 =	vmul.f32 $1.442695020e+00, v2;
	v1 =	vmin.f32 v1, v4  }
0x225: {  	[tilespmem:$0x5100] =	vst v1  }
0x226: {  	(erf) = vpow2.f32 v2;
	[tilespmem:$0x5110] =	vst v1  }
0x227: {  	v2 =	vld [tilespmem:$0x5102];
	_ =	sdelay $0x4  }
0x228: {  	v1 =	vmin.f32 v1, v2  }
0x229: {  	[tilespmem:$0x5100] =	vst v1  }
0x22a: {  	[tilespmem:$0x5110] =	vst v1  }
0x22b: {  	v3 =	vpop (erf);
	v2 =	vld [tilespmem:$0x5104]  }
0x22c: {  	v4 =	vadd.f32 $1.000000000e+00, v3;
	_ =	sdelay $0x1  }
0x22d: {  	(erf) = vrcp.f32 v4;
	_ =	sdelay $0x1  }
0x22e: {  	v1 =	vmin.f32 v1, v2  }
0x22f: {  	[tilespmem:$0x5100] =	vst v1  }
0x230: {  	[tilespmem:$0x5110] =	vst v1  }
0x231: {  	v2 =	vld [tilespmem:$0x5108];
	_ =	sdelay $0x3  }
0x232: {  	v4 =	vpop (erf)  }
0x233: {  	v1 =	vmin.f32 v1, v2;
	v2 =	vmul.f32 v4, v3  }
0x234: {  	vm15 =	veq.f32 v1, v0  }
0x235: {  	v1 =	vnsel vm14, $0x0, v4;
	v2 =	vnsel vm15, $0x0, v2  }
0x236: {  	v1 =	vadd.f32 v2, v1  }
0x237: {  	s31 =	simm.s32 $0x0  }
0x238: {  	s13 =	sand.u32 $0x3F0, s31;
	[tilespmem:$0x50A0] =	vst v1  }
0x239: {  	v1 =	vld [tilespmem:s13+$0xC00]  }
0x23a: {  	s13 =	simm.s32 $0x1080  }
0x23b: {  	v2 =	vld [tilespmem:s13+$0xFFFFFF80]  }
0x23c: {  	v3 =	vld [tilespmem:$0x5000]  }
0x23d: {  	v4 =	vld [tilespmem:s13+$0xFFFFFF90]  }
0x23e: {  	v5 =	vbroadcast v1, $0x0  }
0x23f: {  	v6 =	vld [tilespmem:s13+$0xFFFFFFA0]  }
0x240: {  	v2 =	vmul.f32 v2, v5;
	v5 =	vbroadcast v1, $0x1  }
0x241: {  	v7 =	vld [tilespmem:s13+$0xFFFFFFB0]  }
0x242: {  	v2 =	vadd.f32 v2, v3;
	v3 =	vmul.f32 v4, v5;
	v4 =	vbroadcast v1, $0x2  }
0x243: {  	v5 =	vld [tilespmem:s13+$0xFFFFFFC0]  }
0x244: {  	v2 =	vadd.f32 v3, v2;
	v3 =	vmul.f32 v6, v4;
	v4 =	vbroadcast v1, $0x3  }
0x245: {  	v6 =	vld [tilespmem:s13+$0xFFFFFFD0]  }
0x246: {  	v2 =	vadd.f32 v3, v2;
	v3 =	vmul.f32 v7, v4;
	v4 =	vbroadcast v1, $0x4  }
0x247: {  	v7 =	vld [tilespmem:s13+$0xFFFFFFE0]  }
0x248: {  	v2 =	vadd.f32 v3, v2;
	v3 =	vmul.f32 v5, v4;
	v4 =	vbroadcast v1, $0x5  }
0x249: {  	v5 =	vld [tilespmem:s13+$0xFFFFFFF0]  }
0x24a: {  	v2 =	vadd.f32 v3, v2;
	v3 =	vmul.f32 v6, v4;
	v4 =	vbroadcast v1, $0x6  }
0x24b: {  	v6 =	vld [tilespmem:s13+$0x0]  }
0x24c: {  	v2 =	vadd.f32 v3, v2;
	v3 =	vmul.f32 v7, v4;
	v4 =	vbroadcast v1, $0x7  }
0x24d: {  	v7 =	vld [tilespmem:s13+$0x10]  }
0x24e: {  	v2 =	vadd.f32 v3, v2;
	v3 =	vmul.f32 v5, v4;
	v4 =	vbroadcast v1, $0x8  }
0x24f: {  	v5 =	vld [tilespmem:s13+$0x20]  }
0x250: {  	v2 =	vadd.f32 v3, v2;
	v3 =	vmul.f32 v6, v4;
	v4 =	vbroadcast v1, $0x9  }
0x251: {  	v6 =	vld [tilespmem:s13+$0x30]  }
0x252: {  	v2 =	vadd.f32 v3, v2;
	v3 =	vmul.f32 v7, v4;
	v4 =	vbroadcast v1, $0xA  }
0x253: {  	v7 =	vld [tilespmem:s13+$0x40]  }
0x254: {  	v2 =	vadd.f32 v3, v2;
	v4 =	vmul.f32 v5, v4;
	v5 =	vbroadcast v1, $0xB  }
0x255: {  	v3 =	vld [tilespmem:s13+$0x50]  }
0x256: {  	v4 =	vadd.f32 v4, v2;
	v5 =	vmul.f32 v6, v5;
	v6 =	vbroadcast v1, $0xC  }
0x257: {  	s14 =	simm.s32 $0x10;
	v2 =	vld [tilespmem:s13+$0x60]  }
0x258: {  	s15 =	sand.u32 $0x3F0, s14;
	s14 =	simm.s32 $0x20;
	v5 =	vadd.f32 v5, v4;
	v6 =	vmul.f32 v7, v6;
	v7 =	vbroadcast v1, $0xD;
	v4 =	vld [tilespmem:s13+$0x70]  }
.LBB2_8:
0x259: {  	p0 =	sne.s32 s14, $0x3F0;
	v8 =	vld [tilespmem:s15+$0xC00]  }
0x25a: {  	s13 =	sadd.s32 $0x100, s13;
	v5 =	vadd.f32 v6, v5;
	v3 =	vmul.f32 v3, v7;
	v6 =	vbroadcast v1, $0xE  }
0x25b: {  	v7 =	vld [tilespmem:s13+$0xFFFFFF80]  }
0x25c: {  	v9 =	vbroadcast v1, $0xF;
	v3 =	vadd.f32 v3, v5;
	v2 =	vmul.f32 v2, v6  }
0x25d: {  	v5 =	vld [tilespmem:s13+$0xFFFFFF90]  }
0x25e: {  	v6 =	vbroadcast v8, $0x0;
	v2 =	vadd.f32 v2, v3;
	v3 =	vmul.f32 v4, v9;
	v1 =	vmovc v8  }
0x25f: {  	v4 =	vld [tilespmem:s13+$0xFFFFFFA0]  }
0x260: {  	v6 =	vmul.f32 v7, v6;
	v7 =	vbroadcast v1, $0x1;
	v2 =	vadd.f32 v3, v2  }
0x261: {  	v3 =	vld [tilespmem:s13+$0xFFFFFFB0]  }
0x262: {  	v2 =	vadd.f32 v6, v2;
	v5 =	vmul.f32 v5, v7;
	v6 =	vbroadcast v1, $0x2  }
0x263: {  	v7 =	vld [tilespmem:s13+$0xFFFFFFC0]  }
0x264: {  	v2 =	vadd.f32 v5, v2;
	v4 =	vmul.f32 v4, v6;
	v5 =	vbroadcast v1, $0x3  }
0x265: {  	v6 =	vld [tilespmem:s13+$0xFFFFFFD0]  }
0x266: {  	v2 =	vadd.f32 v4, v2;
	v3 =	vmul.f32 v3, v5;
	v4 =	vbroadcast v1, $0x4  }
0x267: {  	v5 =	vld [tilespmem:s13+$0xFFFFFFE0]  }
0x268: {  	v2 =	vadd.f32 v3, v2;
	v3 =	vmul.f32 v7, v4;
	v4 =	vbroadcast v1, $0x5  }
0x269: {  	v7 =	vld [tilespmem:s13+$0xFFFFFFF0]  }
0x26a: {  	v2 =	vadd.f32 v3, v2;
	v3 =	vmul.f32 v6, v4;
	v4 =	vbroadcast v1, $0x6  }
0x26b: {  	v6 =	vld [tilespmem:s13+$0x0]  }
0x26c: {  	v2 =	vadd.f32 v3, v2;
	v3 =	vmul.f32 v5, v4;
	v4 =	vbroadcast v1, $0x7  }
0x26d: {  	v5 =	vld [tilespmem:s13+$0x10]  }
0x26e: {  	v2 =	vadd.f32 v3, v2;
	v3 =	vmul.f32 v7, v4;
	v4 =	vbroadcast v1, $0x8  }
0x26f: {  	v7 =	vld [tilespmem:s13+$0x20]  }
0x270: {  	v2 =	vadd.f32 v3, v2;
	v3 =	vmul.f32 v6, v4;
	v4 =	vbroadcast v1, $0x9  }
0x271: {  	v6 =	vld [tilespmem:s13+$0x30]  }
0x272: {  	v2 =	vadd.f32 v3, v2;
	v3 =	vmul.f32 v5, v4;
	v4 =	vbroadcast v1, $0xA  }
0x273: {  	v8 =	vld [tilespmem:s13+$0x40]  }
.Ltmp3:
0x274: {  	v5 =	vbroadcast v1, $0xB;
	v2 =	vadd.f32 v3, v2;
	v4 =	vmul.f32 v7, v4;
	(pc) =	sbr.rel @p0 .LBB2_8-.Ltmp3, $4  }
0x275: {  	v3 =	vld [tilespmem:s13+$0x50]  }
0x276: {  	v4 =	vadd.f32 v4, v2;
	v5 =	vmul.f32 v6, v5;
	v6 =	vbroadcast v1, $0xC  }
0x277: {  	v2 =	vld [tilespmem:s13+$0x60]  }
0x278: {  	s15 =	sand.u32 $0x3F0, s14;
	s14 =	sadd.s32 $0x10, s14;
	v7 =	vbroadcast v1, $0xD;
	v5 =	vadd.f32 v5, v4;
	v6 =	vmul.f32 v8, v6;
	v4 =	vld [tilespmem:s13+$0x70]  }
0x279: {  	v8 =	vld [tilespmem:s15+$0xC00]  }
0x27a: {  	v34 =	vbroadcast v1, $0xE;
	s13 =	sadd.s32 $0x100, s13;
	v5 =	vadd.f32 v6, v5;
	v3 =	vmul.f32 v3, v7  }
0x27b: {  	v35 =	vld [tilespmem:s13+$0xFFFFFF80]  }
0x27c: {  	v1 =	vbroadcast v1, $0xF;
	v3 =	vadd.f32 v3, v5;
	v2 =	vmul.f32 v2, v34  }
0x27d: {  	v36 =	vld [tilespmem:s13+$0xFFFFFF90]  }
0x27e: {  	v1 =	vmul.f32 v4, v1;
	v37 =	vbroadcast v8, $0x0;
	v2 =	vadd.f32 v2, v3  }
0x27f: {  	v3 =	vld [tilespmem:s13+$0xFFFFFFA0]  }
0x280: {  	v39 =	vbroadcast v8, $0x1;
	v38 =	vmul.f32 v35, v37;
	v1 =	vadd.f32 v1, v2  }
0x281: {  	v2 =	vld [tilespmem:s13+$0xFFFFFFB0]  }
0x282: {  	v41 =	vbroadcast v8, $0x2;
	v40 =	vmul.f32 v36, v39;
	v1 =	vadd.f32 v38, v1  }
0x283: {  	v42 =	vld [tilespmem:s13+$0xFFFFFFC0]  }
0x284: {  	v43 =	vbroadcast v8, $0x3;
	v3 =	vmul.f32 v3, v41;
	v1 =	vadd.f32 v40, v1  }
0x285: {  	v44 =	vld [tilespmem:s13+$0xFFFFFFD0]  }
0x286: {  	v2 =	vmul.f32 v2, v43;
	v1 =	vadd.f32 v3, v1;
	v3 =	vbroadcast v8, $0x4  }
0x287: {  	v45 =	vld [tilespmem:s13+$0xFFFFFFE0]  }
0x288: {  	v1 =	vadd.f32 v2, v1;
	v2 =	vmul.f32 v42, v3;
	v3 =	vbroadcast v8, $0x5  }
0x289: {  	v46 =	vld [tilespmem:s13+$0xFFFFFFF0]  }
0x28a: {  	v1 =	vadd.f32 v2, v1;
	v2 =	vmul.f32 v44, v3;
	v3 =	vbroadcast v8, $0x6  }
0x28b: {  	v47 =	vld [tilespmem:s13+$0x0]  }
0x28c: {  	v1 =	vadd.f32 v2, v1;
	v2 =	vmul.f32 v45, v3;
	v3 =	vbroadcast v8, $0x7  }
0x28d: {  	v48 =	vld [tilespmem:s13+$0x10]  }
0x28e: {  	v1 =	vadd.f32 v2, v1;
	v2 =	vmul.f32 v46, v3;
	v3 =	vbroadcast v8, $0x8  }
0x28f: {  	v49 =	vld [tilespmem:s13+$0x20]  }
0x290: {  	v1 =	vadd.f32 v2, v1;
	v2 =	vmul.f32 v47, v3;
	v3 =	vbroadcast v8, $0x9  }
0x291: {  	v50 =	vld [tilespmem:s13+$0x30]  }
0x292: {  	v1 =	vadd.f32 v2, v1;
	v2 =	vmul.f32 v48, v3;
	v3 =	vbroadcast v8, $0xA  }
0x293: {  	v51 =	vld [tilespmem:s13+$0x40]  }
0x294: {  	v1 =	vadd.f32 v2, v1;
	v2 =	vmul.f32 v49, v3;
	v3 =	vbroadcast v8, $0xB  }
0x295: {  	v52 =	vld [tilespmem:s13+$0x50]  }
0x296: {  	v1 =	vadd.f32 v2, v1;
	v2 =	vmul.f32 v50, v3;
	v3 =	vbroadcast v8, $0xC  }
0x297: {  	v53 =	vld [tilespmem:s13+$0x60]  }
0x298: {  	v1 =	vadd.f32 v2, v1;
	v2 =	vmul.f32 v51, v3;
	v3 =	vbroadcast v8, $0xD  }
0x299: {  	v54 =	vld [tilespmem:s13+$0x70]  }
0x29a: {  	v1 =	vadd.f32 v2, v1;
	v2 =	vmul.f32 v52, v3;
	v3 =	vbroadcast v8, $0xE;
	_ =	sdelay $0x1  }
0x29b: {  	v1 =	vadd.f32 v2, v1;
	v2 =	vmul.f32 v53, v3;
	v3 =	vbroadcast v8, $0xF;
	_ =	sdelay $0x1  }
0x29c: {  	v1 =	vadd.f32 v2, v1;
	v2 =	vmul.f32 v54, v3;
	_ =	sdelay $0x1  }
0x29d: {  	v1 =	vadd.f32 v2, v1;
	_ =	sdelay $0x1  }
0x29e: {  	[tilespmem:$0x5100] =	vst v1  }
0x29f: {  	[tilespmem:$0x5110] =	vst v1  }
0x2a0: {  	v2 =	vld [tilespmem:$0x5101];
	_ =	sdelay $0x4  }
0x2a1: {  	v2 =	vmax.f32 v1, v2  }
0x2a2: {  	[tilespmem:$0x5100] =	vst v2  }
0x2a3: {  	[tilespmem:$0x5110] =	vst v2  }
0x2a4: {  	v3 =	vld [tilespmem:$0x5102];
	_ =	sdelay $0x4  }
0x2a5: {  	v2 =	vmax.f32 v2, v3  }
0x2a6: {  	[tilespmem:$0x5100] =	vst v2  }
0x2a7: {  	[tilespmem:$0x5110] =	vst v2  }
0x2a8: {  	v3 =	vld [tilespmem:$0x5104];
	_ =	sdelay $0x4  }
0x2a9: {  	v2 =	vmax.f32 v2, v3  }
0x2aa: {  	[tilespmem:$0x5100] =	vst v2  }
0x2ab: {  	[tilespmem:$0x5110] =	vst v2  }
0x2ac: {  	v3 =	vld [tilespmem:$0x5108];
	_ =	sdelay $0x4  }
0x2ad: {  	v2 =	vmax.f32 v2, v3  }
0x2ae: {  	vm0 =	veq.f32 v1, v2  }
0x2af: {  	v3 =	vnsel vm0, $0x42C60000, v0  }
0x2b0: {  	[tilespmem:$0x5100] =	vst v3  }
0x2b1: {  	[tilespmem:$0x5110] =	vst v3  }
0x2b2: {  	v55 =	vld [tilespmem:$0x5101];
	_ =	sdelay $0x4  }
0x2b3: {  	v3 =	vmin.f32 v3, v55  }
0x2b4: {  	[tilespmem:$0x5100] =	vst v3  }
0x2b5: {  	[tilespmem:$0x5110] =	vst v3  }
0x2b6: {  	v56 =	vld [tilespmem:$0x5102];
	_ =	sdelay $0x4  }
0x2b7: {  	v3 =	vmin.f32 v3, v56  }
0x2b8: {  	[tilespmem:$0x5100] =	vst v3  }
0x2b9: {  	[tilespmem:$0x5110] =	vst v3  }
0x2ba: {  	v57 =	vld [tilespmem:$0x5104];
	_ =	sdelay $0x4  }
0x2bb: {  	v3 =	vmin.f32 v3, v57  }
0x2bc: {  	[tilespmem:$0x5100] =	vst v3  }
0x2bd: {  	[tilespmem:$0x5110] =	vst v3  }
0x2be: {  	v58 =	vld [tilespmem:$0x5108];
	_ =	sdelay $0x4  }
0x2bf: {  	v3 =	vmin.f32 v3, v58  }
0x2c0: {  	vm14 =	veq.f32 v3, v0  }
0x2c1: {  	v1 =	vsel vm14, $0xF149F2CA, v1  }
0x2c2: {  	[tilespmem:$0x5100] =	vst v1  }
0x2c3: {  	[tilespmem:$0x5110] =	vst v1  }
0x2c4: {  	v3 =	vld [tilespmem:$0x5101];
	_ =	sdelay $0x4  }
0x2c5: {  	v3 =	vmax.f32 v1, v3  }
0x2c6: {  	[tilespmem:$0x5100] =	vst v3  }
0x2c7: {  	[tilespmem:$0x5110] =	vst v3  }
0x2c8: {  	v59 =	vld [tilespmem:$0x5102];
	_ =	sdelay $0x4  }
0x2c9: {  	v3 =	vmax.f32 v3, v59  }
0x2ca: {  	[tilespmem:$0x5100] =	vst v3  }
0x2cb: {  	[tilespmem:$0x5110] =	vst v3  }
0x2cc: {  	v60 =	vld [tilespmem:$0x5104];
	_ =	sdelay $0x4  }
0x2cd: {  	v3 =	vmax.f32 v3, v60  }
0x2ce: {  	[tilespmem:$0x5100] =	vst v3  }
0x2cf: {  	[tilespmem:$0x5110] =	vst v3  }
0x2d0: {  	v61 =	vld [tilespmem:$0x5108];
	_ =	sdelay $0x4  }
0x2d1: {  	v3 =	vmax.f32 v3, v61  }
0x2d2: {  	vm1 =	veq.f32 v1, v3  }
0x2d3: {  	v1 =	vnsel vm1, $0x42C60000, v0  }
0x2d4: {  	[tilespmem:$0x5100] =	vst v1  }
0x2d5: {  	[tilespmem:$0x5110] =	vst v1  }
0x2d6: {  	v62 =	vld [tilespmem:$0x5101];
	_ =	sdelay $0x2  }
0x2d7: {  	v2 =	vsub.f32 v3, v2;
	_ =	sdelay $0x1  }
0x2d8: {  	v2 =	vmul.f32 $1.442695020e+00, v2;
	v1 =	vmin.f32 v1, v62  }
0x2d9: {  	[tilespmem:$0x5100] =	vst v1  }
0x2da: {  	(erf) = vpow2.f32 v2;
	[tilespmem:$0x5110] =	vst v1  }
0x2db: {  	v2 =	vld [tilespmem:$0x5102];
	_ =	sdelay $0x4  }
0x2dc: {  	v1 =	vmin.f32 v1, v2  }
0x2dd: {  	[tilespmem:$0x5100] =	vst v1  }
0x2de: {  	[tilespmem:$0x5110] =	vst v1  }
0x2df: {  	v3 =	vpop (erf);
	v2 =	vld [tilespmem:$0x5104]  }
0x2e0: {  	v63 =	vadd.f32 $1.000000000e+00, v3;
	_ =	sdelay $0x1  }
0x2e1: {  	(erf) = vrcp.f32 v63;
	_ =	sdelay $0x1  }
0x2e2: {  	v1 =	vmin.f32 v1, v2  }
0x2e3: {  	[tilespmem:$0x5100] =	vst v1  }
0x2e4: {  	[tilespmem:$0x5110] =	vst v1  }
0x2e5: {  	v2 =	vld [tilespmem:$0x5108];
	_ =	sdelay $0x3  }
0x2e6: {  	v4 =	vpop (erf)  }
0x2e7: {  	v1 =	vmin.f32 v1, v2;
	v2 =	vmul.f32 v4, v3  }
0x2e8: {  	vm15 =	veq.f32 v1, v0  }
0x2e9: {  	v1 =	vnsel vm14, $0x0, v4;
	v2 =	vnsel vm15, $0x0, v2  }
0x2ea: {  	s12 =	sadd.s32 $0x1, s12;
	v1 =	vadd.f32 v2, v1  }
0x2eb: {  	p0 =	sne.s32 s12, s7  }
.Ltmp4:
0x2ec: {  	[tilespmem:$0x50B0] =	vst v1;
	(pc) =	sbr.rel @p0 .LBB2_1-.Ltmp4, $4  }
0x2ed: {  	[hbm4b:s6+s2] =	stream.linear.scatter [tilespmem:s11], [sflag:$0x1], $0x40, $0x38;
	[tilespmem:$0x5180] =	vst v63  }
0x2ee: {  	_ =	swait.ge [sflag:s8], $0x40  }
0x2ef: {  	[sflag:s8] =	ssyncset.done $0x0  }
0x2f0: {  	[sflag:s8] =	ssyncadd.s32 $0xFFFFFFC0  }
0x2f1: {  	_ =	sfence.sel $0x180000  }
0x2f2: {  	[bflag:$0x0] =	sbarrier.arrive $0xFFFF  }
0x2f3: {  	p0 =	sne.s32 s3, $0x0;
	_ =	strace $0x90000047  }
0x2f4: {  	s0 =	sadd.s32 @!p0 $0x100000, s0;
	[bflag:$0x2] =	sbarrier.arrive $0xFFFF  }
0x2f5: {  	[sflag:s0] =	ssyncadd.tile.s32 @!p0 $0x1;
	_ =	shalt  }
.Lfunc_end2:
_tile_overlayer_lowered:
.L_overlay_start_2:
0x2f6: {  	(tag) =	ssettag $0x2  }
0x2f7: {  	s0 =	rddreg [dreg:$0x0];
	s2 =	stileid.u32  }
0x2f8: {  	s1 =	rddreg [dreg:$0x1];
	p0 =	sne.s32 s2, $0x0  }
0x2f9: {  	s3 =	rddreg [dreg:$0x2];
	[bflag:$0x3] =	sbarrier.arrive $0xFFFF;
	s2 =	simm.s32 @!p0 $0x1C01  }
0x2fa: {  	[timem:s3], [sflag:s2] =	dma.local @!p0 [hbm:s0], s1  }
0x2fb: {  	s0 =	simm.s32 @!p0 $0x1  }
0x2fc: {  	_ =	swait.ge @!p0 [sflag:s0], s1  }
0x2fd: {  	s1 =	ssub.s32 @!p0 $0x0, s1;
	[sflag:s0] =	ssyncset.done @!p0 $0x0  }
0x2fe: {  	[sflag:s0] =	ssyncadd.s32 @!p0 s1  }
0x2ff: {  	[bflag:$0x3] =	sbarrier.arrive $0xFFFF  }
0x300: {  	_ =	shalt  }

</sc_bundles>
